<compile_context>
chip_gen: v7x
topology: tpu7x:2x2x1
jax: 0.10.2.dev20260603
libtpu: 0.0.44.dev20260713+nightly
codegen_flags: <defaults>
</compile_context>

<pallas_src>
import functools

import jax
import jax.numpy as jnp
from jax import lax
from jax.experimental import pallas as pl
from jax.experimental.pallas import tpu as pltpu
from jax.experimental.pallas import tpu_sc as plsc

ATOM_DIM = 16
N_NODES = 10000
N_EDGES = 320000

GATHER_WIN = 125
STREAM_BATCH = 8
EDGE_BLOCK = 8000
NUM_SUBCORES = 16
ROWS_PER_SUBCORE = N_NODES // NUM_SUBCORES


def _vector_mesh():
    return plsc.VectorSubcoreMesh(core_axis_name="core", subcore_axis_name="subcore")


def _gather_rows(table, idx_rows):
    n = idx_rows.shape[0] * GATHER_WIN

    @functools.partial(
        pl.kernel,
        out_type=jax.ShapeDtypeStruct((n, ATOM_DIM), jnp.float32),
        mesh=_vector_mesh(),
        compiler_params=pltpu.CompilerParams(use_tc_tiling_on_sc=False),
        scratch_types=[pltpu.SemaphoreType.DMA],
    )
    def gather_kernel(table_hbm, idx_hbm, out_hbm, sem):
        def body(i_vmem, o_vmem):
            cps = [
                pltpu.async_copy(
                    table_hbm.at[i_vmem.at[j]],
                    o_vmem.at[pl.ds(j * GATHER_WIN, GATHER_WIN), :],
                    sem,
                )
                for j in range(STREAM_BATCH)
            ]
            for cp in cps:
                cp.wait()

        pltpu.emit_pipeline(
            body,
            grid=(n // (GATHER_WIN * STREAM_BATCH),),
            in_specs=[pl.BlockSpec((STREAM_BATCH, GATHER_WIN), lambda i: (i, 0))],
            out_specs=[
                pl.BlockSpec((STREAM_BATCH * GATHER_WIN, ATOM_DIM), lambda i: (i, 0))
            ],
            core_axis_name=("core", "subcore"),
            dimension_semantics=(pltpu.PARALLEL,),
        )(idx_hbm, out_hbm)

    return gather_kernel(table, idx_rows)


PACK = 8
PACKED_BLOCK = EDGE_BLOCK // PACK


def _edge_transform_body(bond_ref, src_ref, w_ref, t_ref, s_ref, b_ref, out_ref):
    bond = bond_ref[...]
    src = src_ref[...]
    bf = jnp.dot(bond, w_ref[...], preferred_element_type=jnp.float32) + b_ref[...]
    src_t = jnp.dot(src, t_ref[...], preferred_element_type=jnp.float32)
    out_ref[...] = jnp.dot(bf * src_t, s_ref[...], preferred_element_type=jnp.float32)


def _edge_transform(bond_p, src_p, w_big, t_big, s_big, bias_big):
    ep = bond_p.shape[0]
    dp = PACK * ATOM_DIM
    d2p = PACK * ATOM_DIM * ATOM_DIM
    return pl.pallas_call(
        _edge_transform_body,
        grid=(ep // PACKED_BLOCK,),
        in_specs=[
            pl.BlockSpec((PACKED_BLOCK, dp), lambda i: (i, 0)),
            pl.BlockSpec((PACKED_BLOCK, dp), lambda i: (i, 0)),
            pl.BlockSpec((dp, d2p), lambda i: (0, 0)),
            pl.BlockSpec((dp, d2p), lambda i: (0, 0)),
            pl.BlockSpec((d2p, dp), lambda i: (0, 0)),
            pl.BlockSpec((1, d2p), lambda i: (0, 0)),
        ],
        out_specs=pl.BlockSpec((PACKED_BLOCK, dp), lambda i: (i, 0)),
        out_shape=jax.ShapeDtypeStruct((ep, dp), jnp.float32),
    )(bond_p, src_p, w_big, t_big, s_big, bias_big)


def _scatter_add(values, idx_rows):
    n = idx_rows.shape[0] * GATHER_WIN

    @functools.partial(
        pl.kernel,
        out_type=jax.ShapeDtypeStruct((2, N_NODES, ATOM_DIM), jnp.float32),
        mesh=_vector_mesh(),
        compiler_params=pltpu.CompilerParams(use_tc_tiling_on_sc=False),
        scratch_types=[
            pltpu.VMEM_SHARED((N_NODES, ATOM_DIM), jnp.float32),
            pltpu.VMEM((ROWS_PER_SUBCORE, ATOM_DIM), jnp.float32),
            pltpu.SemaphoreType.DMA,
        ],
    )
    def scatter_kernel(val_hbm, idx_hbm, out_hbm, acc_shared, zero_vmem, sem):
        core = lax.axis_index("core")
        sub = lax.axis_index("subcore")

        @pl.loop(0, ROWS_PER_SUBCORE)
        def _(i):
            zero_vmem[i, :] = jnp.zeros((ATOM_DIM,), jnp.float32)

        row0 = sub * ROWS_PER_SUBCORE
        pltpu.sync_copy(
            zero_vmem, acc_shared.at[pl.ds(row0, ROWS_PER_SUBCORE), :]
        )
        plsc.subcore_barrier()

        def body(v_vmem, i_vmem):
            cps = [
                pltpu.async_copy(
                    v_vmem.at[pl.ds(j * GATHER_WIN, GATHER_WIN), :],
                    acc_shared.at[i_vmem.at[j]],
                    sem,
                    add=True,
                )
                for j in range(STREAM_BATCH)
            ]
            for cp in cps:
                cp.wait()

        pltpu.emit_pipeline(
            body,
            grid=(n // (GATHER_WIN * STREAM_BATCH),),
            in_specs=[
                pl.BlockSpec((STREAM_BATCH * GATHER_WIN, ATOM_DIM), lambda i: (i, 0)),
                pl.BlockSpec((STREAM_BATCH, GATHER_WIN), lambda i: (i, 0)),
            ],
            core_axis_name=("core", "subcore"),
            dimension_semantics=(pltpu.PARALLEL,),
        )(val_hbm, idx_hbm)

        plsc.subcore_barrier()
        pltpu.sync_copy(
            acc_shared.at[pl.ds(row0, ROWS_PER_SUBCORE), :],
            out_hbm.at[core, pl.ds(row0, ROWS_PER_SUBCORE), :],
        )

    return scatter_kernel(values, idx_rows)


def _sum_partials_body(p_ref, o_ref):
    o_ref[...] = p_ref[0] + p_ref[1]


def _sum_partials(partials):
    return pl.pallas_call(
        _sum_partials_body,
        out_shape=jax.ShapeDtypeStruct((N_NODES, ATOM_DIM), jnp.float32),
    )(partials)


def kernel(atom_features, bond_features, pair_indices, kernel, bias):
    idx_src = pair_indices[:, 1].astype(jnp.int32).reshape(N_EDGES // GATHER_WIN, GATHER_WIN)
    idx_dst = pair_indices[:, 0].astype(jnp.int32).reshape(N_EDGES // GATHER_WIN, GATHER_WIN)
    d = ATOM_DIM
    m = jnp.arange(d * d)
    tmat = (m[None, :] % d == jnp.arange(d)[:, None]).astype(jnp.float32)
    smat = (m[:, None] // d == jnp.arange(d)[None, :]).astype(jnp.float32)
    eye8 = jnp.eye(PACK, dtype=jnp.float32)
    w_big = jnp.kron(eye8, kernel)
    t_big = jnp.kron(eye8, tmat)
    s_big = jnp.kron(eye8, smat)
    bias_big = jnp.tile(bias, PACK).reshape(1, PACK * d * d)

    src_rows = _gather_rows(atom_features, idx_src)
    bond_p = bond_features.reshape(N_EDGES // PACK, PACK * d)
    src_p = src_rows.reshape(N_EDGES // PACK, PACK * d)
    transformed_p = _edge_transform(bond_p, src_p, w_big, t_big, s_big, bias_big)
    transformed = transformed_p.reshape(N_EDGES, d)
    partials = _scatter_add(transformed, idx_dst)
    return _sum_partials(partials)

# --- scband reference (transcript-rebuilt; emitter-appended) ---
"""Pipeline reference for scband-edge-network-68298569941221 (READ-ONLY COPY).

The authoritative reference and input builder live on the scoring server;
editing this copy changes nothing except your own understanding.
"""

import jax, jax.numpy as jnp
import numpy as np

ATOM_DIM = 16
BOND_DIM = 16
N_NODES = 10000
N_EDGES = 320000


def setup_inputs(seed: int = 0) -> dict:
    key = jax.random.key(seed)
    k1, k2, k3, k4 = jax.random.split(key, 4)
    atom_features = jax.random.normal(k1, (N_NODES, ATOM_DIM), dtype=jnp.float32)
    bond_features = jax.random.normal(k2, (N_EDGES, BOND_DIM), dtype=jnp.float32)
    pair_indices = jax.random.randint(k3, (N_EDGES, 2), 0, N_NODES, dtype=jnp.int64)
    # xavier_uniform for kernel [bond_dim, atom_dim*atom_dim]
    fan_in, fan_out = BOND_DIM, ATOM_DIM * ATOM_DIM
    limit = float(np.sqrt(6.0 / (fan_in + fan_out)))
    kernel = jax.random.uniform(k4, (BOND_DIM, ATOM_DIM * ATOM_DIM), dtype=jnp.float32, minval=-limit, maxval=limit)
    bias = jnp.zeros((ATOM_DIM * ATOM_DIM,), dtype=jnp.float32)
    return {"atom_features": atom_features, "bond_features": bond_features, "pair_indices": pair_indices, "kernel": kernel, "bias": bias}


def reference(atom_features, bond_features, pair_indices, kernel, bias):
    atom_dim = atom_features.shape[1]
    # linear transform of bond features -> per-edge [atom_dim, atom_dim] matrix
    bf = jnp.matmul(bond_features, kernel) + bias
    bf = bf.reshape(-1, atom_dim, atom_dim)
    # gather neighbor (source) atom features along edge dst index pair_indices[:,1]
    atom_features_neighbors = jnp.take(atom_features, pair_indices[:, 1], axis=0)
    atom_features_neighbors = atom_features_neighbors[:, :, None]
    # per-edge matvec
    transformed = jnp.matmul(bf, atom_features_neighbors)
    transformed = jnp.squeeze(transformed, axis=-1)
    # scatter-add aggregate onto pair_indices[:,0]
    aggregated = jnp.zeros_like(atom_features).at[pair_indices[:, 0]].add(transformed)
    return aggregated

if __name__ == "__main__":
    import jax
    _d = setup_inputs()
    print(jax.jit(kernel)(*tuple(_d.values())))

</pallas_src>

<mosaic_0001>
#map = affine_map<(d0, d1) -> (0, 0)>
module attributes {stable_mosaic.version = 14 : i64} {
  func.func @gather_kernel(%arg0: i32, %arg1: i32, %arg2: memref<10000x16xf32, #tpu.memory_space<hbm>>, %arg3: memref<2560x125xi32, #tpu.memory_space<hbm>>, %arg4: memref<320000x16xf32, #tpu.memory_space<hbm>>, %arg5: memref<!tpu.dma_semaphore, #tpu.memory_space<semaphore_mem>>) attributes {dimension_semantics = [#tpu.dimension_semantics<core_parallel>, #tpu.dimension_semantics<subcore_parallel>], iteration_bounds = array<i64: 2, 16>, scalar_prefetch = 0 : i64, scratch_operands = 1 : i64, tpu.core_type = #tpu.core_type<sc_vector_subcore>, window_params = [{transform_indices = #map}, {transform_indices = #map}, {transform_indices = #map}]} {
    %mul3A = arith.constant 1 : i32
    %mul3A_0 = arith.muli %arg1, %mul3A : i32
    %add3A = arith.constant 0 : i32
    %add3A_1 = arith.addi %add3A, %mul3A_0 : i32
    %mul3A_2 = arith.constant 16 : i32
    %mul3A_3 = arith.muli %arg0, %mul3A_2 : i32
    %add3A_4 = arith.addi %add3A_1, %mul3A_3 : i32
    %mul3A_5 = arith.constant 10 : i32
    %mul3A_6 = arith.muli %add3A_4, %mul3A_5 : i32
    "tpu.region"() ({
      %run_scoped3A = memref.alloca() : memref<2x8x125xi32, #tpu.memory_space<vmem>>
      %run_scoped3A_7 = tpu.sem_alloc : memref<2x!tpu.dma_semaphore, #tpu.memory_space<semaphore_mem>>
      %run_scoped3A_8 = memref.alloca() : memref<2x1000x16xf32, #tpu.memory_space<vmem>>
      %run_scoped3A_9 = tpu.sem_alloc : memref<2x!tpu.dma_semaphore, #tpu.memory_space<semaphore_mem>>
      %add3A_10 = arith.constant 0 : i32
      %add3A_11 = arith.addi %add3A_10, %mul3A_6 : i32
      %select_n3A = arith.constant true
      %select_n3A_12 = arith.constant 0 : i32
      %select_n3A_13 = arith.constant -1 : i32
      %select_n3A_14 = arith.select %select_n3A, %select_n3A_13, %select_n3A_12 : i32
      %eq3A = arith.constant -1 : i32
      %eq3A_15 = arith.cmpi eq, %select_n3A_14, %eq3A : i32
      %select_n3A_16 = arith.constant 9 : i32
      %select_n3A_17 = arith.select %eq3A_15, %select_n3A_16, %select_n3A_14 : i32
      %add3A_18 = arith.addi %select_n3A_17, %mul3A_6 : i32
      %select_n3A_19 = arith.constant true
      %select_n3A_20 = arith.constant 0 : i32
      %select_n3A_21 = arith.constant 1 : i32
      %select_n3A_22 = arith.select %select_n3A_19, %select_n3A_21, %select_n3A_20 : i32
      %eq3A_23 = arith.constant 10 : i32
      %eq3A_24 = arith.cmpi eq, %select_n3A_22, %eq3A_23 : i32
      %select_n3A_25 = arith.constant 0 : i32
      %select_n3A_26 = arith.select %eq3A_24, %select_n3A_25, %select_n3A_22 : i32
      %add3A_27 = arith.addi %select_n3A_26, %mul3A_6 : i32
      %add3A_28 = arith.constant 1 : i32
      %add3A_29 = arith.addi %select_n3A_26, %add3A_28 : i32
      %select_n3A_30 = arith.constant true
      %select_n3A_31 = arith.select %select_n3A_30, %add3A_29, %select_n3A_26 : i32
      %eq3A_32 = arith.constant 10 : i32
      %eq3A_33 = arith.cmpi eq, %select_n3A_31, %eq3A_32 : i32
      %select_n3A_34 = arith.constant 0 : i32
      %select_n3A_35 = arith.select %eq3A_33, %select_n3A_34, %select_n3A_31 : i32
      %add3A_36 = arith.addi %select_n3A_35, %mul3A_6 : i32
      "tpu.trace_start"() <{level = 10 : i32, message = "ep_initialize_0"}> : () -> ()
      %rem3A = arith.constant 0 : i32
      %rem3A_37 = arith.constant 2 : i32
      %rem3A_38 = arith.remui %rem3A, %rem3A_37 : i32
      %mul3A_39 = arith.constant 8 : i32
      %mul3A_40 = arith.muli %mul3A_39, %add3A_11 : i32
      %dma_start3A = arith.constant 0 : i32
      %dma_start3A_41 = arith.constant 0 : i32
      %dma_start3A_42 = tpu.memref_slice %run_scoped3A[%rem3A_38, %dma_start3A, %dma_start3A_41] : memref<2x8x125xi32, #tpu.memory_space<vmem>> -> memref<1x8x125xi32, #tpu.memory_space<vmem>>
      %dma_start3A_43 = tpu.memref_squeeze %dma_start3A_42 : memref<1x8x125xi32, #tpu.memory_space<vmem>> -> memref<8x125xi32, #tpu.memory_space<vmem>>
      %dma_start3A_44 = arith.constant 0 : i32
      %dma_start3A_45 = tpu.memref_slice %arg3[%mul3A_40, %dma_start3A_44] : memref<2560x125xi32, #tpu.memory_space<hbm>> -> memref<8x125xi32, #tpu.memory_space<hbm>>
      %dma_start3A_46 = tpu.memref_slice %run_scoped3A_7[%rem3A_38] : memref<2x!tpu.dma_semaphore, #tpu.memory_space<semaphore_mem>> -> memref<1x!tpu.dma_semaphore, #tpu.memory_space<semaphore_mem>>
      %dma_start3A_47 = tpu.memref_squeeze %dma_start3A_46 : memref<1x!tpu.dma_semaphore, #tpu.memory_space<semaphore_mem>> -> memref<!tpu.dma_semaphore, #tpu.memory_space<semaphore_mem>>
      %dma_start3A_48 = arith.constant 0 : i32
      %dma_start3A_49 = arith.constant 0 : i32
      %dma_start3A_50 = tpu.memref_slice %run_scoped3A[%rem3A_38, %dma_start3A_48, %dma_start3A_49] : memref<2x8x125xi32, #tpu.memory_space<vmem>> -> memref<1x8x125xi32, #tpu.memory_space<vmem>>
      %dma_start3A_51 = tpu.memref_squeeze %dma_start3A_50 : memref<1x8x125xi32, #tpu.memory_space<vmem>> -> memref<8x125xi32, #tpu.memory_space<vmem>>
      %dma_start3A_52 = arith.constant 0 : i32
      %dma_start3A_53 = tpu.memref_slice %arg3[%mul3A_40, %dma_start3A_52] : memref<2560x125xi32, #tpu.memory_space<hbm>> -> memref<8x125xi32, #tpu.memory_space<hbm>>
      tpu.enqueue_dma source(%dma_start3A_53 : memref<8x125xi32, #tpu.memory_space<hbm>>) target(%dma_start3A_51 : memref<8x125xi32, #tpu.memory_space<vmem>>) target_semaphore(%dma_start3A_47 : memref<!tpu.dma_semaphore, #tpu.memory_space<semaphore_mem>>)
      %add3A_54 = arith.constant 0 : i32
      %add3A_55 = arith.constant 1 : i32
      %add3A_56 = arith.addi %add3A_54, %add3A_55 : i32
      %select_n3A_57 = arith.constant true
      %select_n3A_58 = arith.constant 0 : i32
      %select_n3A_59 = arith.select %select_n3A_57, %add3A_56, %select_n3A_58 : i32
      "tpu.trace_stop"() : () -> ()
      %scan3A = arith.constant 0 : i32
      %scan3A_60 = arith.constant 0 : i32
      %scan3A_61 = arith.constant 0 : i32
      %scan3A_62 = arith.constant 0 : i32
      %scan3A_63 = arith.constant 0 : i32
      %scan3A_64 = arith.constant 10 : i32
      %scan3A_65 = arith.addi %scan3A_63, %scan3A_64 : i32
      %scan3A_66 = arith.constant 1 : i32
      %scan3A_67:5 = scf.for %scan3A_121 = %scan3A_63 to %scan3A_65 step %scan3A_66 iter_args(%scan3A_122 = %select_n3A_59, %scan3A_123 = %scan3A, %scan3A_124 = %scan3A_60, %scan3A_125 = %scan3A_61, %scan3A_126 = %scan3A_62) -> (i32, i32, i32, i32, i32)  : i32 {
        %eq3A_127 = arith.constant 0 : i32
        %eq3A_128 = arith.cmpi eq, %scan3A_121, %eq3A_127 : i32
        %eq3A_129 = arith.constant 9 : i32
        %eq3A_130 = arith.cmpi eq, %scan3A_121, %eq3A_129 : i32
        %add3A_131 = arith.addi %scan3A_126, %mul3A_6 : i32
        %sub3A_132 = arith.constant 1 : i32
        %sub3A_133 = arith.subi %scan3A_126, %sub3A_132 : i32
        %select_n3A_134 = arith.constant true
        %select_n3A_135 = arith.select %select_n3A_134, %sub3A_133, %scan3A_126 : i32
        %eq3A_136 = arith.constant -1 : i32
        %eq3A_137 = arith.cmpi eq, %select_n3A_135, %eq3A_136 : i32
        %select_n3A_138 = arith.constant 9 : i32
        %select_n3A_139 = arith.select %eq3A_137, %select_n3A_138, %select_n3A_135 : i32
        %add3A_140 = arith.addi %select_n3A_139, %mul3A_6 : i32
        %add3A_141 = arith.constant 1 : i32
        %add3A_142 = arith.addi %scan3A_126, %add3A_141 : i32
        %select_n3A_143 = arith.constant true
        %select_n3A_144 = arith.select %select_n3A_143, %add3A_142, %scan3A_126 : i32
        %eq3A_145 = arith.constant 10 : i32
        %eq3A_146 = arith.cmpi eq, %select_n3A_144, %eq3A_145 : i32
        %select_n3A_147 = arith.constant 0 : i32
        %select_n3A_148 = arith.select %eq3A_146, %select_n3A_147, %select_n3A_144 : i32
        %add3A_149 = arith.addi %select_n3A_148, %mul3A_6 : i32
        %add3A_150 = arith.constant 1 : i32
        %add3A_151 = arith.addi %select_n3A_148, %add3A_150 : i32
        %select_n3A_152 = arith.constant true
        %select_n3A_153 = arith.select %select_n3A_152, %add3A_151, %select_n3A_148 : i32
        %eq3A_154 = arith.constant 10 : i32
        %eq3A_155 = arith.cmpi eq, %select_n3A_153, %eq3A_154 : i32
        %select_n3A_156 = arith.constant 0 : i32
        %select_n3A_157 = arith.select %eq3A_155, %select_n3A_156, %select_n3A_153 : i32
        %add3A_158 = arith.addi %select_n3A_157, %mul3A_6 : i32
        %ne3A = arith.cmpi ne, %add3A_131, %add3A_149 : i32
        %or3A = arith.constant false
        %or3A_159 = arith.ori %or3A, %ne3A : i1
        %or3A_160 = arith.constant false
        %or3A_161 = arith.ori %or3A_159, %or3A_160 : i1
        %ge3A = arith.constant 9 : i32
        %ge3A_162 = arith.cmpi sge, %scan3A_121, %ge3A : i32
        %not3A = arith.constant true
        %not3A_163 = arith.xori %ge3A_162, %not3A : i1
        %and3A = arith.andi %or3A_161, %not3A_163 : i1
        %convert_element_type3A = arith.extui %and3A : i1 to i32
        %cond3A = arith.constant 0 : i32
        %cond3A_164 = arith.cmpi ne, %convert_element_type3A, %cond3A : i32
        scf.if %cond3A_164 {
          "tpu.trace_start"() <{level = 10 : i32, message = "ep_copy_in"}> : () -> ()
          %rem3A_561 = arith.constant 2 : i32
          %rem3A_562 = arith.remui %scan3A_122, %rem3A_561 : i32
          %mul3A_563 = arith.constant 8 : i32
          %mul3A_564 = arith.muli %mul3A_563, %add3A_149 : i32
          %dma_start3A_565 = arith.constant 0 : i32
          %dma_start3A_566 = arith.constant 0 : i32
          %dma_start3A_567 = tpu.memref_slice %run_scoped3A[%rem3A_562, %dma_start3A_565, %dma_start3A_566] : memref<2x8x125xi32, #tpu.memory_space<vmem>> -> memref<1x8x125xi32, #tpu.memory_space<vmem>>
          %dma_start3A_568 = tpu.memref_squeeze %dma_start3A_567 : memref<1x8x125xi32, #tpu.memory_space<vmem>> -> memref<8x125xi32, #tpu.memory_space<vmem>>
          %dma_start3A_569 = arith.constant 0 : i32
          %dma_start3A_570 = tpu.memref_slice %arg3[%mul3A_564, %dma_start3A_569] : memref<2560x125xi32, #tpu.memory_space<hbm>> -> memref<8x125xi32, #tpu.memory_space<hbm>>
          %dma_start3A_571 = tpu.memref_slice %run_scoped3A_7[%rem3A_562] : memref<2x!tpu.dma_semaphore, #tpu.memory_space<semaphore_mem>> -> memref<1x!tpu.dma_semaphore, #tpu.memory_space<semaphore_mem>>
          %dma_start3A_572 = tpu.memref_squeeze %dma_start3A_571 : memref<1x!tpu.dma_semaphore, #tpu.memory_space<semaphore_mem>> -> memref<!tpu.dma_semaphore, #tpu.memory_space<semaphore_mem>>
          %dma_start3A_573 = arith.constant 0 : i32
          %dma_start3A_574 = arith.constant 0 : i32
          %dma_start3A_575 = tpu.memref_slice %run_scoped3A[%rem3A_562, %dma_start3A_573, %dma_start3A_574] : memref<2x8x125xi32, #tpu.memory_space<vmem>> -> memref<1x8x125xi32, #tpu.memory_space<vmem>>
          %dma_start3A_576 = tpu.memref_squeeze %dma_start3A_575 : memref<1x8x125xi32, #tpu.memory_space<vmem>> -> memref<8x125xi32, #tpu.memory_space<vmem>>
          %dma_start3A_577 = arith.constant 0 : i32
          %dma_start3A_578 = tpu.memref_slice %arg3[%mul3A_564, %dma_start3A_577] : memref<2560x125xi32, #tpu.memory_space<hbm>> -> memref<8x125xi32, #tpu.memory_space<hbm>>
          tpu.enqueue_dma source(%dma_start3A_578 : memref<8x125xi32, #tpu.memory_space<hbm>>) target(%dma_start3A_576 : memref<8x125xi32, #tpu.memory_space<vmem>>) target_semaphore(%dma_start3A_572 : memref<!tpu.dma_semaphore, #tpu.memory_space<semaphore_mem>>)
          "tpu.trace_stop"() : () -> ()
        } else {
        }
        %and3A_165 = arith.constant true
        %and3A_166 = arith.andi %and3A, %and3A_165 : i1
        %add3A_167 = arith.constant 1 : i32
        %add3A_168 = arith.addi %scan3A_122, %add3A_167 : i32
        %select_n3A_169 = arith.select %and3A_166, %add3A_168, %scan3A_122 : i32
        %ne3A_170 = arith.cmpi ne, %add3A_131, %add3A_149 : i32
        %or3A_171 = arith.constant false
        %or3A_172 = arith.ori %or3A_171, %ne3A_170 : i1
        %or3A_173 = arith.constant false
        %or3A_174 = arith.ori %or3A_172, %or3A_173 : i1
        %ge3A_175 = arith.constant 9 : i32
        %ge3A_176 = arith.cmpi sge, %scan3A_121, %ge3A_175 : i32
        %not3A_177 = arith.constant true
        %not3A_178 = arith.xori %ge3A_176, %not3A_177 : i1
        %and3A_179 = arith.andi %or3A_174, %not3A_178 : i1
        %ne3A_180 = arith.cmpi ne, %add3A_131, %add3A_140 : i32
        %or3A_181 = arith.constant false
        %or3A_182 = arith.ori %or3A_181, %ne3A_180 : i1
        %or3A_183 = arith.constant false
        %or3A_184 = arith.ori %or3A_182, %or3A_183 : i1
        %or3A_185 = arith.ori %or3A_184, %eq3A_128 : i1
        %convert_element_type3A_186 = arith.extui %or3A_185 : i1 to i32
        %cond3A_187 = arith.constant 0 : i32
        %cond3A_188 = arith.cmpi ne, %convert_element_type3A_186, %cond3A_187 : i32
        scf.if %cond3A_188 {
          "tpu.trace_start"() <{level = 10 : i32, message = "ep_wait_in"}> : () -> ()
          %mul3A_561 = arith.constant 8 : i32
          %mul3A_562 = arith.muli %mul3A_561, %add3A_131 : i32
          %rem3A_563 = arith.constant 2 : i32
          %rem3A_564 = arith.remui %scan3A_123, %rem3A_563 : i32
          %dma_wait3A_565 = arith.constant 0 : i32
          %dma_wait3A_566 = arith.constant 0 : i32
          %dma_wait3A_567 = tpu.memref_slice %run_scoped3A[%rem3A_564, %dma_wait3A_565, %dma_wait3A_566] : memref<2x8x125xi32, #tpu.memory_space<vmem>> -> memref<1x8x125xi32, #tpu.memory_space<vmem>>
          %dma_wait3A_568 = tpu.memref_squeeze %dma_wait3A_567 : memref<1x8x125xi32, #tpu.memory_space<vmem>> -> memref<8x125xi32, #tpu.memory_space<vmem>>
          %dma_wait3A_569 = arith.constant 0 : i32
          %dma_wait3A_570 = tpu.memref_slice %arg3[%mul3A_562, %dma_wait3A_569] : memref<2560x125xi32, #tpu.memory_space<hbm>> -> memref<8x125xi32, #tpu.memory_space<hbm>>
          %dma_wait3A_571 = tpu.memref_slice %run_scoped3A_7[%rem3A_564] : memref<2x!tpu.dma_semaphore, #tpu.memory_space<semaphore_mem>> -> memref<1x!tpu.dma_semaphore, #tpu.memory_space<semaphore_mem>>
          %dma_wait3A_572 = tpu.memref_squeeze %dma_wait3A_571 : memref<1x!tpu.dma_semaphore, #tpu.memory_space<semaphore_mem>> -> memref<!tpu.dma_semaphore, #tpu.memory_space<semaphore_mem>>
          %dma_wait3A_573 = arith.constant 0 : i32
          %dma_wait3A_574 = arith.constant 0 : i32
          %dma_wait3A_575 = tpu.memref_slice %run_scoped3A[%rem3A_564, %dma_wait3A_573, %dma_wait3A_574] : memref<2x8x125xi32, #tpu.memory_space<vmem>> -> memref<1x8x125xi32, #tpu.memory_space<vmem>>
          %dma_wait3A_576 = tpu.memref_squeeze %dma_wait3A_575 : memref<1x8x125xi32, #tpu.memory_space<vmem>> -> memref<8x125xi32, #tpu.memory_space<vmem>>
          %dma_wait3A_577 = arith.constant 0 : i32
          %dma_wait3A_578 = tpu.memref_slice %arg3[%mul3A_562, %dma_wait3A_577] : memref<2560x125xi32, #tpu.memory_space<hbm>> -> memref<8x125xi32, #tpu.memory_space<hbm>>
          tpu.wait_dma2 semaphore(%dma_wait3A_572 : memref<!tpu.dma_semaphore, #tpu.memory_space<semaphore_mem>>) src(%dma_wait3A_578 : memref<8x125xi32, #tpu.memory_space<hbm>>) dst(%dma_wait3A_576 : memref<8x125xi32, #tpu.memory_space<vmem>>)
          "tpu.trace_stop"() : () -> ()
        } else {
        }
        %ne3A_189 = arith.cmpi ne, %add3A_131, %add3A_140 : i32
        %or3A_190 = arith.constant false
        %or3A_191 = arith.ori %or3A_190, %ne3A_189 : i1
        %or3A_192 = arith.constant false
        %or3A_193 = arith.ori %or3A_191, %or3A_192 : i1
        %or3A_194 = arith.ori %or3A_193, %eq3A_128 : i1
        %convert_element_type3A_195 = arith.extui %or3A_194 : i1 to i32
        %cond3A_196 = arith.constant 0 : i32
        %cond3A_197 = arith.cmpi ne, %convert_element_type3A_195, %cond3A_196 : i32
        scf.if %cond3A_197 {
        } else {
        }
        %rem3A_198 = arith.constant 2 : i32
        %rem3A_199 = arith.remui %scan3A_123, %rem3A_198 : i32
        %rem3A_200 = arith.constant 2 : i32
        %rem3A_201 = arith.remui %scan3A_124, %rem3A_200 : i32
        %dma_start3A_202 = arith.constant 0 : i32
        "tpu.trace_start"() <{level = 10 : i32, message = "ep_run_kernel"}> : () -> ()
        %dma_start3A_203 = arith.constant 0 : i32
        %dma_start3A_204 = arith.constant 0 : i32
        %dma_start3A_205 = tpu.memref_slice %run_scoped3A_8[%rem3A_201, %dma_start3A_203, %dma_start3A_204] : memref<2x1000x16xf32, #tpu.memory_space<vmem>> -> memref<1x1000x16xf32, #tpu.memory_space<vmem>>
        %dma_start3A_206 = tpu.memref_squeeze %dma_start3A_205 : memref<1x1000x16xf32, #tpu.memory_space<vmem>> -> memref<1000x16xf32, #tpu.memory_space<vmem>>
        %dma_start3A_207 = arith.constant 0 : i32
        %dma_start3A_208 = arith.constant 0 : i32
        %dma_start3A_209 = tpu.memref_slice %dma_start3A_206[%dma_start3A_207, %dma_start3A_208] : memref<1000x16xf32, #tpu.memory_space<vmem>> -> memref<125x16xf32, #tpu.memory_space<vmem>>
        %dma_start3A_210 = arith.constant 0 : i32
        %dma_start3A_211 = arith.constant 0 : i32
        %dma_start3A_212 = tpu.memref_slice %run_scoped3A[%rem3A_199, %dma_start3A_210, %dma_start3A_211] : memref<2x8x125xi32, #tpu.memory_space<vmem>> -> memref<1x8x125xi32, #tpu.memory_space<vmem>>
        %dma_start3A_213 = tpu.memref_squeeze %dma_start3A_212 : memref<1x8x125xi32, #tpu.memory_space<vmem>> -> memref<8x125xi32, #tpu.memory_space<vmem>>
        %dma_start3A_214 = arith.constant 0 : i32
        %dma_start3A_215 = tpu.memref_slice %dma_start3A_213[%dma_start3A_202, %dma_start3A_214] : memref<8x125xi32, #tpu.memory_space<vmem>> -> memref<1x125xi32, #tpu.memory_space<vmem>>
        %dma_start3A_216 = tpu.memref_squeeze %dma_start3A_215 : memref<1x125xi32, #tpu.memory_space<vmem>> -> memref<125xi32, #tpu.memory_space<vmem>>
        %dma_start3A_217 = arith.constant 0 : i32
        %dma_start3A_218 = arith.constant 0 : i32
        %dma_start3A_219 = tpu.memref_slice %arg2[%dma_start3A_217, %dma_start3A_218] : memref<10000x16xf32, #tpu.memory_space<hbm>> -> memref<10000x16xf32, #tpu.memory_space<hbm>>
        tpu.enqueue_indirect_dma source(%dma_start3A_219 : memref<10000x16xf32, #tpu.memory_space<hbm>>) target(%dma_start3A_209 : memref<125x16xf32, #tpu.memory_space<vmem>>) offsets(%dma_start3A_216 : memref<125xi32, #tpu.memory_space<vmem>>) semaphore(%arg5 : memref<!tpu.dma_semaphore, #tpu.memory_space<semaphore_mem>>)
        %dma_start3A_220 = arith.constant 1 : i32
        %dma_start3A_221 = arith.constant 0 : i32
        %dma_start3A_222 = arith.constant 0 : i32
        %dma_start3A_223 = tpu.memref_slice %run_scoped3A_8[%rem3A_201, %dma_start3A_221, %dma_start3A_222] : memref<2x1000x16xf32, #tpu.memory_space<vmem>> -> memref<1x1000x16xf32, #tpu.memory_space<vmem>>
        %dma_start3A_224 = tpu.memref_squeeze %dma_start3A_223 : memref<1x1000x16xf32, #tpu.memory_space<vmem>> -> memref<1000x16xf32, #tpu.memory_space<vmem>>
        %dma_start3A_225 = arith.constant 125 : i32
        %dma_start3A_226 = arith.constant 0 : i32
        %dma_start3A_227 = tpu.memref_slice %dma_start3A_224[%dma_start3A_225, %dma_start3A_226] : memref<1000x16xf32, #tpu.memory_space<vmem>> -> memref<125x16xf32, #tpu.memory_space<vmem>>
        %dma_start3A_228 = arith.constant 0 : i32
        %dma_start3A_229 = arith.constant 0 : i32
        %dma_start3A_230 = tpu.memref_slice %run_scoped3A[%rem3A_199, %dma_start3A_228, %dma_start3A_229] : memref<2x8x125xi32, #tpu.memory_space<vmem>> -> memref<1x8x125xi32, #tpu.memory_space<vmem>>
        %dma_start3A_231 = tpu.memref_squeeze %dma_start3A_230 : memref<1x8x125xi32, #tpu.memory_space<vmem>> -> memref<8x125xi32, #tpu.memory_space<vmem>>
        %dma_start3A_232 = arith.constant 0 : i32
        %dma_start3A_233 = tpu.memref_slice %dma_start3A_231[%dma_start3A_220, %dma_start3A_232] : memref<8x125xi32, #tpu.memory_space<vmem>> -> memref<1x125xi32, #tpu.memory_space<vmem>>
        %dma_start3A_234 = tpu.memref_squeeze %dma_start3A_233 : memref<1x125xi32, #tpu.memory_space<vmem>> -> memref<125xi32, #tpu.memory_space<vmem>>
        %dma_start3A_235 = arith.constant 0 : i32
        %dma_start3A_236 = arith.constant 0 : i32
        %dma_start3A_237 = tpu.memref_slice %arg2[%dma_start3A_235, %dma_start3A_236] : memref<10000x16xf32, #tpu.memory_space<hbm>> -> memref<10000x16xf32, #tpu.memory_space<hbm>>
        tpu.enqueue_indirect_dma source(%dma_start3A_237 : memref<10000x16xf32, #tpu.memory_space<hbm>>) target(%dma_start3A_227 : memref<125x16xf32, #tpu.memory_space<vmem>>) offsets(%dma_start3A_234 : memref<125xi32, #tpu.memory_space<vmem>>) semaphore(%arg5 : memref<!tpu.dma_semaphore, #tpu.memory_space<semaphore_mem>>)
        %dma_start3A_238 = arith.constant 2 : i32
        %dma_start3A_239 = arith.constant 0 : i32
        %dma_start3A_240 = arith.constant 0 : i32
        %dma_start3A_241 = tpu.memref_slice %run_scoped3A_8[%rem3A_201, %dma_start3A_239, %dma_start3A_240] : memref<2x1000x16xf32, #tpu.memory_space<vmem>> -> memref<1x1000x16xf32, #tpu.memory_space<vmem>>
        %dma_start3A_242 = tpu.memref_squeeze %dma_start3A_241 : memref<1x1000x16xf32, #tpu.memory_space<vmem>> -> memref<1000x16xf32, #tpu.memory_space<vmem>>
        %dma_start3A_243 = arith.constant 250 : i32
        %dma_start3A_244 = arith.constant 0 : i32
        %dma_start3A_245 = tpu.memref_slice %dma_start3A_242[%dma_start3A_243, %dma_start3A_244] : memref<1000x16xf32, #tpu.memory_space<vmem>> -> memref<125x16xf32, #tpu.memory_space<vmem>>
        %dma_start3A_246 = arith.constant 0 : i32
        %dma_start3A_247 = arith.constant 0 : i32
        %dma_start3A_248 = tpu.memref_slice %run_scoped3A[%rem3A_199, %dma_start3A_246, %dma_start3A_247] : memref<2x8x125xi32, #tpu.memory_space<vmem>> -> memref<1x8x125xi32, #tpu.memory_space<vmem>>
        %dma_start3A_249 = tpu.memref_squeeze %dma_start3A_248 : memref<1x8x125xi32, #tpu.memory_space<vmem>> -> memref<8x125xi32, #tpu.memory_space<vmem>>
        %dma_start3A_250 = arith.constant 0 : i32
        %dma_start3A_251 = tpu.memref_slice %dma_start3A_249[%dma_start3A_238, %dma_start3A_250] : memref<8x125xi32, #tpu.memory_space<vmem>> -> memref<1x125xi32, #tpu.memory_space<vmem>>
        %dma_start3A_252 = tpu.memref_squeeze %dma_start3A_251 : memref<1x125xi32, #tpu.memory_space<vmem>> -> memref<125xi32, #tpu.memory_space<vmem>>
        %dma_start3A_253 = arith.constant 0 : i32
        %dma_start3A_254 = arith.constant 0 : i32
        %dma_start3A_255 = tpu.memref_slice %arg2[%dma_start3A_253, %dma_start3A_254] : memref<10000x16xf32, #tpu.memory_space<hbm>> -> memref<10000x16xf32, #tpu.memory_space<hbm>>
        tpu.enqueue_indirect_dma source(%dma_start3A_255 : memref<10000x16xf32, #tpu.memory_space<hbm>>) target(%dma_start3A_245 : memref<125x16xf32, #tpu.memory_space<vmem>>) offsets(%dma_start3A_252 : memref<125xi32, #tpu.memory_space<vmem>>) semaphore(%arg5 : memref<!tpu.dma_semaphore, #tpu.memory_space<semaphore_mem>>)
        %dma_start3A_256 = arith.constant 3 : i32
        %dma_start3A_257 = arith.constant 0 : i32
        %dma_start3A_258 = arith.constant 0 : i32
        %dma_start3A_259 = tpu.memref_slice %run_scoped3A_8[%rem3A_201, %dma_start3A_257, %dma_start3A_258] : memref<2x1000x16xf32, #tpu.memory_space<vmem>> -> memref<1x1000x16xf32, #tpu.memory_space<vmem>>
        %dma_start3A_260 = tpu.memref_squeeze %dma_start3A_259 : memref<1x1000x16xf32, #tpu.memory_space<vmem>> -> memref<1000x16xf32, #tpu.memory_space<vmem>>
        %dma_start3A_261 = arith.constant 375 : i32
        %dma_start3A_262 = arith.constant 0 : i32
        %dma_start3A_263 = tpu.memref_slice %dma_start3A_260[%dma_start3A_261, %dma_start3A_262] : memref<1000x16xf32, #tpu.memory_space<vmem>> -> memref<125x16xf32, #tpu.memory_space<vmem>>
        %dma_start3A_264 = arith.constant 0 : i32
        %dma_start3A_265 = arith.constant 0 : i32
        %dma_start3A_266 = tpu.memref_slice %run_scoped3A[%rem3A_199, %dma_start3A_264, %dma_start3A_265] : memref<2x8x125xi32, #tpu.memory_space<vmem>> -> memref<1x8x125xi32, #tpu.memory_space<vmem>>
        %dma_start3A_267 = tpu.memref_squeeze %dma_start3A_266 : memref<1x8x125xi32, #tpu.memory_space<vmem>> -> memref<8x125xi32, #tpu.memory_space<vmem>>
        %dma_start3A_268 = arith.constant 0 : i32
        %dma_start3A_269 = tpu.memref_slice %dma_start3A_267[%dma_start3A_256, %dma_start3A_268] : memref<8x125xi32, #tpu.memory_space<vmem>> -> memref<1x125xi32, #tpu.memory_space<vmem>>
        %dma_start3A_270 = tpu.memref_squeeze %dma_start3A_269 : memref<1x125xi32, #tpu.memory_space<vmem>> -> memref<125xi32, #tpu.memory_space<vmem>>
        %dma_start3A_271 = arith.constant 0 : i32
        %dma_start3A_272 = arith.constant 0 : i32
        %dma_start3A_273 = tpu.memref_slice %arg2[%dma_start3A_271, %dma_start3A_272] : memref<10000x16xf32, #tpu.memory_space<hbm>> -> memref<10000x16xf32, #tpu.memory_space<hbm>>
        tpu.enqueue_indirect_dma source(%dma_start3A_273 : memref<10000x16xf32, #tpu.memory_space<hbm>>) target(%dma_start3A_263 : memref<125x16xf32, #tpu.memory_space<vmem>>) offsets(%dma_start3A_270 : memref<125xi32, #tpu.memory_space<vmem>>) semaphore(%arg5 : memref<!tpu.dma_semaphore, #tpu.memory_space<semaphore_mem>>)
        %dma_start3A_274 = arith.constant 4 : i32
        %dma_start3A_275 = arith.constant 0 : i32
        %dma_start3A_276 = arith.constant 0 : i32
        %dma_start3A_277 = tpu.memref_slice %run_scoped3A_8[%rem3A_201, %dma_start3A_275, %dma_start3A_276] : memref<2x1000x16xf32, #tpu.memory_space<vmem>> -> memref<1x1000x16xf32, #tpu.memory_space<vmem>>
        %dma_start3A_278 = tpu.memref_squeeze %dma_start3A_277 : memref<1x1000x16xf32, #tpu.memory_space<vmem>> -> memref<1000x16xf32, #tpu.memory_space<vmem>>
        %dma_start3A_279 = arith.constant 500 : i32
        %dma_start3A_280 = arith.constant 0 : i32
        %dma_start3A_281 = tpu.memref_slice %dma_start3A_278[%dma_start3A_279, %dma_start3A_280] : memref<1000x16xf32, #tpu.memory_space<vmem>> -> memref<125x16xf32, #tpu.memory_space<vmem>>
        %dma_start3A_282 = arith.constant 0 : i32
        %dma_start3A_283 = arith.constant 0 : i32
        %dma_start3A_284 = tpu.memref_slice %run_scoped3A[%rem3A_199, %dma_start3A_282, %dma_start3A_283] : memref<2x8x125xi32, #tpu.memory_space<vmem>> -> memref<1x8x125xi32, #tpu.memory_space<vmem>>
        %dma_start3A_285 = tpu.memref_squeeze %dma_start3A_284 : memref<1x8x125xi32, #tpu.memory_space<vmem>> -> memref<8x125xi32, #tpu.memory_space<vmem>>
        %dma_start3A_286 = arith.constant 0 : i32
        %dma_start3A_287 = tpu.memref_slice %dma_start3A_285[%dma_start3A_274, %dma_start3A_286] : memref<8x125xi32, #tpu.memory_space<vmem>> -> memref<1x125xi32, #tpu.memory_space<vmem>>
        %dma_start3A_288 = tpu.memref_squeeze %dma_start3A_287 : memref<1x125xi32, #tpu.memory_space<vmem>> -> memref<125xi32, #tpu.memory_space<vmem>>
        %dma_start3A_289 = arith.constant 0 : i32
        %dma_start3A_290 = arith.constant 0 : i32
        %dma_start3A_291 = tpu.memref_slice %arg2[%dma_start3A_289, %dma_start3A_290] : memref<10000x16xf32, #tpu.memory_space<hbm>> -> memref<10000x16xf32, #tpu.memory_space<hbm>>
        tpu.enqueue_indirect_dma source(%dma_start3A_291 : memref<10000x16xf32, #tpu.memory_space<hbm>>) target(%dma_start3A_281 : memref<125x16xf32, #tpu.memory_space<vmem>>) offsets(%dma_start3A_288 : memref<125xi32, #tpu.memory_space<vmem>>) semaphore(%arg5 : memref<!tpu.dma_semaphore, #tpu.memory_space<semaphore_mem>>)
        %dma_start3A_292 = arith.constant 5 : i32
        %dma_start3A_293 = arith.constant 0 : i32
        %dma_start3A_294 = arith.constant 0 : i32
        %dma_start3A_295 = tpu.memref_slice %run_scoped3A_8[%rem3A_201, %dma_start3A_293, %dma_start3A_294] : memref<2x1000x16xf32, #tpu.memory_space<vmem>> -> memref<1x1000x16xf32, #tpu.memory_space<vmem>>
        %dma_start3A_296 = tpu.memref_squeeze %dma_start3A_295 : memref<1x1000x16xf32, #tpu.memory_space<vmem>> -> memref<1000x16xf32, #tpu.memory_space<vmem>>
        %dma_start3A_297 = arith.constant 625 : i32
        %dma_start3A_298 = arith.constant 0 : i32
        %dma_start3A_299 = tpu.memref_slice %dma_start3A_296[%dma_start3A_297, %dma_start3A_298] : memref<1000x16xf32, #tpu.memory_space<vmem>> -> memref<125x16xf32, #tpu.memory_space<vmem>>
        %dma_start3A_300 = arith.constant 0 : i32
        %dma_start3A_301 = arith.constant 0 : i32
        %dma_start3A_302 = tpu.memref_slice %run_scoped3A[%rem3A_199, %dma_start3A_300, %dma_start3A_301] : memref<2x8x125xi32, #tpu.memory_space<vmem>> -> memref<1x8x125xi32, #tpu.memory_space<vmem>>
        %dma_start3A_303 = tpu.memref_squeeze %dma_start3A_302 : memref<1x8x125xi32, #tpu.memory_space<vmem>> -> memref<8x125xi32, #tpu.memory_space<vmem>>
        %dma_start3A_304 = arith.constant 0 : i32
        %dma_start3A_305 = tpu.memref_slice %dma_start3A_303[%dma_start3A_292, %dma_start3A_304] : memref<8x125xi32, #tpu.memory_space<vmem>> -> memref<1x125xi32, #tpu.memory_space<vmem>>
        %dma_start3A_306 = tpu.memref_squeeze %dma_start3A_305 : memref<1x125xi32, #tpu.memory_space<vmem>> -> memref<125xi32, #tpu.memory_space<vmem>>
        %dma_start3A_307 = arith.constant 0 : i32
        %dma_start3A_308 = arith.constant 0 : i32
        %dma_start3A_309 = tpu.memref_slice %arg2[%dma_start3A_307, %dma_start3A_308] : memref<10000x16xf32, #tpu.memory_space<hbm>> -> memref<10000x16xf32, #tpu.memory_space<hbm>>
        tpu.enqueue_indirect_dma source(%dma_start3A_309 : memref<10000x16xf32, #tpu.memory_space<hbm>>) target(%dma_start3A_299 : memref<125x16xf32, #tpu.memory_space<vmem>>) offsets(%dma_start3A_306 : memref<125xi32, #tpu.memory_space<vmem>>) semaphore(%arg5 : memref<!tpu.dma_semaphore, #tpu.memory_space<semaphore_mem>>)
        %dma_start3A_310 = arith.constant 6 : i32
        %dma_start3A_311 = arith.constant 0 : i32
        %dma_start3A_312 = arith.constant 0 : i32
        %dma_start3A_313 = tpu.memref_slice %run_scoped3A_8[%rem3A_201, %dma_start3A_311, %dma_start3A_312] : memref<2x1000x16xf32, #tpu.memory_space<vmem>> -> memref<1x1000x16xf32, #tpu.memory_space<vmem>>
        %dma_start3A_314 = tpu.memref_squeeze %dma_start3A_313 : memref<1x1000x16xf32, #tpu.memory_space<vmem>> -> memref<1000x16xf32, #tpu.memory_space<vmem>>
        %dma_start3A_315 = arith.constant 750 : i32
        %dma_start3A_316 = arith.constant 0 : i32
        %dma_start3A_317 = tpu.memref_slice %dma_start3A_314[%dma_start3A_315, %dma_start3A_316] : memref<1000x16xf32, #tpu.memory_space<vmem>> -> memref<125x16xf32, #tpu.memory_space<vmem>>
        %dma_start3A_318 = arith.constant 0 : i32
        %dma_start3A_319 = arith.constant 0 : i32
        %dma_start3A_320 = tpu.memref_slice %run_scoped3A[%rem3A_199, %dma_start3A_318, %dma_start3A_319] : memref<2x8x125xi32, #tpu.memory_space<vmem>> -> memref<1x8x125xi32, #tpu.memory_space<vmem>>
        %dma_start3A_321 = tpu.memref_squeeze %dma_start3A_320 : memref<1x8x125xi32, #tpu.memory_space<vmem>> -> memref<8x125xi32, #tpu.memory_space<vmem>>
        %dma_start3A_322 = arith.constant 0 : i32
        %dma_start3A_323 = tpu.memref_slice %dma_start3A_321[%dma_start3A_310, %dma_start3A_322] : memref<8x125xi32, #tpu.memory_space<vmem>> -> memref<1x125xi32, #tpu.memory_space<vmem>>
        %dma_start3A_324 = tpu.memref_squeeze %dma_start3A_323 : memref<1x125xi32, #tpu.memory_space<vmem>> -> memref<125xi32, #tpu.memory_space<vmem>>
        %dma_start3A_325 = arith.constant 0 : i32
        %dma_start3A_326 = arith.constant 0 : i32
        %dma_start3A_327 = tpu.memref_slice %arg2[%dma_start3A_325, %dma_start3A_326] : memref<10000x16xf32, #tpu.memory_space<hbm>> -> memref<10000x16xf32, #tpu.memory_space<hbm>>
        tpu.enqueue_indirect_dma source(%dma_start3A_327 : memref<10000x16xf32, #tpu.memory_space<hbm>>) target(%dma_start3A_317 : memref<125x16xf32, #tpu.memory_space<vmem>>) offsets(%dma_start3A_324 : memref<125xi32, #tpu.memory_space<vmem>>) semaphore(%arg5 : memref<!tpu.dma_semaphore, #tpu.memory_space<semaphore_mem>>)
        %dma_start3A_328 = arith.constant 7 : i32
        %dma_start3A_329 = arith.constant 0 : i32
        %dma_start3A_330 = arith.constant 0 : i32
        %dma_start3A_331 = tpu.memref_slice %run_scoped3A_8[%rem3A_201, %dma_start3A_329, %dma_start3A_330] : memref<2x1000x16xf32, #tpu.memory_space<vmem>> -> memref<1x1000x16xf32, #tpu.memory_space<vmem>>
        %dma_start3A_332 = tpu.memref_squeeze %dma_start3A_331 : memref<1x1000x16xf32, #tpu.memory_space<vmem>> -> memref<1000x16xf32, #tpu.memory_space<vmem>>
        %dma_start3A_333 = arith.constant 875 : i32
        %dma_start3A_334 = arith.constant 0 : i32
        %dma_start3A_335 = tpu.memref_slice %dma_start3A_332[%dma_start3A_333, %dma_start3A_334] : memref<1000x16xf32, #tpu.memory_space<vmem>> -> memref<125x16xf32, #tpu.memory_space<vmem>>
        %dma_start3A_336 = arith.constant 0 : i32
        %dma_start3A_337 = arith.constant 0 : i32
        %dma_start3A_338 = tpu.memref_slice %run_scoped3A[%rem3A_199, %dma_start3A_336, %dma_start3A_337] : memref<2x8x125xi32, #tpu.memory_space<vmem>> -> memref<1x8x125xi32, #tpu.memory_space<vmem>>
        %dma_start3A_339 = tpu.memref_squeeze %dma_start3A_338 : memref<1x8x125xi32, #tpu.memory_space<vmem>> -> memref<8x125xi32, #tpu.memory_space<vmem>>
        %dma_start3A_340 = arith.constant 0 : i32
        %dma_start3A_341 = tpu.memref_slice %dma_start3A_339[%dma_start3A_328, %dma_start3A_340] : memref<8x125xi32, #tpu.memory_space<vmem>> -> memref<1x125xi32, #tpu.memory_space<vmem>>
        %dma_start3A_342 = tpu.memref_squeeze %dma_start3A_341 : memref<1x125xi32, #tpu.memory_space<vmem>> -> memref<125xi32, #tpu.memory_space<vmem>>
        %dma_start3A_343 = arith.constant 0 : i32
        %dma_start3A_344 = arith.constant 0 : i32
        %dma_start3A_345 = tpu.memref_slice %arg2[%dma_start3A_343, %dma_start3A_344] : memref<10000x16xf32, #tpu.memory_space<hbm>> -> memref<10000x16xf32, #tpu.memory_space<hbm>>
        tpu.enqueue_indirect_dma source(%dma_start3A_345 : memref<10000x16xf32, #tpu.memory_space<hbm>>) target(%dma_start3A_335 : memref<125x16xf32, #tpu.memory_space<vmem>>) offsets(%dma_start3A_342 : memref<125xi32, #tpu.memory_space<vmem>>) semaphore(%arg5 : memref<!tpu.dma_semaphore, #tpu.memory_space<semaphore_mem>>)
        %dma_wait3A_346 = arith.constant 0 : i32
        %dma_wait3A_347 = arith.constant 0 : i32
        %dma_wait3A_348 = arith.constant 0 : i32
        %dma_wait3A_349 = tpu.memref_slice %run_scoped3A_8[%rem3A_201, %dma_wait3A_347, %dma_wait3A_348] : memref<2x1000x16xf32, #tpu.memory_space<vmem>> -> memref<1x1000x16xf32, #tpu.memory_space<vmem>>
        %dma_wait3A_350 = tpu.memref_squeeze %dma_wait3A_349 : memref<1x1000x16xf32, #tpu.memory_space<vmem>> -> memref<1000x16xf32, #tpu.memory_space<vmem>>
        %dma_wait3A_351 = arith.constant 0 : i32
        %dma_wait3A_352 = arith.constant 0 : i32
        %dma_wait3A_353 = tpu.memref_slice %dma_wait3A_350[%dma_wait3A_351, %dma_wait3A_352] : memref<1000x16xf32, #tpu.memory_space<vmem>> -> memref<125x16xf32, #tpu.memory_space<vmem>>
        %dma_wait3A_354 = arith.constant 0 : i32
        %dma_wait3A_355 = arith.constant 0 : i32
        %dma_wait3A_356 = tpu.memref_slice %run_scoped3A[%rem3A_199, %dma_wait3A_354, %dma_wait3A_355] : memref<2x8x125xi32, #tpu.memory_space<vmem>> -> memref<1x8x125xi32, #tpu.memory_space<vmem>>
        %dma_wait3A_357 = tpu.memref_squeeze %dma_wait3A_356 : memref<1x8x125xi32, #tpu.memory_space<vmem>> -> memref<8x125xi32, #tpu.memory_space<vmem>>
        %dma_wait3A_358 = arith.constant 0 : i32
        %dma_wait3A_359 = tpu.memref_slice %dma_wait3A_357[%dma_wait3A_346, %dma_wait3A_358] : memref<8x125xi32, #tpu.memory_space<vmem>> -> memref<1x125xi32, #tpu.memory_space<vmem>>
        %dma_wait3A_360 = tpu.memref_squeeze %dma_wait3A_359 : memref<1x125xi32, #tpu.memory_space<vmem>> -> memref<125xi32, #tpu.memory_space<vmem>>
        %dma_wait3A_361 = arith.constant 0 : i32
        %dma_wait3A_362 = arith.constant 0 : i32
        %dma_wait3A_363 = tpu.memref_slice %arg2[%dma_wait3A_361, %dma_wait3A_362] : memref<10000x16xf32, #tpu.memory_space<hbm>> -> memref<10000x16xf32, #tpu.memory_space<hbm>>
        tpu.wait_indirect_dma semaphore(%arg5 : memref<!tpu.dma_semaphore, #tpu.memory_space<semaphore_mem>>) src(%dma_wait3A_363 : memref<10000x16xf32, #tpu.memory_space<hbm>>) dst(%dma_wait3A_353 : memref<125x16xf32, #tpu.memory_space<vmem>>)
        %dma_wait3A_364 = arith.constant 1 : i32
        %dma_wait3A_365 = arith.constant 0 : i32
        %dma_wait3A_366 = arith.constant 0 : i32
        %dma_wait3A_367 = tpu.memref_slice %run_scoped3A_8[%rem3A_201, %dma_wait3A_365, %dma_wait3A_366] : memref<2x1000x16xf32, #tpu.memory_space<vmem>> -> memref<1x1000x16xf32, #tpu.memory_space<vmem>>
        %dma_wait3A_368 = tpu.memref_squeeze %dma_wait3A_367 : memref<1x1000x16xf32, #tpu.memory_space<vmem>> -> memref<1000x16xf32, #tpu.memory_space<vmem>>
        %dma_wait3A_369 = arith.constant 125 : i32
        %dma_wait3A_370 = arith.constant 0 : i32
        %dma_wait3A_371 = tpu.memref_slice %dma_wait3A_368[%dma_wait3A_369, %dma_wait3A_370] : memref<1000x16xf32, #tpu.memory_space<vmem>> -> memref<125x16xf32, #tpu.memory_space<vmem>>
        %dma_wait3A_372 = arith.constant 0 : i32
        %dma_wait3A_373 = arith.constant 0 : i32
        %dma_wait3A_374 = tpu.memref_slice %run_scoped3A[%rem3A_199, %dma_wait3A_372, %dma_wait3A_373] : memref<2x8x125xi32, #tpu.memory_space<vmem>> -> memref<1x8x125xi32, #tpu.memory_space<vmem>>
        %dma_wait3A_375 = tpu.memref_squeeze %dma_wait3A_374 : memref<1x8x125xi32, #tpu.memory_space<vmem>> -> memref<8x125xi32, #tpu.memory_space<vmem>>
        %dma_wait3A_376 = arith.constant 0 : i32
        %dma_wait3A_377 = tpu.memref_slice %dma_wait3A_375[%dma_wait3A_364, %dma_wait3A_376] : memref<8x125xi32, #tpu.memory_space<vmem>> -> memref<1x125xi32, #tpu.memory_space<vmem>>
        %dma_wait3A_378 = tpu.memref_squeeze %dma_wait3A_377 : memref<1x125xi32, #tpu.memory_space<vmem>> -> memref<125xi32, #tpu.memory_space<vmem>>
        %dma_wait3A_379 = arith.constant 0 : i32
        %dma_wait3A_380 = arith.constant 0 : i32
        %dma_wait3A_381 = tpu.memref_slice %arg2[%dma_wait3A_379, %dma_wait3A_380] : memref<10000x16xf32, #tpu.memory_space<hbm>> -> memref<10000x16xf32, #tpu.memory_space<hbm>>
        tpu.wait_indirect_dma semaphore(%arg5 : memref<!tpu.dma_semaphore, #tpu.memory_space<semaphore_mem>>) src(%dma_wait3A_381 : memref<10000x16xf32, #tpu.memory_space<hbm>>) dst(%dma_wait3A_371 : memref<125x16xf32, #tpu.memory_space<vmem>>)
        %dma_wait3A_382 = arith.constant 2 : i32
        %dma_wait3A_383 = arith.constant 0 : i32
        %dma_wait3A_384 = arith.constant 0 : i32
        %dma_wait3A_385 = tpu.memref_slice %run_scoped3A_8[%rem3A_201, %dma_wait3A_383, %dma_wait3A_384] : memref<2x1000x16xf32, #tpu.memory_space<vmem>> -> memref<1x1000x16xf32, #tpu.memory_space<vmem>>
        %dma_wait3A_386 = tpu.memref_squeeze %dma_wait3A_385 : memref<1x1000x16xf32, #tpu.memory_space<vmem>> -> memref<1000x16xf32, #tpu.memory_space<vmem>>
        %dma_wait3A_387 = arith.constant 250 : i32
        %dma_wait3A_388 = arith.constant 0 : i32
        %dma_wait3A_389 = tpu.memref_slice %dma_wait3A_386[%dma_wait3A_387, %dma_wait3A_388] : memref<1000x16xf32, #tpu.memory_space<vmem>> -> memref<125x16xf32, #tpu.memory_space<vmem>>
        %dma_wait3A_390 = arith.constant 0 : i32
        %dma_wait3A_391 = arith.constant 0 : i32
        %dma_wait3A_392 = tpu.memref_slice %run_scoped3A[%rem3A_199, %dma_wait3A_390, %dma_wait3A_391] : memref<2x8x125xi32, #tpu.memory_space<vmem>> -> memref<1x8x125xi32, #tpu.memory_space<vmem>>
        %dma_wait3A_393 = tpu.memref_squeeze %dma_wait3A_392 : memref<1x8x125xi32, #tpu.memory_space<vmem>> -> memref<8x125xi32, #tpu.memory_space<vmem>>
        %dma_wait3A_394 = arith.constant 0 : i32
        %dma_wait3A_395 = tpu.memref_slice %dma_wait3A_393[%dma_wait3A_382, %dma_wait3A_394] : memref<8x125xi32, #tpu.memory_space<vmem>> -> memref<1x125xi32, #tpu.memory_space<vmem>>
        %dma_wait3A_396 = tpu.memref_squeeze %dma_wait3A_395 : memref<1x125xi32, #tpu.memory_space<vmem>> -> memref<125xi32, #tpu.memory_space<vmem>>
        %dma_wait3A_397 = arith.constant 0 : i32
        %dma_wait3A_398 = arith.constant 0 : i32
        %dma_wait3A_399 = tpu.memref_slice %arg2[%dma_wait3A_397, %dma_wait3A_398] : memref<10000x16xf32, #tpu.memory_space<hbm>> -> memref<10000x16xf32, #tpu.memory_space<hbm>>
        tpu.wait_indirect_dma semaphore(%arg5 : memref<!tpu.dma_semaphore, #tpu.memory_space<semaphore_mem>>) src(%dma_wait3A_399 : memref<10000x16xf32, #tpu.memory_space<hbm>>) dst(%dma_wait3A_389 : memref<125x16xf32, #tpu.memory_space<vmem>>)
        %dma_wait3A_400 = arith.constant 3 : i32
        %dma_wait3A_401 = arith.constant 0 : i32
        %dma_wait3A_402 = arith.constant 0 : i32
        %dma_wait3A_403 = tpu.memref_slice %run_scoped3A_8[%rem3A_201, %dma_wait3A_401, %dma_wait3A_402] : memref<2x1000x16xf32, #tpu.memory_space<vmem>> -> memref<1x1000x16xf32, #tpu.memory_space<vmem>>
        %dma_wait3A_404 = tpu.memref_squeeze %dma_wait3A_403 : memref<1x1000x16xf32, #tpu.memory_space<vmem>> -> memref<1000x16xf32, #tpu.memory_space<vmem>>
        %dma_wait3A_405 = arith.constant 375 : i32
        %dma_wait3A_406 = arith.constant 0 : i32
        %dma_wait3A_407 = tpu.memref_slice %dma_wait3A_404[%dma_wait3A_405, %dma_wait3A_406] : memref<1000x16xf32, #tpu.memory_space<vmem>> -> memref<125x16xf32, #tpu.memory_space<vmem>>
        %dma_wait3A_408 = arith.constant 0 : i32
        %dma_wait3A_409 = arith.constant 0 : i32
        %dma_wait3A_410 = tpu.memref_slice %run_scoped3A[%rem3A_199, %dma_wait3A_408, %dma_wait3A_409] : memref<2x8x125xi32, #tpu.memory_space<vmem>> -> memref<1x8x125xi32, #tpu.memory_space<vmem>>
        %dma_wait3A_411 = tpu.memref_squeeze %dma_wait3A_410 : memref<1x8x125xi32, #tpu.memory_space<vmem>> -> memref<8x125xi32, #tpu.memory_space<vmem>>
        %dma_wait3A_412 = arith.constant 0 : i32
        %dma_wait3A_413 = tpu.memref_slice %dma_wait3A_411[%dma_wait3A_400, %dma_wait3A_412] : memref<8x125xi32, #tpu.memory_space<vmem>> -> memref<1x125xi32, #tpu.memory_space<vmem>>
        %dma_wait3A_414 = tpu.memref_squeeze %dma_wait3A_413 : memref<1x125xi32, #tpu.memory_space<vmem>> -> memref<125xi32, #tpu.memory_space<vmem>>
        %dma_wait3A_415 = arith.constant 0 : i32
        %dma_wait3A_416 = arith.constant 0 : i32
        %dma_wait3A_417 = tpu.memref_slice %arg2[%dma_wait3A_415, %dma_wait3A_416] : memref<10000x16xf32, #tpu.memory_space<hbm>> -> memref<10000x16xf32, #tpu.memory_space<hbm>>
        tpu.wait_indirect_dma semaphore(%arg5 : memref<!tpu.dma_semaphore, #tpu.memory_space<semaphore_mem>>) src(%dma_wait3A_417 : memref<10000x16xf32, #tpu.memory_space<hbm>>) dst(%dma_wait3A_407 : memref<125x16xf32, #tpu.memory_space<vmem>>)
        %dma_wait3A_418 = arith.constant 4 : i32
        %dma_wait3A_419 = arith.constant 0 : i32
        %dma_wait3A_420 = arith.constant 0 : i32
        %dma_wait3A_421 = tpu.memref_slice %run_scoped3A_8[%rem3A_201, %dma_wait3A_419, %dma_wait3A_420] : memref<2x1000x16xf32, #tpu.memory_space<vmem>> -> memref<1x1000x16xf32, #tpu.memory_space<vmem>>
        %dma_wait3A_422 = tpu.memref_squeeze %dma_wait3A_421 : memref<1x1000x16xf32, #tpu.memory_space<vmem>> -> memref<1000x16xf32, #tpu.memory_space<vmem>>
        %dma_wait3A_423 = arith.constant 500 : i32
        %dma_wait3A_424 = arith.constant 0 : i32
        %dma_wait3A_425 = tpu.memref_slice %dma_wait3A_422[%dma_wait3A_423, %dma_wait3A_424] : memref<1000x16xf32, #tpu.memory_space<vmem>> -> memref<125x16xf32, #tpu.memory_space<vmem>>
        %dma_wait3A_426 = arith.constant 0 : i32
        %dma_wait3A_427 = arith.constant 0 : i32
        %dma_wait3A_428 = tpu.memref_slice %run_scoped3A[%rem3A_199, %dma_wait3A_426, %dma_wait3A_427] : memref<2x8x125xi32, #tpu.memory_space<vmem>> -> memref<1x8x125xi32, #tpu.memory_space<vmem>>
        %dma_wait3A_429 = tpu.memref_squeeze %dma_wait3A_428 : memref<1x8x125xi32, #tpu.memory_space<vmem>> -> memref<8x125xi32, #tpu.memory_space<vmem>>
        %dma_wait3A_430 = arith.constant 0 : i32
        %dma_wait3A_431 = tpu.memref_slice %dma_wait3A_429[%dma_wait3A_418, %dma_wait3A_430] : memref<8x125xi32, #tpu.memory_space<vmem>> -> memref<1x125xi32, #tpu.memory_space<vmem>>
        %dma_wait3A_432 = tpu.memref_squeeze %dma_wait3A_431 : memref<1x125xi32, #tpu.memory_space<vmem>> -> memref<125xi32, #tpu.memory_space<vmem>>
        %dma_wait3A_433 = arith.constant 0 : i32
        %dma_wait3A_434 = arith.constant 0 : i32
        %dma_wait3A_435 = tpu.memref_slice %arg2[%dma_wait3A_433, %dma_wait3A_434] : memref<10000x16xf32, #tpu.memory_space<hbm>> -> memref<10000x16xf32, #tpu.memory_space<hbm>>
        tpu.wait_indirect_dma semaphore(%arg5 : memref<!tpu.dma_semaphore, #tpu.memory_space<semaphore_mem>>) src(%dma_wait3A_435 : memref<10000x16xf32, #tpu.memory_space<hbm>>) dst(%dma_wait3A_425 : memref<125x16xf32, #tpu.memory_space<vmem>>)
        %dma_wait3A_436 = arith.constant 5 : i32
        %dma_wait3A_437 = arith.constant 0 : i32
        %dma_wait3A_438 = arith.constant 0 : i32
        %dma_wait3A_439 = tpu.memref_slice %run_scoped3A_8[%rem3A_201, %dma_wait3A_437, %dma_wait3A_438] : memref<2x1000x16xf32, #tpu.memory_space<vmem>> -> memref<1x1000x16xf32, #tpu.memory_space<vmem>>
        %dma_wait3A_440 = tpu.memref_squeeze %dma_wait3A_439 : memref<1x1000x16xf32, #tpu.memory_space<vmem>> -> memref<1000x16xf32, #tpu.memory_space<vmem>>
        %dma_wait3A_441 = arith.constant 625 : i32
        %dma_wait3A_442 = arith.constant 0 : i32
        %dma_wait3A_443 = tpu.memref_slice %dma_wait3A_440[%dma_wait3A_441, %dma_wait3A_442] : memref<1000x16xf32, #tpu.memory_space<vmem>> -> memref<125x16xf32, #tpu.memory_space<vmem>>
        %dma_wait3A_444 = arith.constant 0 : i32
        %dma_wait3A_445 = arith.constant 0 : i32
        %dma_wait3A_446 = tpu.memref_slice %run_scoped3A[%rem3A_199, %dma_wait3A_444, %dma_wait3A_445] : memref<2x8x125xi32, #tpu.memory_space<vmem>> -> memref<1x8x125xi32, #tpu.memory_space<vmem>>
        %dma_wait3A_447 = tpu.memref_squeeze %dma_wait3A_446 : memref<1x8x125xi32, #tpu.memory_space<vmem>> -> memref<8x125xi32, #tpu.memory_space<vmem>>
        %dma_wait3A_448 = arith.constant 0 : i32
        %dma_wait3A_449 = tpu.memref_slice %dma_wait3A_447[%dma_wait3A_436, %dma_wait3A_448] : memref<8x125xi32, #tpu.memory_space<vmem>> -> memref<1x125xi32, #tpu.memory_space<vmem>>
        %dma_wait3A_450 = tpu.memref_squeeze %dma_wait3A_449 : memref<1x125xi32, #tpu.memory_space<vmem>> -> memref<125xi32, #tpu.memory_space<vmem>>
        %dma_wait3A_451 = arith.constant 0 : i32
        %dma_wait3A_452 = arith.constant 0 : i32
        %dma_wait3A_453 = tpu.memref_slice %arg2[%dma_wait3A_451, %dma_wait3A_452] : memref<10000x16xf32, #tpu.memory_space<hbm>> -> memref<10000x16xf32, #tpu.memory_space<hbm>>
        tpu.wait_indirect_dma semaphore(%arg5 : memref<!tpu.dma_semaphore, #tpu.memory_space<semaphore_mem>>) src(%dma_wait3A_453 : memref<10000x16xf32, #tpu.memory_space<hbm>>) dst(%dma_wait3A_443 : memref<125x16xf32, #tpu.memory_space<vmem>>)
        %dma_wait3A_454 = arith.constant 6 : i32
        %dma_wait3A_455 = arith.constant 0 : i32
        %dma_wait3A_456 = arith.constant 0 : i32
        %dma_wait3A_457 = tpu.memref_slice %run_scoped3A_8[%rem3A_201, %dma_wait3A_455, %dma_wait3A_456] : memref<2x1000x16xf32, #tpu.memory_space<vmem>> -> memref<1x1000x16xf32, #tpu.memory_space<vmem>>
        %dma_wait3A_458 = tpu.memref_squeeze %dma_wait3A_457 : memref<1x1000x16xf32, #tpu.memory_space<vmem>> -> memref<1000x16xf32, #tpu.memory_space<vmem>>
        %dma_wait3A_459 = arith.constant 750 : i32
        %dma_wait3A_460 = arith.constant 0 : i32
        %dma_wait3A_461 = tpu.memref_slice %dma_wait3A_458[%dma_wait3A_459, %dma_wait3A_460] : memref<1000x16xf32, #tpu.memory_space<vmem>> -> memref<125x16xf32, #tpu.memory_space<vmem>>
        %dma_wait3A_462 = arith.constant 0 : i32
        %dma_wait3A_463 = arith.constant 0 : i32
        %dma_wait3A_464 = tpu.memref_slice %run_scoped3A[%rem3A_199, %dma_wait3A_462, %dma_wait3A_463] : memref<2x8x125xi32, #tpu.memory_space<vmem>> -> memref<1x8x125xi32, #tpu.memory_space<vmem>>
        %dma_wait3A_465 = tpu.memref_squeeze %dma_wait3A_464 : memref<1x8x125xi32, #tpu.memory_space<vmem>> -> memref<8x125xi32, #tpu.memory_space<vmem>>
        %dma_wait3A_466 = arith.constant 0 : i32
        %dma_wait3A_467 = tpu.memref_slice %dma_wait3A_465[%dma_wait3A_454, %dma_wait3A_466] : memref<8x125xi32, #tpu.memory_space<vmem>> -> memref<1x125xi32, #tpu.memory_space<vmem>>
        %dma_wait3A_468 = tpu.memref_squeeze %dma_wait3A_467 : memref<1x125xi32, #tpu.memory_space<vmem>> -> memref<125xi32, #tpu.memory_space<vmem>>
        %dma_wait3A_469 = arith.constant 0 : i32
        %dma_wait3A_470 = arith.constant 0 : i32
        %dma_wait3A_471 = tpu.memref_slice %arg2[%dma_wait3A_469, %dma_wait3A_470] : memref<10000x16xf32, #tpu.memory_space<hbm>> -> memref<10000x16xf32, #tpu.memory_space<hbm>>
        tpu.wait_indirect_dma semaphore(%arg5 : memref<!tpu.dma_semaphore, #tpu.memory_space<semaphore_mem>>) src(%dma_wait3A_471 : memref<10000x16xf32, #tpu.memory_space<hbm>>) dst(%dma_wait3A_461 : memref<125x16xf32, #tpu.memory_space<vmem>>)
        %dma_wait3A_472 = arith.constant 7 : i32
        %dma_wait3A_473 = arith.constant 0 : i32
        %dma_wait3A_474 = arith.constant 0 : i32
        %dma_wait3A_475 = tpu.memref_slice %run_scoped3A_8[%rem3A_201, %dma_wait3A_473, %dma_wait3A_474] : memref<2x1000x16xf32, #tpu.memory_space<vmem>> -> memref<1x1000x16xf32, #tpu.memory_space<vmem>>
        %dma_wait3A_476 = tpu.memref_squeeze %dma_wait3A_475 : memref<1x1000x16xf32, #tpu.memory_space<vmem>> -> memref<1000x16xf32, #tpu.memory_space<vmem>>
        %dma_wait3A_477 = arith.constant 875 : i32
        %dma_wait3A_478 = arith.constant 0 : i32
        %dma_wait3A_479 = tpu.memref_slice %dma_wait3A_476[%dma_wait3A_477, %dma_wait3A_478] : memref<1000x16xf32, #tpu.memory_space<vmem>> -> memref<125x16xf32, #tpu.memory_space<vmem>>
        %dma_wait3A_480 = arith.constant 0 : i32
        %dma_wait3A_481 = arith.constant 0 : i32
        %dma_wait3A_482 = tpu.memref_slice %run_scoped3A[%rem3A_199, %dma_wait3A_480, %dma_wait3A_481] : memref<2x8x125xi32, #tpu.memory_space<vmem>> -> memref<1x8x125xi32, #tpu.memory_space<vmem>>
        %dma_wait3A_483 = tpu.memref_squeeze %dma_wait3A_482 : memref<1x8x125xi32, #tpu.memory_space<vmem>> -> memref<8x125xi32, #tpu.memory_space<vmem>>
        %dma_wait3A_484 = arith.constant 0 : i32
        %dma_wait3A_485 = tpu.memref_slice %dma_wait3A_483[%dma_wait3A_472, %dma_wait3A_484] : memref<8x125xi32, #tpu.memory_space<vmem>> -> memref<1x125xi32, #tpu.memory_space<vmem>>
        %dma_wait3A_486 = tpu.memref_squeeze %dma_wait3A_485 : memref<1x125xi32, #tpu.memory_space<vmem>> -> memref<125xi32, #tpu.memory_space<vmem>>
        %dma_wait3A_487 = arith.constant 0 : i32
        %dma_wait3A_488 = arith.constant 0 : i32
        %dma_wait3A_489 = tpu.memref_slice %arg2[%dma_wait3A_487, %dma_wait3A_488] : memref<10000x16xf32, #tpu.memory_space<hbm>> -> memref<10000x16xf32, #tpu.memory_space<hbm>>
        tpu.wait_indirect_dma semaphore(%arg5 : memref<!tpu.dma_semaphore, #tpu.memory_space<semaphore_mem>>) src(%dma_wait3A_489 : memref<10000x16xf32, #tpu.memory_space<hbm>>) dst(%dma_wait3A_479 : memref<125x16xf32, #tpu.memory_space<vmem>>)
        "tpu.trace_stop"() : () -> ()
        %ne3A_490 = arith.cmpi ne, %add3A_131, %add3A_149 : i32
        %or3A_491 = arith.constant false
        %or3A_492 = arith.ori %or3A_491, %ne3A_490 : i1
        %or3A_493 = arith.constant false
        %or3A_494 = arith.ori %or3A_492, %or3A_493 : i1
        %or3A_495 = arith.ori %or3A_494, %eq3A_130 : i1
        %convert_element_type3A_496 = arith.extui %or3A_495 : i1 to i32
        %cond3A_497 = arith.constant 0 : i32
        %cond3A_498 = arith.cmpi ne, %convert_element_type3A_496, %cond3A_497 : i32
        scf.if %cond3A_498 {
        } else {
        }
        %and3A_499 = arith.constant false
        %and3A_500 = arith.andi %or3A_495, %and3A_499 : i1
        %ne3A_501 = arith.cmpi ne, %add3A_131, %add3A_149 : i32
        %or3A_502 = arith.constant false
        %or3A_503 = arith.ori %or3A_502, %ne3A_501 : i1
        %or3A_504 = arith.constant false
        %or3A_505 = arith.ori %or3A_503, %or3A_504 : i1
        %or3A_506 = arith.ori %or3A_505, %eq3A_130 : i1
        %convert_element_type3A_507 = arith.extui %or3A_506 : i1 to i32
        %cond3A_508 = arith.constant 0 : i32
        %cond3A_509 = arith.cmpi ne, %convert_element_type3A_507, %cond3A_508 : i32
        scf.if %cond3A_509 {
          "tpu.trace_start"() <{level = 10 : i32, message = "ep_copy_out"}> : () -> ()
          %rem3A_561 = arith.constant 2 : i32
          %rem3A_562 = arith.remui %scan3A_124, %rem3A_561 : i32
          %mul3A_563 = arith.constant 1000 : i32
          %mul3A_564 = arith.muli %mul3A_563, %add3A_131 : i32
          %dma_start3A_565 = arith.constant 0 : i32
          %dma_start3A_566 = arith.constant 0 : i32
          %dma_start3A_567 = tpu.memref_slice %run_scoped3A_8[%rem3A_562, %dma_start3A_565, %dma_start3A_566] : memref<2x1000x16xf32, #tpu.memory_space<vmem>> -> memref<1x1000x16xf32, #tpu.memory_space<vmem>>
          %dma_start3A_568 = tpu.memref_squeeze %dma_start3A_567 : memref<1x1000x16xf32, #tpu.memory_space<vmem>> -> memref<1000x16xf32, #tpu.memory_space<vmem>>
          %dma_start3A_569 = arith.constant 0 : i32
          %dma_start3A_570 = tpu.memref_slice %arg4[%mul3A_564, %dma_start3A_569] : memref<320000x16xf32, #tpu.memory_space<hbm>> -> memref<1000x16xf32, #tpu.memory_space<hbm>>
          %dma_start3A_571 = tpu.memref_slice %run_scoped3A_9[%rem3A_562] : memref<2x!tpu.dma_semaphore, #tpu.memory_space<semaphore_mem>> -> memref<1x!tpu.dma_semaphore, #tpu.memory_space<semaphore_mem>>
          %dma_start3A_572 = tpu.memref_squeeze %dma_start3A_571 : memref<1x!tpu.dma_semaphore, #tpu.memory_space<semaphore_mem>> -> memref<!tpu.dma_semaphore, #tpu.memory_space<semaphore_mem>>
          %dma_start3A_573 = arith.constant 0 : i32
          %dma_start3A_574 = tpu.memref_slice %arg4[%mul3A_564, %dma_start3A_573] : memref<320000x16xf32, #tpu.memory_space<hbm>> -> memref<1000x16xf32, #tpu.memory_space<hbm>>
          %dma_start3A_575 = arith.constant 0 : i32
          %dma_start3A_576 = arith.constant 0 : i32
          %dma_start3A_577 = tpu.memref_slice %run_scoped3A_8[%rem3A_562, %dma_start3A_575, %dma_start3A_576] : memref<2x1000x16xf32, #tpu.memory_space<vmem>> -> memref<1x1000x16xf32, #tpu.memory_space<vmem>>
          %dma_start3A_578 = tpu.memref_squeeze %dma_start3A_577 : memref<1x1000x16xf32, #tpu.memory_space<vmem>> -> memref<1000x16xf32, #tpu.memory_space<vmem>>
          tpu.enqueue_dma source(%dma_start3A_578 : memref<1000x16xf32, #tpu.memory_space<vmem>>) target(%dma_start3A_574 : memref<1000x16xf32, #tpu.memory_space<hbm>>) target_semaphore(%dma_start3A_572 : memref<!tpu.dma_semaphore, #tpu.memory_space<semaphore_mem>>)
          "tpu.trace_stop"() : () -> ()
        } else {
        }
        %and3A_510 = arith.constant true
        %and3A_511 = arith.andi %or3A_506, %and3A_510 : i1
        %add3A_512 = arith.constant 1 : i32
        %add3A_513 = arith.addi %scan3A_124, %add3A_512 : i32
        %select_n3A_514 = arith.select %and3A_511, %add3A_513, %scan3A_124 : i32
        %ne3A_515 = arith.cmpi ne, %add3A_131, %add3A_140 : i32
        %or3A_516 = arith.constant false
        %or3A_517 = arith.ori %or3A_516, %ne3A_515 : i1
        %or3A_518 = arith.constant false
        %or3A_519 = arith.ori %or3A_517, %or3A_518 : i1
        %not3A_520 = arith.constant true
        %not3A_521 = arith.xori %eq3A_128, %not3A_520 : i1
        %and3A_522 = arith.andi %or3A_519, %not3A_521 : i1
        %convert_element_type3A_523 = arith.extui %and3A_522 : i1 to i32
        %cond3A_524 = arith.constant 0 : i32
        %cond3A_525 = arith.cmpi ne, %convert_element_type3A_523, %cond3A_524 : i32
        scf.if %cond3A_525 {
        } else {
        }
        %and3A_526 = arith.constant false
        %and3A_527 = arith.andi %and3A_522, %and3A_526 : i1
        %ne3A_528 = arith.cmpi ne, %add3A_131, %add3A_140 : i32
        %or3A_529 = arith.constant false
        %or3A_530 = arith.ori %or3A_529, %ne3A_528 : i1
        %or3A_531 = arith.constant false
        %or3A_532 = arith.ori %or3A_530, %or3A_531 : i1
        %not3A_533 = arith.constant true
        %not3A_534 = arith.xori %eq3A_128, %not3A_533 : i1
        %and3A_535 = arith.andi %or3A_532, %not3A_534 : i1
        %convert_element_type3A_536 = arith.extui %and3A_535 : i1 to i32
        %cond3A_537 = arith.constant 0 : i32
        %cond3A_538 = arith.cmpi ne, %convert_element_type3A_536, %cond3A_537 : i32
        scf.if %cond3A_538 {
          "tpu.trace_start"() <{level = 10 : i32, message = "ep_wait_out"}> : () -> ()
          %rem3A_561 = arith.constant 2 : i32
          %rem3A_562 = arith.remui %scan3A_125, %rem3A_561 : i32
          %mul3A_563 = arith.constant 1000 : i32
          %mul3A_564 = arith.muli %mul3A_563, %add3A_140 : i32
          %dma_wait3A_565 = arith.constant 0 : i32
          %dma_wait3A_566 = arith.constant 0 : i32
          %dma_wait3A_567 = tpu.memref_slice %run_scoped3A_8[%rem3A_562, %dma_wait3A_565, %dma_wait3A_566] : memref<2x1000x16xf32, #tpu.memory_space<vmem>> -> memref<1x1000x16xf32, #tpu.memory_space<vmem>>
          %dma_wait3A_568 = tpu.memref_squeeze %dma_wait3A_567 : memref<1x1000x16xf32, #tpu.memory_space<vmem>> -> memref<1000x16xf32, #tpu.memory_space<vmem>>
          %dma_wait3A_569 = arith.constant 0 : i32
          %dma_wait3A_570 = tpu.memref_slice %arg4[%mul3A_564, %dma_wait3A_569] : memref<320000x16xf32, #tpu.memory_space<hbm>> -> memref<1000x16xf32, #tpu.memory_space<hbm>>
          %dma_wait3A_571 = tpu.memref_slice %run_scoped3A_9[%rem3A_562] : memref<2x!tpu.dma_semaphore, #tpu.memory_space<semaphore_mem>> -> memref<1x!tpu.dma_semaphore, #tpu.memory_space<semaphore_mem>>
          %dma_wait3A_572 = tpu.memref_squeeze %dma_wait3A_571 : memref<1x!tpu.dma_semaphore, #tpu.memory_space<semaphore_mem>> -> memref<!tpu.dma_semaphore, #tpu.memory_space<semaphore_mem>>
          %dma_wait3A_573 = arith.constant 0 : i32
          %dma_wait3A_574 = tpu.memref_slice %arg4[%mul3A_564, %dma_wait3A_573] : memref<320000x16xf32, #tpu.memory_space<hbm>> -> memref<1000x16xf32, #tpu.memory_space<hbm>>
          %dma_wait3A_575 = arith.constant 0 : i32
          %dma_wait3A_576 = arith.constant 0 : i32
          %dma_wait3A_577 = tpu.memref_slice %run_scoped3A_8[%rem3A_562, %dma_wait3A_575, %dma_wait3A_576] : memref<2x1000x16xf32, #tpu.memory_space<vmem>> -> memref<1x1000x16xf32, #tpu.memory_space<vmem>>
          %dma_wait3A_578 = tpu.memref_squeeze %dma_wait3A_577 : memref<1x1000x16xf32, #tpu.memory_space<vmem>> -> memref<1000x16xf32, #tpu.memory_space<vmem>>
          tpu.wait_dma2 semaphore(%dma_wait3A_572 : memref<!tpu.dma_semaphore, #tpu.memory_space<semaphore_mem>>) src(%dma_wait3A_578 : memref<1000x16xf32, #tpu.memory_space<vmem>>) dst(%dma_wait3A_574 : memref<1000x16xf32, #tpu.memory_space<hbm>>)
          "tpu.trace_stop"() : () -> ()
        } else {
        }
        %and3A_539 = arith.constant true
        %and3A_540 = arith.andi %and3A_535, %and3A_539 : i1
        %add3A_541 = arith.constant 1 : i32
        %add3A_542 = arith.addi %scan3A_125, %add3A_541 : i32
        %select_n3A_543 = arith.select %and3A_540, %add3A_542, %scan3A_125 : i32
        %ne3A_544 = arith.cmpi ne, %add3A_131, %add3A_149 : i32
        %or3A_545 = arith.constant false
        %or3A_546 = arith.ori %or3A_545, %ne3A_544 : i1
        %or3A_547 = arith.constant false
        %or3A_548 = arith.ori %or3A_546, %or3A_547 : i1
        %or3A_549 = arith.ori %or3A_548, %eq3A_130 : i1
        %add3A_550 = arith.constant 1 : i32
        %add3A_551 = arith.addi %scan3A_123, %add3A_550 : i32
        %select_n3A_552 = arith.select %or3A_549, %add3A_551, %scan3A_123 : i32
        %add3A_553 = arith.constant 1 : i32
        %add3A_554 = arith.addi %scan3A_126, %add3A_553 : i32
        %select_n3A_555 = arith.constant true
        %select_n3A_556 = arith.select %select_n3A_555, %add3A_554, %scan3A_126 : i32
        %eq3A_557 = arith.constant 10 : i32
        %eq3A_558 = arith.cmpi eq, %select_n3A_556, %eq3A_557 : i32
        %select_n3A_559 = arith.constant 0 : i32
        %select_n3A_560 = arith.select %eq3A_558, %select_n3A_559, %select_n3A_556 : i32
        scf.yield %select_n3A_169, %select_n3A_552, %select_n3A_514, %select_n3A_543, %select_n3A_560 : i32, i32, i32, i32, i32
      }
      %scan3A_68 = arith.constant 10 : i32
      %sub3A = arith.constant 1 : i32
      %sub3A_69 = arith.subi %scan3A_67#4, %sub3A : i32
      %select_n3A_70 = arith.constant true
      %select_n3A_71 = arith.select %select_n3A_70, %sub3A_69, %scan3A_67#4 : i32
      %eq3A_72 = arith.constant -1 : i32
      %eq3A_73 = arith.cmpi eq, %select_n3A_71, %eq3A_72 : i32
      %select_n3A_74 = arith.constant 9 : i32
      %select_n3A_75 = arith.select %eq3A_73, %select_n3A_74, %select_n3A_71 : i32
      %add3A_76 = arith.addi %select_n3A_75, %mul3A_6 : i32
      %sub3A_77 = arith.constant 1 : i32
      %sub3A_78 = arith.subi %select_n3A_75, %sub3A_77 : i32
      %select_n3A_79 = arith.constant true
      %select_n3A_80 = arith.select %select_n3A_79, %sub3A_78, %select_n3A_75 : i32
      %eq3A_81 = arith.constant -1 : i32
      %eq3A_82 = arith.cmpi eq, %select_n3A_80, %eq3A_81 : i32
      %select_n3A_83 = arith.constant 9 : i32
      %select_n3A_84 = arith.select %eq3A_82, %select_n3A_83, %select_n3A_80 : i32
      %add3A_85 = arith.addi %select_n3A_84, %mul3A_6 : i32
      %add3A_86 = arith.constant 1 : i32
      %add3A_87 = arith.addi %select_n3A_75, %add3A_86 : i32
      %select_n3A_88 = arith.constant true
      %select_n3A_89 = arith.select %select_n3A_88, %add3A_87, %select_n3A_75 : i32
      %eq3A_90 = arith.constant 10 : i32
      %eq3A_91 = arith.cmpi eq, %select_n3A_89, %eq3A_90 : i32
      %select_n3A_92 = arith.constant 0 : i32
      %select_n3A_93 = arith.select %eq3A_91, %select_n3A_92, %select_n3A_89 : i32
      %add3A_94 = arith.addi %select_n3A_93, %mul3A_6 : i32
      %add3A_95 = arith.constant 1 : i32
      %add3A_96 = arith.addi %select_n3A_93, %add3A_95 : i32
      %select_n3A_97 = arith.constant true
      %select_n3A_98 = arith.select %select_n3A_97, %add3A_96, %select_n3A_93 : i32
      %eq3A_99 = arith.constant 10 : i32
      %eq3A_100 = arith.cmpi eq, %select_n3A_98, %eq3A_99 : i32
      %select_n3A_101 = arith.constant 0 : i32
      %select_n3A_102 = arith.select %eq3A_100, %select_n3A_101, %select_n3A_98 : i32
      %add3A_103 = arith.addi %select_n3A_102, %mul3A_6 : i32
      "tpu.trace_start"() <{level = 10 : i32, message = "ep_finalize"}> : () -> ()
      %rem3A_104 = arith.constant 2 : i32
      %rem3A_105 = arith.remui %scan3A_67#3, %rem3A_104 : i32
      %mul3A_106 = arith.constant 1000 : i32
      %mul3A_107 = arith.muli %mul3A_106, %add3A_76 : i32
      %dma_wait3A = arith.constant 0 : i32
      %dma_wait3A_108 = arith.constant 0 : i32
      %dma_wait3A_109 = tpu.memref_slice %run_scoped3A_8[%rem3A_105, %dma_wait3A, %dma_wait3A_108] : memref<2x1000x16xf32, #tpu.memory_space<vmem>> -> memref<1x1000x16xf32, #tpu.memory_space<vmem>>
      %dma_wait3A_110 = tpu.memref_squeeze %dma_wait3A_109 : memref<1x1000x16xf32, #tpu.memory_space<vmem>> -> memref<1000x16xf32, #tpu.memory_space<vmem>>
      %dma_wait3A_111 = arith.constant 0 : i32
      %dma_wait3A_112 = tpu.memref_slice %arg4[%mul3A_107, %dma_wait3A_111] : memref<320000x16xf32, #tpu.memory_space<hbm>> -> memref<1000x16xf32, #tpu.memory_space<hbm>>
      %dma_wait3A_113 = tpu.memref_slice %run_scoped3A_9[%rem3A_105] : memref<2x!tpu.dma_semaphore, #tpu.memory_space<semaphore_mem>> -> memref<1x!tpu.dma_semaphore, #tpu.memory_space<semaphore_mem>>
      %dma_wait3A_114 = tpu.memref_squeeze %dma_wait3A_113 : memref<1x!tpu.dma_semaphore, #tpu.memory_space<semaphore_mem>> -> memref<!tpu.dma_semaphore, #tpu.memory_space<semaphore_mem>>
      %dma_wait3A_115 = arith.constant 0 : i32
      %dma_wait3A_116 = tpu.memref_slice %arg4[%mul3A_107, %dma_wait3A_115] : memref<320000x16xf32, #tpu.memory_space<hbm>> -> memref<1000x16xf32, #tpu.memory_space<hbm>>
      %dma_wait3A_117 = arith.constant 0 : i32
      %dma_wait3A_118 = arith.constant 0 : i32
      %dma_wait3A_119 = tpu.memref_slice %run_scoped3A_8[%rem3A_105, %dma_wait3A_117, %dma_wait3A_118] : memref<2x1000x16xf32, #tpu.memory_space<vmem>> -> memref<1x1000x16xf32, #tpu.memory_space<vmem>>
      %dma_wait3A_120 = tpu.memref_squeeze %dma_wait3A_119 : memref<1x1000x16xf32, #tpu.memory_space<vmem>> -> memref<1000x16xf32, #tpu.memory_space<vmem>>
      tpu.wait_dma2 semaphore(%dma_wait3A_114 : memref<!tpu.dma_semaphore, #tpu.memory_space<semaphore_mem>>) src(%dma_wait3A_120 : memref<1000x16xf32, #tpu.memory_space<vmem>>) dst(%dma_wait3A_116 : memref<1000x16xf32, #tpu.memory_space<hbm>>)
      "tpu.trace_stop"() : () -> ()
      tpu.yield
    }) : () -> ()
    return
  }
}

#map = affine_map<(d0, d1) -> (0, 0)>
#map1 = affine_map<(d0, d1) -> (0, 0, 0)>
module attributes {stable_mosaic.version = 14 : i64} {
  func.func @scatter_kernel(%arg0: i32, %arg1: i32, %arg2: memref<320000x16xf32, #tpu.memory_space<hbm>>, %arg3: memref<2560x125xi32, #tpu.memory_space<hbm>>, %arg4: memref<2x10000x16xf32, #tpu.memory_space<hbm>>, %arg5: memref<10000x16xf32, #tpu.memory_space<vmem_shared>>, %arg6: memref<625x16xf32, #tpu.memory_space<vmem>>, %arg7: memref<!tpu.dma_semaphore, #tpu.memory_space<semaphore_mem>>) attributes {dimension_semantics = [#tpu.dimension_semantics<core_parallel>, #tpu.dimension_semantics<subcore_parallel>], iteration_bounds = array<i64: 2, 16>, scalar_prefetch = 0 : i64, scratch_operands = 3 : i64, tpu.core_type = #tpu.core_type<sc_vector_subcore>, window_params = [{transform_indices = #map}, {transform_indices = #map}, {transform_indices = #map1}]} {
    %scan3A = arith.constant 0 : i32
    %scan3A_0 = arith.constant 625 : i32
    %scan3A_1 = arith.addi %scan3A, %scan3A_0 : i32
    %scan3A_2 = arith.constant 1 : i32
    scf.for %scan3A_14 = %scan3A to %scan3A_1 step %scan3A_2  : i32 {
      %mul3A_15 = arith.constant 1 : i32
      %mul3A_16 = arith.muli %scan3A_14, %mul3A_15 : i32
      %add3A_17 = arith.constant 0 : i32
      %add3A_18 = arith.addi %add3A_17, %mul3A_16 : i32
      %broadcast_in_dim3A = arith.constant 0.000000e+00 : f32
      %broadcast_in_dim3A_19 = vector.broadcast %broadcast_in_dim3A : f32 to vector<16xf32>
      %swap3A = arith.index_cast %add3A_18 : i32 to index
      %swap3A_20 = arith.constant 0 : index
      %swap3A_21 = tpu.vector_load %arg6[%swap3A, %swap3A_20] {strides = array<i32>} : memref<625x16xf32, #tpu.memory_space<vmem>>, vector<1x16xf32>,
      %swap3A_22 = vector.shape_cast %swap3A_21 : vector<1x16xf32> to vector<16xf32>
      %swap3A_23 = vector.shape_cast %broadcast_in_dim3A_19 : vector<16xf32> to vector<1x16xf32>
      tpu.vector_store %arg6[%swap3A, %swap3A_20], %swap3A_23 {strides = array<i32>} : memref<625x16xf32, #tpu.memory_space<vmem>>, vector<1x16xf32>,
    }
    %scan3A_3 = arith.constant 625 : i32
    %mul3A = arith.constant 625 : i32
    %mul3A_4 = arith.muli %arg1, %mul3A : i32
    "tpu.region"() ({
      %run_scoped3A = tpu.sem_alloc : memref<!tpu.dma_semaphore, #tpu.memory_space<semaphore_mem>>
      %dma_start3A = arith.constant 0 : i32
      %dma_start3A_14 = tpu.memref_slice %arg5[%mul3A_4, %dma_start3A] : memref<10000x16xf32, #tpu.memory_space<vmem_shared>> -> memref<625x16xf32, #tpu.memory_space<vmem_shared>>
      %dma_start3A_15 = arith.constant 0 : i32
      %dma_start3A_16 = tpu.memref_slice %arg5[%mul3A_4, %dma_start3A_15] : memref<10000x16xf32, #tpu.memory_space<vmem_shared>> -> memref<625x16xf32, #tpu.memory_space<vmem_shared>>
      tpu.enqueue_dma source(%arg6 : memref<625x16xf32, #tpu.memory_space<vmem>>) target(%dma_start3A_16 : memref<625x16xf32, #tpu.memory_space<vmem_shared>>) target_semaphore(%run_scoped3A : memref<!tpu.dma_semaphore, #tpu.memory_space<semaphore_mem>>)
      %dma_wait3A = arith.constant 0 : i32
      %dma_wait3A_17 = tpu.memref_slice %arg5[%mul3A_4, %dma_wait3A] : memref<10000x16xf32, #tpu.memory_space<vmem_shared>> -> memref<625x16xf32, #tpu.memory_space<vmem_shared>>
      %dma_wait3A_18 = arith.constant 0 : i32
      %dma_wait3A_19 = tpu.memref_slice %arg5[%mul3A_4, %dma_wait3A_18] : memref<10000x16xf32, #tpu.memory_space<vmem_shared>> -> memref<625x16xf32, #tpu.memory_space<vmem_shared>>
      tpu.wait_dma2 semaphore(%run_scoped3A : memref<!tpu.dma_semaphore, #tpu.memory_space<semaphore_mem>>) src(%arg6 : memref<625x16xf32, #tpu.memory_space<vmem>>) dst(%dma_wait3A_19 : memref<625x16xf32, #tpu.memory_space<vmem_shared>>)
      tpu.yield
    }) : () -> ()
    %barrier3A = arith.constant 0 : index
    tpu.barrier barrier_id(%barrier3A)
    %mul3A_5 = arith.constant 1 : i32
    %mul3A_6 = arith.muli %arg1, %mul3A_5 : i32
    %add3A = arith.constant 0 : i32
    %add3A_7 = arith.addi %add3A, %mul3A_6 : i32
    %mul3A_8 = arith.constant 16 : i32
    %mul3A_9 = arith.muli %arg0, %mul3A_8 : i32
    %add3A_10 = arith.addi %add3A_7, %mul3A_9 : i32
    %mul3A_11 = arith.constant 10 : i32
    %mul3A_12 = arith.muli %add3A_10, %mul3A_11 : i32
    "tpu.region"() ({
      %run_scoped3A = memref.alloca() : memref<2x1000x16xf32, #tpu.memory_space<vmem>>
      %run_scoped3A_14 = tpu.sem_alloc : memref<2x!tpu.dma_semaphore, #tpu.memory_space<semaphore_mem>>
      %run_scoped3A_15 = memref.alloca() : memref<2x8x125xi32, #tpu.memory_space<vmem>>
      %run_scoped3A_16 = tpu.sem_alloc : memref<2x!tpu.dma_semaphore, #tpu.memory_space<semaphore_mem>>
      %add3A_17 = arith.constant 0 : i32
      %add3A_18 = arith.addi %add3A_17, %mul3A_12 : i32
      %select_n3A = arith.constant true
      %select_n3A_19 = arith.constant 0 : i32
      %select_n3A_20 = arith.constant -1 : i32
      %select_n3A_21 = arith.select %select_n3A, %select_n3A_20, %select_n3A_19 : i32
      %eq3A = arith.constant -1 : i32
      %eq3A_22 = arith.cmpi eq, %select_n3A_21, %eq3A : i32
      %select_n3A_23 = arith.constant 9 : i32
      %select_n3A_24 = arith.select %eq3A_22, %select_n3A_23, %select_n3A_21 : i32
      %add3A_25 = arith.addi %select_n3A_24, %mul3A_12 : i32
      %select_n3A_26 = arith.constant true
      %select_n3A_27 = arith.constant 0 : i32
      %select_n3A_28 = arith.constant 1 : i32
      %select_n3A_29 = arith.select %select_n3A_26, %select_n3A_28, %select_n3A_27 : i32
      %eq3A_30 = arith.constant 10 : i32
      %eq3A_31 = arith.cmpi eq, %select_n3A_29, %eq3A_30 : i32
      %select_n3A_32 = arith.constant 0 : i32
      %select_n3A_33 = arith.select %eq3A_31, %select_n3A_32, %select_n3A_29 : i32
      %add3A_34 = arith.addi %select_n3A_33, %mul3A_12 : i32
      %add3A_35 = arith.constant 1 : i32
      %add3A_36 = arith.addi %select_n3A_33, %add3A_35 : i32
      %select_n3A_37 = arith.constant true
      %select_n3A_38 = arith.select %select_n3A_37, %add3A_36, %select_n3A_33 : i32
      %eq3A_39 = arith.constant 10 : i32
      %eq3A_40 = arith.cmpi eq, %select_n3A_38, %eq3A_39 : i32
      %select_n3A_41 = arith.constant 0 : i32
      %select_n3A_42 = arith.select %eq3A_40, %select_n3A_41, %select_n3A_38 : i32
      %add3A_43 = arith.addi %select_n3A_42, %mul3A_12 : i32
      "tpu.trace_start"() <{level = 10 : i32, message = "ep_initialize_0"}> : () -> ()
      %rem3A = arith.constant 0 : i32
      %rem3A_44 = arith.constant 2 : i32
      %rem3A_45 = arith.remui %rem3A, %rem3A_44 : i32
      %mul3A_46 = arith.constant 1000 : i32
      %mul3A_47 = arith.muli %mul3A_46, %add3A_18 : i32
      %dma_start3A = arith.constant 0 : i32
      %dma_start3A_48 = arith.constant 0 : i32
      %dma_start3A_49 = tpu.memref_slice %run_scoped3A[%rem3A_45, %dma_start3A, %dma_start3A_48] : memref<2x1000x16xf32, #tpu.memory_space<vmem>> -> memref<1x1000x16xf32, #tpu.memory_space<vmem>>
      %dma_start3A_50 = tpu.memref_squeeze %dma_start3A_49 : memref<1x1000x16xf32, #tpu.memory_space<vmem>> -> memref<1000x16xf32, #tpu.memory_space<vmem>>
      %dma_start3A_51 = arith.constant 0 : i32
      %dma_start3A_52 = tpu.memref_slice %arg2[%mul3A_47, %dma_start3A_51] : memref<320000x16xf32, #tpu.memory_space<hbm>> -> memref<1000x16xf32, #tpu.memory_space<hbm>>
      %dma_start3A_53 = tpu.memref_slice %run_scoped3A_14[%rem3A_45] : memref<2x!tpu.dma_semaphore, #tpu.memory_space<semaphore_mem>> -> memref<1x!tpu.dma_semaphore, #tpu.memory_space<semaphore_mem>>
      %dma_start3A_54 = tpu.memref_squeeze %dma_start3A_53 : memref<1x!tpu.dma_semaphore, #tpu.memory_space<semaphore_mem>> -> memref<!tpu.dma_semaphore, #tpu.memory_space<semaphore_mem>>
      %dma_start3A_55 = arith.constant 0 : i32
      %dma_start3A_56 = arith.constant 0 : i32
      %dma_start3A_57 = tpu.memref_slice %run_scoped3A[%rem3A_45, %dma_start3A_55, %dma_start3A_56] : memref<2x1000x16xf32, #tpu.memory_space<vmem>> -> memref<1x1000x16xf32, #tpu.memory_space<vmem>>
      %dma_start3A_58 = tpu.memref_squeeze %dma_start3A_57 : memref<1x1000x16xf32, #tpu.memory_space<vmem>> -> memref<1000x16xf32, #tpu.memory_space<vmem>>
      %dma_start3A_59 = arith.constant 0 : i32
      %dma_start3A_60 = tpu.memref_slice %arg2[%mul3A_47, %dma_start3A_59] : memref<320000x16xf32, #tpu.memory_space<hbm>> -> memref<1000x16xf32, #tpu.memory_space<hbm>>
      tpu.enqueue_dma source(%dma_start3A_60 : memref<1000x16xf32, #tpu.memory_space<hbm>>) target(%dma_start3A_58 : memref<1000x16xf32, #tpu.memory_space<vmem>>) target_semaphore(%dma_start3A_54 : memref<!tpu.dma_semaphore, #tpu.memory_space<semaphore_mem>>)
      %add3A_61 = arith.constant 0 : i32
      %add3A_62 = arith.constant 1 : i32
      %add3A_63 = arith.addi %add3A_61, %add3A_62 : i32
      %select_n3A_64 = arith.constant true
      %select_n3A_65 = arith.constant 0 : i32
      %select_n3A_66 = arith.select %select_n3A_64, %add3A_63, %select_n3A_65 : i32
      %rem3A_67 = arith.constant 0 : i32
      %rem3A_68 = arith.constant 2 : i32
      %rem3A_69 = arith.remui %rem3A_67, %rem3A_68 : i32
      %mul3A_70 = arith.constant 8 : i32
      %mul3A_71 = arith.muli %mul3A_70, %add3A_18 : i32
      %dma_start3A_72 = arith.constant 0 : i32
      %dma_start3A_73 = arith.constant 0 : i32
      %dma_start3A_74 = tpu.memref_slice %run_scoped3A_15[%rem3A_69, %dma_start3A_72, %dma_start3A_73] : memref<2x8x125xi32, #tpu.memory_space<vmem>> -> memref<1x8x125xi32, #tpu.memory_space<vmem>>
      %dma_start3A_75 = tpu.memref_squeeze %dma_start3A_74 : memref<1x8x125xi32, #tpu.memory_space<vmem>> -> memref<8x125xi32, #tpu.memory_space<vmem>>
      %dma_start3A_76 = arith.constant 0 : i32
      %dma_start3A_77 = tpu.memref_slice %arg3[%mul3A_71, %dma_start3A_76] : memref<2560x125xi32, #tpu.memory_space<hbm>> -> memref<8x125xi32, #tpu.memory_space<hbm>>
      %dma_start3A_78 = tpu.memref_slice %run_scoped3A_16[%rem3A_69] : memref<2x!tpu.dma_semaphore, #tpu.memory_space<semaphore_mem>> -> memref<1x!tpu.dma_semaphore, #tpu.memory_space<semaphore_mem>>
      %dma_start3A_79 = tpu.memref_squeeze %dma_start3A_78 : memref<1x!tpu.dma_semaphore, #tpu.memory_space<semaphore_mem>> -> memref<!tpu.dma_semaphore, #tpu.memory_space<semaphore_mem>>
      %dma_start3A_80 = arith.constant 0 : i32
      %dma_start3A_81 = arith.constant 0 : i32
      %dma_start3A_82 = tpu.memref_slice %run_scoped3A_15[%rem3A_69, %dma_start3A_80, %dma_start3A_81] : memref<2x8x125xi32, #tpu.memory_space<vmem>> -> memref<1x8x125xi32, #tpu.memory_space<vmem>>
      %dma_start3A_83 = tpu.memref_squeeze %dma_start3A_82 : memref<1x8x125xi32, #tpu.memory_space<vmem>> -> memref<8x125xi32, #tpu.memory_space<vmem>>
      %dma_start3A_84 = arith.constant 0 : i32
      %dma_start3A_85 = tpu.memref_slice %arg3[%mul3A_71, %dma_start3A_84] : memref<2560x125xi32, #tpu.memory_space<hbm>> -> memref<8x125xi32, #tpu.memory_space<hbm>>
      tpu.enqueue_dma source(%dma_start3A_85 : memref<8x125xi32, #tpu.memory_space<hbm>>) target(%dma_start3A_83 : memref<8x125xi32, #tpu.memory_space<vmem>>) target_semaphore(%dma_start3A_79 : memref<!tpu.dma_semaphore, #tpu.memory_space<semaphore_mem>>)
      %add3A_86 = arith.constant 0 : i32
      %add3A_87 = arith.constant 1 : i32
      %add3A_88 = arith.addi %add3A_86, %add3A_87 : i32
      %select_n3A_89 = arith.constant true
      %select_n3A_90 = arith.constant 0 : i32
      %select_n3A_91 = arith.select %select_n3A_89, %add3A_88, %select_n3A_90 : i32
      "tpu.trace_stop"() : () -> ()
      %scan3A_92 = arith.constant 0 : i32
      %scan3A_93 = arith.constant 0 : i32
      %scan3A_94 = arith.constant 0 : i32
      %scan3A_95 = arith.constant 0 : i32
      %scan3A_96 = arith.constant 10 : i32
      %scan3A_97 = arith.addi %scan3A_95, %scan3A_96 : i32
      %scan3A_98 = arith.constant 1 : i32
      %scan3A_99:5 = scf.for %scan3A_136 = %scan3A_95 to %scan3A_97 step %scan3A_98 iter_args(%scan3A_137 = %select_n3A_66, %scan3A_138 = %scan3A_92, %scan3A_139 = %select_n3A_91, %scan3A_140 = %scan3A_93, %scan3A_141 = %scan3A_94) -> (i32, i32, i32, i32, i32)  : i32 {
        %eq3A_142 = arith.constant 0 : i32
        %eq3A_143 = arith.cmpi eq, %scan3A_136, %eq3A_142 : i32
        %eq3A_144 = arith.constant 9 : i32
        %eq3A_145 = arith.cmpi eq, %scan3A_136, %eq3A_144 : i32
        %add3A_146 = arith.addi %scan3A_141, %mul3A_12 : i32
        %sub3A_147 = arith.constant 1 : i32
        %sub3A_148 = arith.subi %scan3A_141, %sub3A_147 : i32
        %select_n3A_149 = arith.constant true
        %select_n3A_150 = arith.select %select_n3A_149, %sub3A_148, %scan3A_141 : i32
        %eq3A_151 = arith.constant -1 : i32
        %eq3A_152 = arith.cmpi eq, %select_n3A_150, %eq3A_151 : i32
        %select_n3A_153 = arith.constant 9 : i32
        %select_n3A_154 = arith.select %eq3A_152, %select_n3A_153, %select_n3A_150 : i32
        %add3A_155 = arith.addi %select_n3A_154, %mul3A_12 : i32
        %add3A_156 = arith.constant 1 : i32
        %add3A_157 = arith.addi %scan3A_141, %add3A_156 : i32
        %select_n3A_158 = arith.constant true
        %select_n3A_159 = arith.select %select_n3A_158, %add3A_157, %scan3A_141 : i32
        %eq3A_160 = arith.constant 10 : i32
        %eq3A_161 = arith.cmpi eq, %select_n3A_159, %eq3A_160 : i32
        %select_n3A_162 = arith.constant 0 : i32
        %select_n3A_163 = arith.select %eq3A_161, %select_n3A_162, %select_n3A_159 : i32
        %add3A_164 = arith.addi %select_n3A_163, %mul3A_12 : i32
        %add3A_165 = arith.constant 1 : i32
        %add3A_166 = arith.addi %select_n3A_163, %add3A_165 : i32
        %select_n3A_167 = arith.constant true
        %select_n3A_168 = arith.select %select_n3A_167, %add3A_166, %select_n3A_163 : i32
        %eq3A_169 = arith.constant 10 : i32
        %eq3A_170 = arith.cmpi eq, %select_n3A_168, %eq3A_169 : i32
        %select_n3A_171 = arith.constant 0 : i32
        %select_n3A_172 = arith.select %eq3A_170, %select_n3A_171, %select_n3A_168 : i32
        %add3A_173 = arith.addi %select_n3A_172, %mul3A_12 : i32
        %ne3A = arith.cmpi ne, %add3A_146, %add3A_164 : i32
        %or3A = arith.constant false
        %or3A_174 = arith.ori %or3A, %ne3A : i1
        %or3A_175 = arith.constant false
        %or3A_176 = arith.ori %or3A_174, %or3A_175 : i1
        %ge3A = arith.constant 9 : i32
        %ge3A_177 = arith.cmpi sge, %scan3A_136, %ge3A : i32
        %not3A = arith.constant true
        %not3A_178 = arith.xori %ge3A_177, %not3A : i1
        %and3A = arith.andi %or3A_176, %not3A_178 : i1
        %convert_element_type3A = arith.extui %and3A : i1 to i32
        %cond3A = arith.constant 0 : i32
        %cond3A_179 = arith.cmpi ne, %convert_element_type3A, %cond3A : i32
        scf.if %cond3A_179 {
          "tpu.trace_start"() <{level = 10 : i32, message = "ep_copy_in"}> : () -> ()
          %rem3A_586 = arith.constant 2 : i32
          %rem3A_587 = arith.remui %scan3A_137, %rem3A_586 : i32
          %mul3A_588 = arith.constant 1000 : i32
          %mul3A_589 = arith.muli %mul3A_588, %add3A_164 : i32
          %dma_start3A_590 = arith.constant 0 : i32
          %dma_start3A_591 = arith.constant 0 : i32
          %dma_start3A_592 = tpu.memref_slice %run_scoped3A[%rem3A_587, %dma_start3A_590, %dma_start3A_591] : memref<2x1000x16xf32, #tpu.memory_space<vmem>> -> memref<1x1000x16xf32, #tpu.memory_space<vmem>>
          %dma_start3A_593 = tpu.memref_squeeze %dma_start3A_592 : memref<1x1000x16xf32, #tpu.memory_space<vmem>> -> memref<1000x16xf32, #tpu.memory_space<vmem>>
          %dma_start3A_594 = arith.constant 0 : i32
          %dma_start3A_595 = tpu.memref_slice %arg2[%mul3A_589, %dma_start3A_594] : memref<320000x16xf32, #tpu.memory_space<hbm>> -> memref<1000x16xf32, #tpu.memory_space<hbm>>
          %dma_start3A_596 = tpu.memref_slice %run_scoped3A_14[%rem3A_587] : memref<2x!tpu.dma_semaphore, #tpu.memory_space<semaphore_mem>> -> memref<1x!tpu.dma_semaphore, #tpu.memory_space<semaphore_mem>>
          %dma_start3A_597 = tpu.memref_squeeze %dma_start3A_596 : memref<1x!tpu.dma_semaphore, #tpu.memory_space<semaphore_mem>> -> memref<!tpu.dma_semaphore, #tpu.memory_space<semaphore_mem>>
          %dma_start3A_598 = arith.constant 0 : i32
          %dma_start3A_599 = arith.constant 0 : i32
          %dma_start3A_600 = tpu.memref_slice %run_scoped3A[%rem3A_587, %dma_start3A_598, %dma_start3A_599] : memref<2x1000x16xf32, #tpu.memory_space<vmem>> -> memref<1x1000x16xf32, #tpu.memory_space<vmem>>
          %dma_start3A_601 = tpu.memref_squeeze %dma_start3A_600 : memref<1x1000x16xf32, #tpu.memory_space<vmem>> -> memref<1000x16xf32, #tpu.memory_space<vmem>>
          %dma_start3A_602 = arith.constant 0 : i32
          %dma_start3A_603 = tpu.memref_slice %arg2[%mul3A_589, %dma_start3A_602] : memref<320000x16xf32, #tpu.memory_space<hbm>> -> memref<1000x16xf32, #tpu.memory_space<hbm>>
          tpu.enqueue_dma source(%dma_start3A_603 : memref<1000x16xf32, #tpu.memory_space<hbm>>) target(%dma_start3A_601 : memref<1000x16xf32, #tpu.memory_space<vmem>>) target_semaphore(%dma_start3A_597 : memref<!tpu.dma_semaphore, #tpu.memory_space<semaphore_mem>>)
          "tpu.trace_stop"() : () -> ()
        } else {
        }
        %and3A_180 = arith.constant true
        %and3A_181 = arith.andi %and3A, %and3A_180 : i1
        %add3A_182 = arith.constant 1 : i32
        %add3A_183 = arith.addi %scan3A_137, %add3A_182 : i32
        %select_n3A_184 = arith.select %and3A_181, %add3A_183, %scan3A_137 : i32
        %ne3A_185 = arith.cmpi ne, %add3A_146, %add3A_164 : i32
        %or3A_186 = arith.constant false
        %or3A_187 = arith.ori %or3A_186, %ne3A_185 : i1
        %or3A_188 = arith.constant false
        %or3A_189 = arith.ori %or3A_187, %or3A_188 : i1
        %ge3A_190 = arith.constant 9 : i32
        %ge3A_191 = arith.cmpi sge, %scan3A_136, %ge3A_190 : i32
        %not3A_192 = arith.constant true
        %not3A_193 = arith.xori %ge3A_191, %not3A_192 : i1
        %and3A_194 = arith.andi %or3A_189, %not3A_193 : i1
        %convert_element_type3A_195 = arith.extui %and3A_194 : i1 to i32
        %cond3A_196 = arith.constant 0 : i32
        %cond3A_197 = arith.cmpi ne, %convert_element_type3A_195, %cond3A_196 : i32
        scf.if %cond3A_197 {
          "tpu.trace_start"() <{level = 10 : i32, message = "ep_copy_in"}> : () -> ()
          %rem3A_586 = arith.constant 2 : i32
          %rem3A_587 = arith.remui %scan3A_139, %rem3A_586 : i32
          %mul3A_588 = arith.constant 8 : i32
          %mul3A_589 = arith.muli %mul3A_588, %add3A_164 : i32
          %dma_start3A_590 = arith.constant 0 : i32
          %dma_start3A_591 = arith.constant 0 : i32
          %dma_start3A_592 = tpu.memref_slice %run_scoped3A_15[%rem3A_587, %dma_start3A_590, %dma_start3A_591] : memref<2x8x125xi32, #tpu.memory_space<vmem>> -> memref<1x8x125xi32, #tpu.memory_space<vmem>>
          %dma_start3A_593 = tpu.memref_squeeze %dma_start3A_592 : memref<1x8x125xi32, #tpu.memory_space<vmem>> -> memref<8x125xi32, #tpu.memory_space<vmem>>
          %dma_start3A_594 = arith.constant 0 : i32
          %dma_start3A_595 = tpu.memref_slice %arg3[%mul3A_589, %dma_start3A_594] : memref<2560x125xi32, #tpu.memory_space<hbm>> -> memref<8x125xi32, #tpu.memory_space<hbm>>
          %dma_start3A_596 = tpu.memref_slice %run_scoped3A_16[%rem3A_587] : memref<2x!tpu.dma_semaphore, #tpu.memory_space<semaphore_mem>> -> memref<1x!tpu.dma_semaphore, #tpu.memory_space<semaphore_mem>>
          %dma_start3A_597 = tpu.memref_squeeze %dma_start3A_596 : memref<1x!tpu.dma_semaphore, #tpu.memory_space<semaphore_mem>> -> memref<!tpu.dma_semaphore, #tpu.memory_space<semaphore_mem>>
          %dma_start3A_598 = arith.constant 0 : i32
          %dma_start3A_599 = arith.constant 0 : i32
          %dma_start3A_600 = tpu.memref_slice %run_scoped3A_15[%rem3A_587, %dma_start3A_598, %dma_start3A_599] : memref<2x8x125xi32, #tpu.memory_space<vmem>> -> memref<1x8x125xi32, #tpu.memory_space<vmem>>
          %dma_start3A_601 = tpu.memref_squeeze %dma_start3A_600 : memref<1x8x125xi32, #tpu.memory_space<vmem>> -> memref<8x125xi32, #tpu.memory_space<vmem>>
          %dma_start3A_602 = arith.constant 0 : i32
          %dma_start3A_603 = tpu.memref_slice %arg3[%mul3A_589, %dma_start3A_602] : memref<2560x125xi32, #tpu.memory_space<hbm>> -> memref<8x125xi32, #tpu.memory_space<hbm>>
          tpu.enqueue_dma source(%dma_start3A_603 : memref<8x125xi32, #tpu.memory_space<hbm>>) target(%dma_start3A_601 : memref<8x125xi32, #tpu.memory_space<vmem>>) target_semaphore(%dma_start3A_597 : memref<!tpu.dma_semaphore, #tpu.memory_space<semaphore_mem>>)
          "tpu.trace_stop"() : () -> ()
        } else {
        }
        %and3A_198 = arith.constant true
        %and3A_199 = arith.andi %and3A_194, %and3A_198 : i1
        %add3A_200 = arith.constant 1 : i32
        %add3A_201 = arith.addi %scan3A_139, %add3A_200 : i32
        %select_n3A_202 = arith.select %and3A_199, %add3A_201, %scan3A_139 : i32
        %ne3A_203 = arith.cmpi ne, %add3A_146, %add3A_155 : i32
        %or3A_204 = arith.constant false
        %or3A_205 = arith.ori %or3A_204, %ne3A_203 : i1
        %or3A_206 = arith.constant false
        %or3A_207 = arith.ori %or3A_205, %or3A_206 : i1
        %or3A_208 = arith.ori %or3A_207, %eq3A_143 : i1
        %convert_element_type3A_209 = arith.extui %or3A_208 : i1 to i32
        %cond3A_210 = arith.constant 0 : i32
        %cond3A_211 = arith.cmpi ne, %convert_element_type3A_209, %cond3A_210 : i32
        scf.if %cond3A_211 {
          "tpu.trace_start"() <{level = 10 : i32, message = "ep_wait_in"}> : () -> ()
          %mul3A_586 = arith.constant 1000 : i32
          %mul3A_587 = arith.muli %mul3A_586, %add3A_146 : i32
          %rem3A_588 = arith.constant 2 : i32
          %rem3A_589 = arith.remui %scan3A_138, %rem3A_588 : i32
          %dma_wait3A_590 = arith.constant 0 : i32
          %dma_wait3A_591 = arith.constant 0 : i32
          %dma_wait3A_592 = tpu.memref_slice %run_scoped3A[%rem3A_589, %dma_wait3A_590, %dma_wait3A_591] : memref<2x1000x16xf32, #tpu.memory_space<vmem>> -> memref<1x1000x16xf32, #tpu.memory_space<vmem>>
          %dma_wait3A_593 = tpu.memref_squeeze %dma_wait3A_592 : memref<1x1000x16xf32, #tpu.memory_space<vmem>> -> memref<1000x16xf32, #tpu.memory_space<vmem>>
          %dma_wait3A_594 = arith.constant 0 : i32
          %dma_wait3A_595 = tpu.memref_slice %arg2[%mul3A_587, %dma_wait3A_594] : memref<320000x16xf32, #tpu.memory_space<hbm>> -> memref<1000x16xf32, #tpu.memory_space<hbm>>
          %dma_wait3A_596 = tpu.memref_slice %run_scoped3A_14[%rem3A_589] : memref<2x!tpu.dma_semaphore, #tpu.memory_space<semaphore_mem>> -> memref<1x!tpu.dma_semaphore, #tpu.memory_space<semaphore_mem>>
          %dma_wait3A_597 = tpu.memref_squeeze %dma_wait3A_596 : memref<1x!tpu.dma_semaphore, #tpu.memory_space<semaphore_mem>> -> memref<!tpu.dma_semaphore, #tpu.memory_space<semaphore_mem>>
          %dma_wait3A_598 = arith.constant 0 : i32
          %dma_wait3A_599 = arith.constant 0 : i32
          %dma_wait3A_600 = tpu.memref_slice %run_scoped3A[%rem3A_589, %dma_wait3A_598, %dma_wait3A_599] : memref<2x1000x16xf32, #tpu.memory_space<vmem>> -> memref<1x1000x16xf32, #tpu.memory_space<vmem>>
          %dma_wait3A_601 = tpu.memref_squeeze %dma_wait3A_600 : memref<1x1000x16xf32, #tpu.memory_space<vmem>> -> memref<1000x16xf32, #tpu.memory_space<vmem>>
          %dma_wait3A_602 = arith.constant 0 : i32
          %dma_wait3A_603 = tpu.memref_slice %arg2[%mul3A_587, %dma_wait3A_602] : memref<320000x16xf32, #tpu.memory_space<hbm>> -> memref<1000x16xf32, #tpu.memory_space<hbm>>
          tpu.wait_dma2 semaphore(%dma_wait3A_597 : memref<!tpu.dma_semaphore, #tpu.memory_space<semaphore_mem>>) src(%dma_wait3A_603 : memref<1000x16xf32, #tpu.memory_space<hbm>>) dst(%dma_wait3A_601 : memref<1000x16xf32, #tpu.memory_space<vmem>>)
          "tpu.trace_stop"() : () -> ()
        } else {
        }
        %ne3A_212 = arith.cmpi ne, %add3A_146, %add3A_155 : i32
        %or3A_213 = arith.constant false
        %or3A_214 = arith.ori %or3A_213, %ne3A_212 : i1
        %or3A_215 = arith.constant false
        %or3A_216 = arith.ori %or3A_214, %or3A_215 : i1
        %or3A_217 = arith.ori %or3A_216, %eq3A_143 : i1
        %convert_element_type3A_218 = arith.extui %or3A_217 : i1 to i32
        %cond3A_219 = arith.constant 0 : i32
        %cond3A_220 = arith.cmpi ne, %convert_element_type3A_218, %cond3A_219 : i32
        scf.if %cond3A_220 {
          "tpu.trace_start"() <{level = 10 : i32, message = "ep_wait_in"}> : () -> ()
          %mul3A_586 = arith.constant 8 : i32
          %mul3A_587 = arith.muli %mul3A_586, %add3A_146 : i32
          %rem3A_588 = arith.constant 2 : i32
          %rem3A_589 = arith.remui %scan3A_140, %rem3A_588 : i32
          %dma_wait3A_590 = arith.constant 0 : i32
          %dma_wait3A_591 = arith.constant 0 : i32
          %dma_wait3A_592 = tpu.memref_slice %run_scoped3A_15[%rem3A_589, %dma_wait3A_590, %dma_wait3A_591] : memref<2x8x125xi32, #tpu.memory_space<vmem>> -> memref<1x8x125xi32, #tpu.memory_space<vmem>>
          %dma_wait3A_593 = tpu.memref_squeeze %dma_wait3A_592 : memref<1x8x125xi32, #tpu.memory_space<vmem>> -> memref<8x125xi32, #tpu.memory_space<vmem>>
          %dma_wait3A_594 = arith.constant 0 : i32
          %dma_wait3A_595 = tpu.memref_slice %arg3[%mul3A_587, %dma_wait3A_594] : memref<2560x125xi32, #tpu.memory_space<hbm>> -> memref<8x125xi32, #tpu.memory_space<hbm>>
          %dma_wait3A_596 = tpu.memref_slice %run_scoped3A_16[%rem3A_589] : memref<2x!tpu.dma_semaphore, #tpu.memory_space<semaphore_mem>> -> memref<1x!tpu.dma_semaphore, #tpu.memory_space<semaphore_mem>>
          %dma_wait3A_597 = tpu.memref_squeeze %dma_wait3A_596 : memref<1x!tpu.dma_semaphore, #tpu.memory_space<semaphore_mem>> -> memref<!tpu.dma_semaphore, #tpu.memory_space<semaphore_mem>>
          %dma_wait3A_598 = arith.constant 0 : i32
          %dma_wait3A_599 = arith.constant 0 : i32
          %dma_wait3A_600 = tpu.memref_slice %run_scoped3A_15[%rem3A_589, %dma_wait3A_598, %dma_wait3A_599] : memref<2x8x125xi32, #tpu.memory_space<vmem>> -> memref<1x8x125xi32, #tpu.memory_space<vmem>>
          %dma_wait3A_601 = tpu.memref_squeeze %dma_wait3A_600 : memref<1x8x125xi32, #tpu.memory_space<vmem>> -> memref<8x125xi32, #tpu.memory_space<vmem>>
          %dma_wait3A_602 = arith.constant 0 : i32
          %dma_wait3A_603 = tpu.memref_slice %arg3[%mul3A_587, %dma_wait3A_602] : memref<2560x125xi32, #tpu.memory_space<hbm>> -> memref<8x125xi32, #tpu.memory_space<hbm>>
          tpu.wait_dma2 semaphore(%dma_wait3A_597 : memref<!tpu.dma_semaphore, #tpu.memory_space<semaphore_mem>>) src(%dma_wait3A_603 : memref<8x125xi32, #tpu.memory_space<hbm>>) dst(%dma_wait3A_601 : memref<8x125xi32, #tpu.memory_space<vmem>>)
          "tpu.trace_stop"() : () -> ()
        } else {
        }
        %rem3A_221 = arith.constant 2 : i32
        %rem3A_222 = arith.remui %scan3A_138, %rem3A_221 : i32
        %rem3A_223 = arith.constant 2 : i32
        %rem3A_224 = arith.remui %scan3A_140, %rem3A_223 : i32
        %dma_start3A_225 = arith.constant 0 : i32
        "tpu.trace_start"() <{level = 10 : i32, message = "ep_run_kernel"}> : () -> ()
        %dma_start3A_226 = arith.constant 0 : i32
        %dma_start3A_227 = arith.constant 0 : i32
        %dma_start3A_228 = tpu.memref_slice %run_scoped3A[%rem3A_222, %dma_start3A_226, %dma_start3A_227] : memref<2x1000x16xf32, #tpu.memory_space<vmem>> -> memref<1x1000x16xf32, #tpu.memory_space<vmem>>
        %dma_start3A_229 = tpu.memref_squeeze %dma_start3A_228 : memref<1x1000x16xf32, #tpu.memory_space<vmem>> -> memref<1000x16xf32, #tpu.memory_space<vmem>>
        %dma_start3A_230 = arith.constant 0 : i32
        %dma_start3A_231 = arith.constant 0 : i32
        %dma_start3A_232 = tpu.memref_slice %dma_start3A_229[%dma_start3A_230, %dma_start3A_231] : memref<1000x16xf32, #tpu.memory_space<vmem>> -> memref<125x16xf32, #tpu.memory_space<vmem>>
        %dma_start3A_233 = arith.constant 0 : i32
        %dma_start3A_234 = arith.constant 0 : i32
        %dma_start3A_235 = tpu.memref_slice %run_scoped3A_15[%rem3A_224, %dma_start3A_233, %dma_start3A_234] : memref<2x8x125xi32, #tpu.memory_space<vmem>> -> memref<1x8x125xi32, #tpu.memory_space<vmem>>
        %dma_start3A_236 = tpu.memref_squeeze %dma_start3A_235 : memref<1x8x125xi32, #tpu.memory_space<vmem>> -> memref<8x125xi32, #tpu.memory_space<vmem>>
        %dma_start3A_237 = arith.constant 0 : i32
        %dma_start3A_238 = tpu.memref_slice %dma_start3A_236[%dma_start3A_225, %dma_start3A_237] : memref<8x125xi32, #tpu.memory_space<vmem>> -> memref<1x125xi32, #tpu.memory_space<vmem>>
        %dma_start3A_239 = tpu.memref_squeeze %dma_start3A_238 : memref<1x125xi32, #tpu.memory_space<vmem>> -> memref<125xi32, #tpu.memory_space<vmem>>
        %dma_start3A_240 = arith.constant 0 : i32
        %dma_start3A_241 = arith.constant 0 : i32
        %dma_start3A_242 = tpu.memref_slice %arg5[%dma_start3A_240, %dma_start3A_241] : memref<10000x16xf32, #tpu.memory_space<vmem_shared>> -> memref<10000x16xf32, #tpu.memory_space<vmem_shared>>
        tpu.enqueue_indirect_dma source(%dma_start3A_232 : memref<125x16xf32, #tpu.memory_space<vmem>>) target(%dma_start3A_242 : memref<10000x16xf32, #tpu.memory_space<vmem_shared>>) offsets(%dma_start3A_239 : memref<125xi32, #tpu.memory_space<vmem>>) semaphore(%arg7 : memref<!tpu.dma_semaphore, #tpu.memory_space<semaphore_mem>>) {add = true}
        %dma_start3A_243 = arith.constant 1 : i32
        %dma_start3A_244 = arith.constant 0 : i32
        %dma_start3A_245 = arith.constant 0 : i32
        %dma_start3A_246 = tpu.memref_slice %run_scoped3A[%rem3A_222, %dma_start3A_244, %dma_start3A_245] : memref<2x1000x16xf32, #tpu.memory_space<vmem>> -> memref<1x1000x16xf32, #tpu.memory_space<vmem>>
        %dma_start3A_247 = tpu.memref_squeeze %dma_start3A_246 : memref<1x1000x16xf32, #tpu.memory_space<vmem>> -> memref<1000x16xf32, #tpu.memory_space<vmem>>
        %dma_start3A_248 = arith.constant 125 : i32
        %dma_start3A_249 = arith.constant 0 : i32
        %dma_start3A_250 = tpu.memref_slice %dma_start3A_247[%dma_start3A_248, %dma_start3A_249] : memref<1000x16xf32, #tpu.memory_space<vmem>> -> memref<125x16xf32, #tpu.memory_space<vmem>>
        %dma_start3A_251 = arith.constant 0 : i32
        %dma_start3A_252 = arith.constant 0 : i32
        %dma_start3A_253 = tpu.memref_slice %run_scoped3A_15[%rem3A_224, %dma_start3A_251, %dma_start3A_252] : memref<2x8x125xi32, #tpu.memory_space<vmem>> -> memref<1x8x125xi32, #tpu.memory_space<vmem>>
        %dma_start3A_254 = tpu.memref_squeeze %dma_start3A_253 : memref<1x8x125xi32, #tpu.memory_space<vmem>> -> memref<8x125xi32, #tpu.memory_space<vmem>>
        %dma_start3A_255 = arith.constant 0 : i32
        %dma_start3A_256 = tpu.memref_slice %dma_start3A_254[%dma_start3A_243, %dma_start3A_255] : memref<8x125xi32, #tpu.memory_space<vmem>> -> memref<1x125xi32, #tpu.memory_space<vmem>>
        %dma_start3A_257 = tpu.memref_squeeze %dma_start3A_256 : memref<1x125xi32, #tpu.memory_space<vmem>> -> memref<125xi32, #tpu.memory_space<vmem>>
        %dma_start3A_258 = arith.constant 0 : i32
        %dma_start3A_259 = arith.constant 0 : i32
        %dma_start3A_260 = tpu.memref_slice %arg5[%dma_start3A_258, %dma_start3A_259] : memref<10000x16xf32, #tpu.memory_space<vmem_shared>> -> memref<10000x16xf32, #tpu.memory_space<vmem_shared>>
        tpu.enqueue_indirect_dma source(%dma_start3A_250 : memref<125x16xf32, #tpu.memory_space<vmem>>) target(%dma_start3A_260 : memref<10000x16xf32, #tpu.memory_space<vmem_shared>>) offsets(%dma_start3A_257 : memref<125xi32, #tpu.memory_space<vmem>>) semaphore(%arg7 : memref<!tpu.dma_semaphore, #tpu.memory_space<semaphore_mem>>) {add = true}
        %dma_start3A_261 = arith.constant 2 : i32
        %dma_start3A_262 = arith.constant 0 : i32
        %dma_start3A_263 = arith.constant 0 : i32
        %dma_start3A_264 = tpu.memref_slice %run_scoped3A[%rem3A_222, %dma_start3A_262, %dma_start3A_263] : memref<2x1000x16xf32, #tpu.memory_space<vmem>> -> memref<1x1000x16xf32, #tpu.memory_space<vmem>>
        %dma_start3A_265 = tpu.memref_squeeze %dma_start3A_264 : memref<1x1000x16xf32, #tpu.memory_space<vmem>> -> memref<1000x16xf32, #tpu.memory_space<vmem>>
        %dma_start3A_266 = arith.constant 250 : i32
        %dma_start3A_267 = arith.constant 0 : i32
        %dma_start3A_268 = tpu.memref_slice %dma_start3A_265[%dma_start3A_266, %dma_start3A_267] : memref<1000x16xf32, #tpu.memory_space<vmem>> -> memref<125x16xf32, #tpu.memory_space<vmem>>
        %dma_start3A_269 = arith.constant 0 : i32
        %dma_start3A_270 = arith.constant 0 : i32
        %dma_start3A_271 = tpu.memref_slice %run_scoped3A_15[%rem3A_224, %dma_start3A_269, %dma_start3A_270] : memref<2x8x125xi32, #tpu.memory_space<vmem>> -> memref<1x8x125xi32, #tpu.memory_space<vmem>>
        %dma_start3A_272 = tpu.memref_squeeze %dma_start3A_271 : memref<1x8x125xi32, #tpu.memory_space<vmem>> -> memref<8x125xi32, #tpu.memory_space<vmem>>
        %dma_start3A_273 = arith.constant 0 : i32
        %dma_start3A_274 = tpu.memref_slice %dma_start3A_272[%dma_start3A_261, %dma_start3A_273] : memref<8x125xi32, #tpu.memory_space<vmem>> -> memref<1x125xi32, #tpu.memory_space<vmem>>
        %dma_start3A_275 = tpu.memref_squeeze %dma_start3A_274 : memref<1x125xi32, #tpu.memory_space<vmem>> -> memref<125xi32, #tpu.memory_space<vmem>>
        %dma_start3A_276 = arith.constant 0 : i32
        %dma_start3A_277 = arith.constant 0 : i32
        %dma_start3A_278 = tpu.memref_slice %arg5[%dma_start3A_276, %dma_start3A_277] : memref<10000x16xf32, #tpu.memory_space<vmem_shared>> -> memref<10000x16xf32, #tpu.memory_space<vmem_shared>>
        tpu.enqueue_indirect_dma source(%dma_start3A_268 : memref<125x16xf32, #tpu.memory_space<vmem>>) target(%dma_start3A_278 : memref<10000x16xf32, #tpu.memory_space<vmem_shared>>) offsets(%dma_start3A_275 : memref<125xi32, #tpu.memory_space<vmem>>) semaphore(%arg7 : memref<!tpu.dma_semaphore, #tpu.memory_space<semaphore_mem>>) {add = true}
        %dma_start3A_279 = arith.constant 3 : i32
        %dma_start3A_280 = arith.constant 0 : i32
        %dma_start3A_281 = arith.constant 0 : i32
        %dma_start3A_282 = tpu.memref_slice %run_scoped3A[%rem3A_222, %dma_start3A_280, %dma_start3A_281] : memref<2x1000x16xf32, #tpu.memory_space<vmem>> -> memref<1x1000x16xf32, #tpu.memory_space<vmem>>
        %dma_start3A_283 = tpu.memref_squeeze %dma_start3A_282 : memref<1x1000x16xf32, #tpu.memory_space<vmem>> -> memref<1000x16xf32, #tpu.memory_space<vmem>>
        %dma_start3A_284 = arith.constant 375 : i32
        %dma_start3A_285 = arith.constant 0 : i32
        %dma_start3A_286 = tpu.memref_slice %dma_start3A_283[%dma_start3A_284, %dma_start3A_285] : memref<1000x16xf32, #tpu.memory_space<vmem>> -> memref<125x16xf32, #tpu.memory_space<vmem>>
        %dma_start3A_287 = arith.constant 0 : i32
        %dma_start3A_288 = arith.constant 0 : i32
        %dma_start3A_289 = tpu.memref_slice %run_scoped3A_15[%rem3A_224, %dma_start3A_287, %dma_start3A_288] : memref<2x8x125xi32, #tpu.memory_space<vmem>> -> memref<1x8x125xi32, #tpu.memory_space<vmem>>
        %dma_start3A_290 = tpu.memref_squeeze %dma_start3A_289 : memref<1x8x125xi32, #tpu.memory_space<vmem>> -> memref<8x125xi32, #tpu.memory_space<vmem>>
        %dma_start3A_291 = arith.constant 0 : i32
        %dma_start3A_292 = tpu.memref_slice %dma_start3A_290[%dma_start3A_279, %dma_start3A_291] : memref<8x125xi32, #tpu.memory_space<vmem>> -> memref<1x125xi32, #tpu.memory_space<vmem>>
        %dma_start3A_293 = tpu.memref_squeeze %dma_start3A_292 : memref<1x125xi32, #tpu.memory_space<vmem>> -> memref<125xi32, #tpu.memory_space<vmem>>
        %dma_start3A_294 = arith.constant 0 : i32
        %dma_start3A_295 = arith.constant 0 : i32
        %dma_start3A_296 = tpu.memref_slice %arg5[%dma_start3A_294, %dma_start3A_295] : memref<10000x16xf32, #tpu.memory_space<vmem_shared>> -> memref<10000x16xf32, #tpu.memory_space<vmem_shared>>
        tpu.enqueue_indirect_dma source(%dma_start3A_286 : memref<125x16xf32, #tpu.memory_space<vmem>>) target(%dma_start3A_296 : memref<10000x16xf32, #tpu.memory_space<vmem_shared>>) offsets(%dma_start3A_293 : memref<125xi32, #tpu.memory_space<vmem>>) semaphore(%arg7 : memref<!tpu.dma_semaphore, #tpu.memory_space<semaphore_mem>>) {add = true}
        %dma_start3A_297 = arith.constant 4 : i32
        %dma_start3A_298 = arith.constant 0 : i32
        %dma_start3A_299 = arith.constant 0 : i32
        %dma_start3A_300 = tpu.memref_slice %run_scoped3A[%rem3A_222, %dma_start3A_298, %dma_start3A_299] : memref<2x1000x16xf32, #tpu.memory_space<vmem>> -> memref<1x1000x16xf32, #tpu.memory_space<vmem>>
        %dma_start3A_301 = tpu.memref_squeeze %dma_start3A_300 : memref<1x1000x16xf32, #tpu.memory_space<vmem>> -> memref<1000x16xf32, #tpu.memory_space<vmem>>
        %dma_start3A_302 = arith.constant 500 : i32
        %dma_start3A_303 = arith.constant 0 : i32
        %dma_start3A_304 = tpu.memref_slice %dma_start3A_301[%dma_start3A_302, %dma_start3A_303] : memref<1000x16xf32, #tpu.memory_space<vmem>> -> memref<125x16xf32, #tpu.memory_space<vmem>>
        %dma_start3A_305 = arith.constant 0 : i32
        %dma_start3A_306 = arith.constant 0 : i32
        %dma_start3A_307 = tpu.memref_slice %run_scoped3A_15[%rem3A_224, %dma_start3A_305, %dma_start3A_306] : memref<2x8x125xi32, #tpu.memory_space<vmem>> -> memref<1x8x125xi32, #tpu.memory_space<vmem>>
        %dma_start3A_308 = tpu.memref_squeeze %dma_start3A_307 : memref<1x8x125xi32, #tpu.memory_space<vmem>> -> memref<8x125xi32, #tpu.memory_space<vmem>>
        %dma_start3A_309 = arith.constant 0 : i32
        %dma_start3A_310 = tpu.memref_slice %dma_start3A_308[%dma_start3A_297, %dma_start3A_309] : memref<8x125xi32, #tpu.memory_space<vmem>> -> memref<1x125xi32, #tpu.memory_space<vmem>>
        %dma_start3A_311 = tpu.memref_squeeze %dma_start3A_310 : memref<1x125xi32, #tpu.memory_space<vmem>> -> memref<125xi32, #tpu.memory_space<vmem>>
        %dma_start3A_312 = arith.constant 0 : i32
        %dma_start3A_313 = arith.constant 0 : i32
        %dma_start3A_314 = tpu.memref_slice %arg5[%dma_start3A_312, %dma_start3A_313] : memref<10000x16xf32, #tpu.memory_space<vmem_shared>> -> memref<10000x16xf32, #tpu.memory_space<vmem_shared>>
        tpu.enqueue_indirect_dma source(%dma_start3A_304 : memref<125x16xf32, #tpu.memory_space<vmem>>) target(%dma_start3A_314 : memref<10000x16xf32, #tpu.memory_space<vmem_shared>>) offsets(%dma_start3A_311 : memref<125xi32, #tpu.memory_space<vmem>>) semaphore(%arg7 : memref<!tpu.dma_semaphore, #tpu.memory_space<semaphore_mem>>) {add = true}
        %dma_start3A_315 = arith.constant 5 : i32
        %dma_start3A_316 = arith.constant 0 : i32
        %dma_start3A_317 = arith.constant 0 : i32
        %dma_start3A_318 = tpu.memref_slice %run_scoped3A[%rem3A_222, %dma_start3A_316, %dma_start3A_317] : memref<2x1000x16xf32, #tpu.memory_space<vmem>> -> memref<1x1000x16xf32, #tpu.memory_space<vmem>>
        %dma_start3A_319 = tpu.memref_squeeze %dma_start3A_318 : memref<1x1000x16xf32, #tpu.memory_space<vmem>> -> memref<1000x16xf32, #tpu.memory_space<vmem>>
        %dma_start3A_320 = arith.constant 625 : i32
        %dma_start3A_321 = arith.constant 0 : i32
        %dma_start3A_322 = tpu.memref_slice %dma_start3A_319[%dma_start3A_320, %dma_start3A_321] : memref<1000x16xf32, #tpu.memory_space<vmem>> -> memref<125x16xf32, #tpu.memory_space<vmem>>
        %dma_start3A_323 = arith.constant 0 : i32
        %dma_start3A_324 = arith.constant 0 : i32
        %dma_start3A_325 = tpu.memref_slice %run_scoped3A_15[%rem3A_224, %dma_start3A_323, %dma_start3A_324] : memref<2x8x125xi32, #tpu.memory_space<vmem>> -> memref<1x8x125xi32, #tpu.memory_space<vmem>>
        %dma_start3A_326 = tpu.memref_squeeze %dma_start3A_325 : memref<1x8x125xi32, #tpu.memory_space<vmem>> -> memref<8x125xi32, #tpu.memory_space<vmem>>
        %dma_start3A_327 = arith.constant 0 : i32
        %dma_start3A_328 = tpu.memref_slice %dma_start3A_326[%dma_start3A_315, %dma_start3A_327] : memref<8x125xi32, #tpu.memory_space<vmem>> -> memref<1x125xi32, #tpu.memory_space<vmem>>
        %dma_start3A_329 = tpu.memref_squeeze %dma_start3A_328 : memref<1x125xi32, #tpu.memory_space<vmem>> -> memref<125xi32, #tpu.memory_space<vmem>>
        %dma_start3A_330 = arith.constant 0 : i32
        %dma_start3A_331 = arith.constant 0 : i32
        %dma_start3A_332 = tpu.memref_slice %arg5[%dma_start3A_330, %dma_start3A_331] : memref<10000x16xf32, #tpu.memory_space<vmem_shared>> -> memref<10000x16xf32, #tpu.memory_space<vmem_shared>>
        tpu.enqueue_indirect_dma source(%dma_start3A_322 : memref<125x16xf32, #tpu.memory_space<vmem>>) target(%dma_start3A_332 : memref<10000x16xf32, #tpu.memory_space<vmem_shared>>) offsets(%dma_start3A_329 : memref<125xi32, #tpu.memory_space<vmem>>) semaphore(%arg7 : memref<!tpu.dma_semaphore, #tpu.memory_space<semaphore_mem>>) {add = true}
        %dma_start3A_333 = arith.constant 6 : i32
        %dma_start3A_334 = arith.constant 0 : i32
        %dma_start3A_335 = arith.constant 0 : i32
        %dma_start3A_336 = tpu.memref_slice %run_scoped3A[%rem3A_222, %dma_start3A_334, %dma_start3A_335] : memref<2x1000x16xf32, #tpu.memory_space<vmem>> -> memref<1x1000x16xf32, #tpu.memory_space<vmem>>
        %dma_start3A_337 = tpu.memref_squeeze %dma_start3A_336 : memref<1x1000x16xf32, #tpu.memory_space<vmem>> -> memref<1000x16xf32, #tpu.memory_space<vmem>>
        %dma_start3A_338 = arith.constant 750 : i32
        %dma_start3A_339 = arith.constant 0 : i32
        %dma_start3A_340 = tpu.memref_slice %dma_start3A_337[%dma_start3A_338, %dma_start3A_339] : memref<1000x16xf32, #tpu.memory_space<vmem>> -> memref<125x16xf32, #tpu.memory_space<vmem>>
        %dma_start3A_341 = arith.constant 0 : i32
        %dma_start3A_342 = arith.constant 0 : i32
        %dma_start3A_343 = tpu.memref_slice %run_scoped3A_15[%rem3A_224, %dma_start3A_341, %dma_start3A_342] : memref<2x8x125xi32, #tpu.memory_space<vmem>> -> memref<1x8x125xi32, #tpu.memory_space<vmem>>
        %dma_start3A_344 = tpu.memref_squeeze %dma_start3A_343 : memref<1x8x125xi32, #tpu.memory_space<vmem>> -> memref<8x125xi32, #tpu.memory_space<vmem>>
        %dma_start3A_345 = arith.constant 0 : i32
        %dma_start3A_346 = tpu.memref_slice %dma_start3A_344[%dma_start3A_333, %dma_start3A_345] : memref<8x125xi32, #tpu.memory_space<vmem>> -> memref<1x125xi32, #tpu.memory_space<vmem>>
        %dma_start3A_347 = tpu.memref_squeeze %dma_start3A_346 : memref<1x125xi32, #tpu.memory_space<vmem>> -> memref<125xi32, #tpu.memory_space<vmem>>
        %dma_start3A_348 = arith.constant 0 : i32
        %dma_start3A_349 = arith.constant 0 : i32
        %dma_start3A_350 = tpu.memref_slice %arg5[%dma_start3A_348, %dma_start3A_349] : memref<10000x16xf32, #tpu.memory_space<vmem_shared>> -> memref<10000x16xf32, #tpu.memory_space<vmem_shared>>
        tpu.enqueue_indirect_dma source(%dma_start3A_340 : memref<125x16xf32, #tpu.memory_space<vmem>>) target(%dma_start3A_350 : memref<10000x16xf32, #tpu.memory_space<vmem_shared>>) offsets(%dma_start3A_347 : memref<125xi32, #tpu.memory_space<vmem>>) semaphore(%arg7 : memref<!tpu.dma_semaphore, #tpu.memory_space<semaphore_mem>>) {add = true}
        %dma_start3A_351 = arith.constant 7 : i32
        %dma_start3A_352 = arith.constant 0 : i32
        %dma_start3A_353 = arith.constant 0 : i32
        %dma_start3A_354 = tpu.memref_slice %run_scoped3A[%rem3A_222, %dma_start3A_352, %dma_start3A_353] : memref<2x1000x16xf32, #tpu.memory_space<vmem>> -> memref<1x1000x16xf32, #tpu.memory_space<vmem>>
        %dma_start3A_355 = tpu.memref_squeeze %dma_start3A_354 : memref<1x1000x16xf32, #tpu.memory_space<vmem>> -> memref<1000x16xf32, #tpu.memory_space<vmem>>
        %dma_start3A_356 = arith.constant 875 : i32
        %dma_start3A_357 = arith.constant 0 : i32
        %dma_start3A_358 = tpu.memref_slice %dma_start3A_355[%dma_start3A_356, %dma_start3A_357] : memref<1000x16xf32, #tpu.memory_space<vmem>> -> memref<125x16xf32, #tpu.memory_space<vmem>>
        %dma_start3A_359 = arith.constant 0 : i32
        %dma_start3A_360 = arith.constant 0 : i32
        %dma_start3A_361 = tpu.memref_slice %run_scoped3A_15[%rem3A_224, %dma_start3A_359, %dma_start3A_360] : memref<2x8x125xi32, #tpu.memory_space<vmem>> -> memref<1x8x125xi32, #tpu.memory_space<vmem>>
        %dma_start3A_362 = tpu.memref_squeeze %dma_start3A_361 : memref<1x8x125xi32, #tpu.memory_space<vmem>> -> memref<8x125xi32, #tpu.memory_space<vmem>>
        %dma_start3A_363 = arith.constant 0 : i32
        %dma_start3A_364 = tpu.memref_slice %dma_start3A_362[%dma_start3A_351, %dma_start3A_363] : memref<8x125xi32, #tpu.memory_space<vmem>> -> memref<1x125xi32, #tpu.memory_space<vmem>>
        %dma_start3A_365 = tpu.memref_squeeze %dma_start3A_364 : memref<1x125xi32, #tpu.memory_space<vmem>> -> memref<125xi32, #tpu.memory_space<vmem>>
        %dma_start3A_366 = arith.constant 0 : i32
        %dma_start3A_367 = arith.constant 0 : i32
        %dma_start3A_368 = tpu.memref_slice %arg5[%dma_start3A_366, %dma_start3A_367] : memref<10000x16xf32, #tpu.memory_space<vmem_shared>> -> memref<10000x16xf32, #tpu.memory_space<vmem_shared>>
        tpu.enqueue_indirect_dma source(%dma_start3A_358 : memref<125x16xf32, #tpu.memory_space<vmem>>) target(%dma_start3A_368 : memref<10000x16xf32, #tpu.memory_space<vmem_shared>>) offsets(%dma_start3A_365 : memref<125xi32, #tpu.memory_space<vmem>>) semaphore(%arg7 : memref<!tpu.dma_semaphore, #tpu.memory_space<semaphore_mem>>) {add = true}
        %dma_wait3A = arith.constant 0 : i32
        %dma_wait3A_369 = arith.constant 0 : i32
        %dma_wait3A_370 = arith.constant 0 : i32
        %dma_wait3A_371 = tpu.memref_slice %run_scoped3A[%rem3A_222, %dma_wait3A_369, %dma_wait3A_370] : memref<2x1000x16xf32, #tpu.memory_space<vmem>> -> memref<1x1000x16xf32, #tpu.memory_space<vmem>>
        %dma_wait3A_372 = tpu.memref_squeeze %dma_wait3A_371 : memref<1x1000x16xf32, #tpu.memory_space<vmem>> -> memref<1000x16xf32, #tpu.memory_space<vmem>>
        %dma_wait3A_373 = arith.constant 0 : i32
        %dma_wait3A_374 = arith.constant 0 : i32
        %dma_wait3A_375 = tpu.memref_slice %dma_wait3A_372[%dma_wait3A_373, %dma_wait3A_374] : memref<1000x16xf32, #tpu.memory_space<vmem>> -> memref<125x16xf32, #tpu.memory_space<vmem>>
        %dma_wait3A_376 = arith.constant 0 : i32
        %dma_wait3A_377 = arith.constant 0 : i32
        %dma_wait3A_378 = tpu.memref_slice %run_scoped3A_15[%rem3A_224, %dma_wait3A_376, %dma_wait3A_377] : memref<2x8x125xi32, #tpu.memory_space<vmem>> -> memref<1x8x125xi32, #tpu.memory_space<vmem>>
        %dma_wait3A_379 = tpu.memref_squeeze %dma_wait3A_378 : memref<1x8x125xi32, #tpu.memory_space<vmem>> -> memref<8x125xi32, #tpu.memory_space<vmem>>
        %dma_wait3A_380 = arith.constant 0 : i32
        %dma_wait3A_381 = tpu.memref_slice %dma_wait3A_379[%dma_wait3A, %dma_wait3A_380] : memref<8x125xi32, #tpu.memory_space<vmem>> -> memref<1x125xi32, #tpu.memory_space<vmem>>
        %dma_wait3A_382 = tpu.memref_squeeze %dma_wait3A_381 : memref<1x125xi32, #tpu.memory_space<vmem>> -> memref<125xi32, #tpu.memory_space<vmem>>
        %dma_wait3A_383 = arith.constant 0 : i32
        %dma_wait3A_384 = arith.constant 0 : i32
        %dma_wait3A_385 = tpu.memref_slice %arg5[%dma_wait3A_383, %dma_wait3A_384] : memref<10000x16xf32, #tpu.memory_space<vmem_shared>> -> memref<10000x16xf32, #tpu.memory_space<vmem_shared>>
        tpu.wait_indirect_dma semaphore(%arg7 : memref<!tpu.dma_semaphore, #tpu.memory_space<semaphore_mem>>) src(%dma_wait3A_375 : memref<125x16xf32, #tpu.memory_space<vmem>>) dst(%dma_wait3A_385 : memref<10000x16xf32, #tpu.memory_space<vmem_shared>>)
        %dma_wait3A_386 = arith.constant 1 : i32
        %dma_wait3A_387 = arith.constant 0 : i32
        %dma_wait3A_388 = arith.constant 0 : i32
        %dma_wait3A_389 = tpu.memref_slice %run_scoped3A[%rem3A_222, %dma_wait3A_387, %dma_wait3A_388] : memref<2x1000x16xf32, #tpu.memory_space<vmem>> -> memref<1x1000x16xf32, #tpu.memory_space<vmem>>
        %dma_wait3A_390 = tpu.memref_squeeze %dma_wait3A_389 : memref<1x1000x16xf32, #tpu.memory_space<vmem>> -> memref<1000x16xf32, #tpu.memory_space<vmem>>
        %dma_wait3A_391 = arith.constant 125 : i32
        %dma_wait3A_392 = arith.constant 0 : i32
        %dma_wait3A_393 = tpu.memref_slice %dma_wait3A_390[%dma_wait3A_391, %dma_wait3A_392] : memref<1000x16xf32, #tpu.memory_space<vmem>> -> memref<125x16xf32, #tpu.memory_space<vmem>>
        %dma_wait3A_394 = arith.constant 0 : i32
        %dma_wait3A_395 = arith.constant 0 : i32
        %dma_wait3A_396 = tpu.memref_slice %run_scoped3A_15[%rem3A_224, %dma_wait3A_394, %dma_wait3A_395] : memref<2x8x125xi32, #tpu.memory_space<vmem>> -> memref<1x8x125xi32, #tpu.memory_space<vmem>>
        %dma_wait3A_397 = tpu.memref_squeeze %dma_wait3A_396 : memref<1x8x125xi32, #tpu.memory_space<vmem>> -> memref<8x125xi32, #tpu.memory_space<vmem>>
        %dma_wait3A_398 = arith.constant 0 : i32
        %dma_wait3A_399 = tpu.memref_slice %dma_wait3A_397[%dma_wait3A_386, %dma_wait3A_398] : memref<8x125xi32, #tpu.memory_space<vmem>> -> memref<1x125xi32, #tpu.memory_space<vmem>>
        %dma_wait3A_400 = tpu.memref_squeeze %dma_wait3A_399 : memref<1x125xi32, #tpu.memory_space<vmem>> -> memref<125xi32, #tpu.memory_space<vmem>>
        %dma_wait3A_401 = arith.constant 0 : i32
        %dma_wait3A_402 = arith.constant 0 : i32
        %dma_wait3A_403 = tpu.memref_slice %arg5[%dma_wait3A_401, %dma_wait3A_402] : memref<10000x16xf32, #tpu.memory_space<vmem_shared>> -> memref<10000x16xf32, #tpu.memory_space<vmem_shared>>
        tpu.wait_indirect_dma semaphore(%arg7 : memref<!tpu.dma_semaphore, #tpu.memory_space<semaphore_mem>>) src(%dma_wait3A_393 : memref<125x16xf32, #tpu.memory_space<vmem>>) dst(%dma_wait3A_403 : memref<10000x16xf32, #tpu.memory_space<vmem_shared>>)
        %dma_wait3A_404 = arith.constant 2 : i32
        %dma_wait3A_405 = arith.constant 0 : i32
        %dma_wait3A_406 = arith.constant 0 : i32
        %dma_wait3A_407 = tpu.memref_slice %run_scoped3A[%rem3A_222, %dma_wait3A_405, %dma_wait3A_406] : memref<2x1000x16xf32, #tpu.memory_space<vmem>> -> memref<1x1000x16xf32, #tpu.memory_space<vmem>>
        %dma_wait3A_408 = tpu.memref_squeeze %dma_wait3A_407 : memref<1x1000x16xf32, #tpu.memory_space<vmem>> -> memref<1000x16xf32, #tpu.memory_space<vmem>>
        %dma_wait3A_409 = arith.constant 250 : i32
        %dma_wait3A_410 = arith.constant 0 : i32
        %dma_wait3A_411 = tpu.memref_slice %dma_wait3A_408[%dma_wait3A_409, %dma_wait3A_410] : memref<1000x16xf32, #tpu.memory_space<vmem>> -> memref<125x16xf32, #tpu.memory_space<vmem>>
        %dma_wait3A_412 = arith.constant 0 : i32
        %dma_wait3A_413 = arith.constant 0 : i32
        %dma_wait3A_414 = tpu.memref_slice %run_scoped3A_15[%rem3A_224, %dma_wait3A_412, %dma_wait3A_413] : memref<2x8x125xi32, #tpu.memory_space<vmem>> -> memref<1x8x125xi32, #tpu.memory_space<vmem>>
        %dma_wait3A_415 = tpu.memref_squeeze %dma_wait3A_414 : memref<1x8x125xi32, #tpu.memory_space<vmem>> -> memref<8x125xi32, #tpu.memory_space<vmem>>
        %dma_wait3A_416 = arith.constant 0 : i32
        %dma_wait3A_417 = tpu.memref_slice %dma_wait3A_415[%dma_wait3A_404, %dma_wait3A_416] : memref<8x125xi32, #tpu.memory_space<vmem>> -> memref<1x125xi32, #tpu.memory_space<vmem>>
        %dma_wait3A_418 = tpu.memref_squeeze %dma_wait3A_417 : memref<1x125xi32, #tpu.memory_space<vmem>> -> memref<125xi32, #tpu.memory_space<vmem>>
        %dma_wait3A_419 = arith.constant 0 : i32
        %dma_wait3A_420 = arith.constant 0 : i32
        %dma_wait3A_421 = tpu.memref_slice %arg5[%dma_wait3A_419, %dma_wait3A_420] : memref<10000x16xf32, #tpu.memory_space<vmem_shared>> -> memref<10000x16xf32, #tpu.memory_space<vmem_shared>>
        tpu.wait_indirect_dma semaphore(%arg7 : memref<!tpu.dma_semaphore, #tpu.memory_space<semaphore_mem>>) src(%dma_wait3A_411 : memref<125x16xf32, #tpu.memory_space<vmem>>) dst(%dma_wait3A_421 : memref<10000x16xf32, #tpu.memory_space<vmem_shared>>)
        %dma_wait3A_422 = arith.constant 3 : i32
        %dma_wait3A_423 = arith.constant 0 : i32
        %dma_wait3A_424 = arith.constant 0 : i32
        %dma_wait3A_425 = tpu.memref_slice %run_scoped3A[%rem3A_222, %dma_wait3A_423, %dma_wait3A_424] : memref<2x1000x16xf32, #tpu.memory_space<vmem>> -> memref<1x1000x16xf32, #tpu.memory_space<vmem>>
        %dma_wait3A_426 = tpu.memref_squeeze %dma_wait3A_425 : memref<1x1000x16xf32, #tpu.memory_space<vmem>> -> memref<1000x16xf32, #tpu.memory_space<vmem>>
        %dma_wait3A_427 = arith.constant 375 : i32
        %dma_wait3A_428 = arith.constant 0 : i32
        %dma_wait3A_429 = tpu.memref_slice %dma_wait3A_426[%dma_wait3A_427, %dma_wait3A_428] : memref<1000x16xf32, #tpu.memory_space<vmem>> -> memref<125x16xf32, #tpu.memory_space<vmem>>
        %dma_wait3A_430 = arith.constant 0 : i32
        %dma_wait3A_431 = arith.constant 0 : i32
        %dma_wait3A_432 = tpu.memref_slice %run_scoped3A_15[%rem3A_224, %dma_wait3A_430, %dma_wait3A_431] : memref<2x8x125xi32, #tpu.memory_space<vmem>> -> memref<1x8x125xi32, #tpu.memory_space<vmem>>
        %dma_wait3A_433 = tpu.memref_squeeze %dma_wait3A_432 : memref<1x8x125xi32, #tpu.memory_space<vmem>> -> memref<8x125xi32, #tpu.memory_space<vmem>>
        %dma_wait3A_434 = arith.constant 0 : i32
        %dma_wait3A_435 = tpu.memref_slice %dma_wait3A_433[%dma_wait3A_422, %dma_wait3A_434] : memref<8x125xi32, #tpu.memory_space<vmem>> -> memref<1x125xi32, #tpu.memory_space<vmem>>
        %dma_wait3A_436 = tpu.memref_squeeze %dma_wait3A_435 : memref<1x125xi32, #tpu.memory_space<vmem>> -> memref<125xi32, #tpu.memory_space<vmem>>
        %dma_wait3A_437 = arith.constant 0 : i32
        %dma_wait3A_438 = arith.constant 0 : i32
        %dma_wait3A_439 = tpu.memref_slice %arg5[%dma_wait3A_437, %dma_wait3A_438] : memref<10000x16xf32, #tpu.memory_space<vmem_shared>> -> memref<10000x16xf32, #tpu.memory_space<vmem_shared>>
        tpu.wait_indirect_dma semaphore(%arg7 : memref<!tpu.dma_semaphore, #tpu.memory_space<semaphore_mem>>) src(%dma_wait3A_429 : memref<125x16xf32, #tpu.memory_space<vmem>>) dst(%dma_wait3A_439 : memref<10000x16xf32, #tpu.memory_space<vmem_shared>>)
        %dma_wait3A_440 = arith.constant 4 : i32
        %dma_wait3A_441 = arith.constant 0 : i32
        %dma_wait3A_442 = arith.constant 0 : i32
        %dma_wait3A_443 = tpu.memref_slice %run_scoped3A[%rem3A_222, %dma_wait3A_441, %dma_wait3A_442] : memref<2x1000x16xf32, #tpu.memory_space<vmem>> -> memref<1x1000x16xf32, #tpu.memory_space<vmem>>
        %dma_wait3A_444 = tpu.memref_squeeze %dma_wait3A_443 : memref<1x1000x16xf32, #tpu.memory_space<vmem>> -> memref<1000x16xf32, #tpu.memory_space<vmem>>
        %dma_wait3A_445 = arith.constant 500 : i32
        %dma_wait3A_446 = arith.constant 0 : i32
        %dma_wait3A_447 = tpu.memref_slice %dma_wait3A_444[%dma_wait3A_445, %dma_wait3A_446] : memref<1000x16xf32, #tpu.memory_space<vmem>> -> memref<125x16xf32, #tpu.memory_space<vmem>>
        %dma_wait3A_448 = arith.constant 0 : i32
        %dma_wait3A_449 = arith.constant 0 : i32
        %dma_wait3A_450 = tpu.memref_slice %run_scoped3A_15[%rem3A_224, %dma_wait3A_448, %dma_wait3A_449] : memref<2x8x125xi32, #tpu.memory_space<vmem>> -> memref<1x8x125xi32, #tpu.memory_space<vmem>>
        %dma_wait3A_451 = tpu.memref_squeeze %dma_wait3A_450 : memref<1x8x125xi32, #tpu.memory_space<vmem>> -> memref<8x125xi32, #tpu.memory_space<vmem>>
        %dma_wait3A_452 = arith.constant 0 : i32
        %dma_wait3A_453 = tpu.memref_slice %dma_wait3A_451[%dma_wait3A_440, %dma_wait3A_452] : memref<8x125xi32, #tpu.memory_space<vmem>> -> memref<1x125xi32, #tpu.memory_space<vmem>>
        %dma_wait3A_454 = tpu.memref_squeeze %dma_wait3A_453 : memref<1x125xi32, #tpu.memory_space<vmem>> -> memref<125xi32, #tpu.memory_space<vmem>>
        %dma_wait3A_455 = arith.constant 0 : i32
        %dma_wait3A_456 = arith.constant 0 : i32
        %dma_wait3A_457 = tpu.memref_slice %arg5[%dma_wait3A_455, %dma_wait3A_456] : memref<10000x16xf32, #tpu.memory_space<vmem_shared>> -> memref<10000x16xf32, #tpu.memory_space<vmem_shared>>
        tpu.wait_indirect_dma semaphore(%arg7 : memref<!tpu.dma_semaphore, #tpu.memory_space<semaphore_mem>>) src(%dma_wait3A_447 : memref<125x16xf32, #tpu.memory_space<vmem>>) dst(%dma_wait3A_457 : memref<10000x16xf32, #tpu.memory_space<vmem_shared>>)
        %dma_wait3A_458 = arith.constant 5 : i32
        %dma_wait3A_459 = arith.constant 0 : i32
        %dma_wait3A_460 = arith.constant 0 : i32
        %dma_wait3A_461 = tpu.memref_slice %run_scoped3A[%rem3A_222, %dma_wait3A_459, %dma_wait3A_460] : memref<2x1000x16xf32, #tpu.memory_space<vmem>> -> memref<1x1000x16xf32, #tpu.memory_space<vmem>>
        %dma_wait3A_462 = tpu.memref_squeeze %dma_wait3A_461 : memref<1x1000x16xf32, #tpu.memory_space<vmem>> -> memref<1000x16xf32, #tpu.memory_space<vmem>>
        %dma_wait3A_463 = arith.constant 625 : i32
        %dma_wait3A_464 = arith.constant 0 : i32
        %dma_wait3A_465 = tpu.memref_slice %dma_wait3A_462[%dma_wait3A_463, %dma_wait3A_464] : memref<1000x16xf32, #tpu.memory_space<vmem>> -> memref<125x16xf32, #tpu.memory_space<vmem>>
        %dma_wait3A_466 = arith.constant 0 : i32
        %dma_wait3A_467 = arith.constant 0 : i32
        %dma_wait3A_468 = tpu.memref_slice %run_scoped3A_15[%rem3A_224, %dma_wait3A_466, %dma_wait3A_467] : memref<2x8x125xi32, #tpu.memory_space<vmem>> -> memref<1x8x125xi32, #tpu.memory_space<vmem>>
        %dma_wait3A_469 = tpu.memref_squeeze %dma_wait3A_468 : memref<1x8x125xi32, #tpu.memory_space<vmem>> -> memref<8x125xi32, #tpu.memory_space<vmem>>
        %dma_wait3A_470 = arith.constant 0 : i32
        %dma_wait3A_471 = tpu.memref_slice %dma_wait3A_469[%dma_wait3A_458, %dma_wait3A_470] : memref<8x125xi32, #tpu.memory_space<vmem>> -> memref<1x125xi32, #tpu.memory_space<vmem>>
        %dma_wait3A_472 = tpu.memref_squeeze %dma_wait3A_471 : memref<1x125xi32, #tpu.memory_space<vmem>> -> memref<125xi32, #tpu.memory_space<vmem>>
        %dma_wait3A_473 = arith.constant 0 : i32
        %dma_wait3A_474 = arith.constant 0 : i32
        %dma_wait3A_475 = tpu.memref_slice %arg5[%dma_wait3A_473, %dma_wait3A_474] : memref<10000x16xf32, #tpu.memory_space<vmem_shared>> -> memref<10000x16xf32, #tpu.memory_space<vmem_shared>>
        tpu.wait_indirect_dma semaphore(%arg7 : memref<!tpu.dma_semaphore, #tpu.memory_space<semaphore_mem>>) src(%dma_wait3A_465 : memref<125x16xf32, #tpu.memory_space<vmem>>) dst(%dma_wait3A_475 : memref<10000x16xf32, #tpu.memory_space<vmem_shared>>)
        %dma_wait3A_476 = arith.constant 6 : i32
        %dma_wait3A_477 = arith.constant 0 : i32
        %dma_wait3A_478 = arith.constant 0 : i32
        %dma_wait3A_479 = tpu.memref_slice %run_scoped3A[%rem3A_222, %dma_wait3A_477, %dma_wait3A_478] : memref<2x1000x16xf32, #tpu.memory_space<vmem>> -> memref<1x1000x16xf32, #tpu.memory_space<vmem>>
        %dma_wait3A_480 = tpu.memref_squeeze %dma_wait3A_479 : memref<1x1000x16xf32, #tpu.memory_space<vmem>> -> memref<1000x16xf32, #tpu.memory_space<vmem>>
        %dma_wait3A_481 = arith.constant 750 : i32
        %dma_wait3A_482 = arith.constant 0 : i32
        %dma_wait3A_483 = tpu.memref_slice %dma_wait3A_480[%dma_wait3A_481, %dma_wait3A_482] : memref<1000x16xf32, #tpu.memory_space<vmem>> -> memref<125x16xf32, #tpu.memory_space<vmem>>
        %dma_wait3A_484 = arith.constant 0 : i32
        %dma_wait3A_485 = arith.constant 0 : i32
        %dma_wait3A_486 = tpu.memref_slice %run_scoped3A_15[%rem3A_224, %dma_wait3A_484, %dma_wait3A_485] : memref<2x8x125xi32, #tpu.memory_space<vmem>> -> memref<1x8x125xi32, #tpu.memory_space<vmem>>
        %dma_wait3A_487 = tpu.memref_squeeze %dma_wait3A_486 : memref<1x8x125xi32, #tpu.memory_space<vmem>> -> memref<8x125xi32, #tpu.memory_space<vmem>>
        %dma_wait3A_488 = arith.constant 0 : i32
        %dma_wait3A_489 = tpu.memref_slice %dma_wait3A_487[%dma_wait3A_476, %dma_wait3A_488] : memref<8x125xi32, #tpu.memory_space<vmem>> -> memref<1x125xi32, #tpu.memory_space<vmem>>
        %dma_wait3A_490 = tpu.memref_squeeze %dma_wait3A_489 : memref<1x125xi32, #tpu.memory_space<vmem>> -> memref<125xi32, #tpu.memory_space<vmem>>
        %dma_wait3A_491 = arith.constant 0 : i32
        %dma_wait3A_492 = arith.constant 0 : i32
        %dma_wait3A_493 = tpu.memref_slice %arg5[%dma_wait3A_491, %dma_wait3A_492] : memref<10000x16xf32, #tpu.memory_space<vmem_shared>> -> memref<10000x16xf32, #tpu.memory_space<vmem_shared>>
        tpu.wait_indirect_dma semaphore(%arg7 : memref<!tpu.dma_semaphore, #tpu.memory_space<semaphore_mem>>) src(%dma_wait3A_483 : memref<125x16xf32, #tpu.memory_space<vmem>>) dst(%dma_wait3A_493 : memref<10000x16xf32, #tpu.memory_space<vmem_shared>>)
        %dma_wait3A_494 = arith.constant 7 : i32
        %dma_wait3A_495 = arith.constant 0 : i32
        %dma_wait3A_496 = arith.constant 0 : i32
        %dma_wait3A_497 = tpu.memref_slice %run_scoped3A[%rem3A_222, %dma_wait3A_495, %dma_wait3A_496] : memref<2x1000x16xf32, #tpu.memory_space<vmem>> -> memref<1x1000x16xf32, #tpu.memory_space<vmem>>
        %dma_wait3A_498 = tpu.memref_squeeze %dma_wait3A_497 : memref<1x1000x16xf32, #tpu.memory_space<vmem>> -> memref<1000x16xf32, #tpu.memory_space<vmem>>
        %dma_wait3A_499 = arith.constant 875 : i32
        %dma_wait3A_500 = arith.constant 0 : i32
        %dma_wait3A_501 = tpu.memref_slice %dma_wait3A_498[%dma_wait3A_499, %dma_wait3A_500] : memref<1000x16xf32, #tpu.memory_space<vmem>> -> memref<125x16xf32, #tpu.memory_space<vmem>>
        %dma_wait3A_502 = arith.constant 0 : i32
        %dma_wait3A_503 = arith.constant 0 : i32
        %dma_wait3A_504 = tpu.memref_slice %run_scoped3A_15[%rem3A_224, %dma_wait3A_502, %dma_wait3A_503] : memref<2x8x125xi32, #tpu.memory_space<vmem>> -> memref<1x8x125xi32, #tpu.memory_space<vmem>>
        %dma_wait3A_505 = tpu.memref_squeeze %dma_wait3A_504 : memref<1x8x125xi32, #tpu.memory_space<vmem>> -> memref<8x125xi32, #tpu.memory_space<vmem>>
        %dma_wait3A_506 = arith.constant 0 : i32
        %dma_wait3A_507 = tpu.memref_slice %dma_wait3A_505[%dma_wait3A_494, %dma_wait3A_506] : memref<8x125xi32, #tpu.memory_space<vmem>> -> memref<1x125xi32, #tpu.memory_space<vmem>>
        %dma_wait3A_508 = tpu.memref_squeeze %dma_wait3A_507 : memref<1x125xi32, #tpu.memory_space<vmem>> -> memref<125xi32, #tpu.memory_space<vmem>>
        %dma_wait3A_509 = arith.constant 0 : i32
        %dma_wait3A_510 = arith.constant 0 : i32
        %dma_wait3A_511 = tpu.memref_slice %arg5[%dma_wait3A_509, %dma_wait3A_510] : memref<10000x16xf32, #tpu.memory_space<vmem_shared>> -> memref<10000x16xf32, #tpu.memory_space<vmem_shared>>
        tpu.wait_indirect_dma semaphore(%arg7 : memref<!tpu.dma_semaphore, #tpu.memory_space<semaphore_mem>>) src(%dma_wait3A_501 : memref<125x16xf32, #tpu.memory_space<vmem>>) dst(%dma_wait3A_511 : memref<10000x16xf32, #tpu.memory_space<vmem_shared>>)
        "tpu.trace_stop"() : () -> ()
        %ne3A_512 = arith.cmpi ne, %add3A_146, %add3A_164 : i32
        %or3A_513 = arith.constant false
        %or3A_514 = arith.ori %or3A_513, %ne3A_512 : i1
        %or3A_515 = arith.constant false
        %or3A_516 = arith.ori %or3A_514, %or3A_515 : i1
        %or3A_517 = arith.ori %or3A_516, %eq3A_145 : i1
        %convert_element_type3A_518 = arith.extui %or3A_517 : i1 to i32
        %cond3A_519 = arith.constant 0 : i32
        %cond3A_520 = arith.cmpi ne, %convert_element_type3A_518, %cond3A_519 : i32
        scf.if %cond3A_520 {
        } else {
        }
        %and3A_521 = arith.constant false
        %and3A_522 = arith.andi %or3A_517, %and3A_521 : i1
        %ne3A_523 = arith.cmpi ne, %add3A_146, %add3A_164 : i32
        %or3A_524 = arith.constant false
        %or3A_525 = arith.ori %or3A_524, %ne3A_523 : i1
        %or3A_526 = arith.constant false
        %or3A_527 = arith.ori %or3A_525, %or3A_526 : i1
        %or3A_528 = arith.ori %or3A_527, %eq3A_145 : i1
        %convert_element_type3A_529 = arith.extui %or3A_528 : i1 to i32
        %cond3A_530 = arith.constant 0 : i32
        %cond3A_531 = arith.cmpi ne, %convert_element_type3A_529, %cond3A_530 : i32
        scf.if %cond3A_531 {
        } else {
        }
        %and3A_532 = arith.constant false
        %and3A_533 = arith.andi %or3A_528, %and3A_532 : i1
        %ne3A_534 = arith.cmpi ne, %add3A_146, %add3A_155 : i32
        %or3A_535 = arith.constant false
        %or3A_536 = arith.ori %or3A_535, %ne3A_534 : i1
        %or3A_537 = arith.constant false
        %or3A_538 = arith.ori %or3A_536, %or3A_537 : i1
        %not3A_539 = arith.constant true
        %not3A_540 = arith.xori %eq3A_143, %not3A_539 : i1
        %and3A_541 = arith.andi %or3A_538, %not3A_540 : i1
        %convert_element_type3A_542 = arith.extui %and3A_541 : i1 to i32
        %cond3A_543 = arith.constant 0 : i32
        %cond3A_544 = arith.cmpi ne, %convert_element_type3A_542, %cond3A_543 : i32
        scf.if %cond3A_544 {
        } else {
        }
        %and3A_545 = arith.constant false
        %and3A_546 = arith.andi %and3A_541, %and3A_545 : i1
        %ne3A_547 = arith.cmpi ne, %add3A_146, %add3A_155 : i32
        %or3A_548 = arith.constant false
        %or3A_549 = arith.ori %or3A_548, %ne3A_547 : i1
        %or3A_550 = arith.constant false
        %or3A_551 = arith.ori %or3A_549, %or3A_550 : i1
        %not3A_552 = arith.constant true
        %not3A_553 = arith.xori %eq3A_143, %not3A_552 : i1
        %and3A_554 = arith.andi %or3A_551, %not3A_553 : i1
        %convert_element_type3A_555 = arith.extui %and3A_554 : i1 to i32
        %cond3A_556 = arith.constant 0 : i32
        %cond3A_557 = arith.cmpi ne, %convert_element_type3A_555, %cond3A_556 : i32
        scf.if %cond3A_557 {
        } else {
        }
        %and3A_558 = arith.constant false
        %and3A_559 = arith.andi %and3A_554, %and3A_558 : i1
        %ne3A_560 = arith.cmpi ne, %add3A_146, %add3A_164 : i32
        %or3A_561 = arith.constant false
        %or3A_562 = arith.ori %or3A_561, %ne3A_560 : i1
        %or3A_563 = arith.constant false
        %or3A_564 = arith.ori %or3A_562, %or3A_563 : i1
        %or3A_565 = arith.ori %or3A_564, %eq3A_145 : i1
        %add3A_566 = arith.constant 1 : i32
        %add3A_567 = arith.addi %scan3A_138, %add3A_566 : i32
        %select_n3A_568 = arith.select %or3A_565, %add3A_567, %scan3A_138 : i32
        %ne3A_569 = arith.cmpi ne, %add3A_146, %add3A_164 : i32
        %or3A_570 = arith.constant false
        %or3A_571 = arith.ori %or3A_570, %ne3A_569 : i1
        %or3A_572 = arith.constant false
        %or3A_573 = arith.ori %or3A_571, %or3A_572 : i1
        %or3A_574 = arith.ori %or3A_573, %eq3A_145 : i1
        %add3A_575 = arith.constant 1 : i32
        %add3A_576 = arith.addi %scan3A_140, %add3A_575 : i32
        %select_n3A_577 = arith.select %or3A_574, %add3A_576, %scan3A_140 : i32
        %add3A_578 = arith.constant 1 : i32
        %add3A_579 = arith.addi %scan3A_141, %add3A_578 : i32
        %select_n3A_580 = arith.constant true
        %select_n3A_581 = arith.select %select_n3A_580, %add3A_579, %scan3A_141 : i32
        %eq3A_582 = arith.constant 10 : i32
        %eq3A_583 = arith.cmpi eq, %select_n3A_581, %eq3A_582 : i32
        %select_n3A_584 = arith.constant 0 : i32
        %select_n3A_585 = arith.select %eq3A_583, %select_n3A_584, %select_n3A_581 : i32
        scf.yield %select_n3A_184, %select_n3A_568, %select_n3A_202, %select_n3A_577, %select_n3A_585 : i32, i32, i32, i32, i32
      }
      %scan3A_100 = arith.constant 10 : i32
      %sub3A = arith.constant 1 : i32
      %sub3A_101 = arith.subi %scan3A_99#4, %sub3A : i32
      %select_n3A_102 = arith.constant true
      %select_n3A_103 = arith.select %select_n3A_102, %sub3A_101, %scan3A_99#4 : i32
      %eq3A_104 = arith.constant -1 : i32
      %eq3A_105 = arith.cmpi eq, %select_n3A_103, %eq3A_104 : i32
      %select_n3A_106 = arith.constant 9 : i32
      %select_n3A_107 = arith.select %eq3A_105, %select_n3A_106, %select_n3A_103 : i32
      %add3A_108 = arith.addi %select_n3A_107, %mul3A_12 : i32
      %sub3A_109 = arith.constant 1 : i32
      %sub3A_110 = arith.subi %select_n3A_107, %sub3A_109 : i32
      %select_n3A_111 = arith.constant true
      %select_n3A_112 = arith.select %select_n3A_111, %sub3A_110, %select_n3A_107 : i32
      %eq3A_113 = arith.constant -1 : i32
      %eq3A_114 = arith.cmpi eq, %select_n3A_112, %eq3A_113 : i32
      %select_n3A_115 = arith.constant 9 : i32
      %select_n3A_116 = arith.select %eq3A_114, %select_n3A_115, %select_n3A_112 : i32
      %add3A_117 = arith.addi %select_n3A_116, %mul3A_12 : i32
      %add3A_118 = arith.constant 1 : i32
      %add3A_119 = arith.addi %select_n3A_107, %add3A_118 : i32
      %select_n3A_120 = arith.constant true
      %select_n3A_121 = arith.select %select_n3A_120, %add3A_119, %select_n3A_107 : i32
      %eq3A_122 = arith.constant 10 : i32
      %eq3A_123 = arith.cmpi eq, %select_n3A_121, %eq3A_122 : i32
      %select_n3A_124 = arith.constant 0 : i32
      %select_n3A_125 = arith.select %eq3A_123, %select_n3A_124, %select_n3A_121 : i32
      %add3A_126 = arith.addi %select_n3A_125, %mul3A_12 : i32
      %add3A_127 = arith.constant 1 : i32
      %add3A_128 = arith.addi %select_n3A_125, %add3A_127 : i32
      %select_n3A_129 = arith.constant true
      %select_n3A_130 = arith.select %select_n3A_129, %add3A_128, %select_n3A_125 : i32
      %eq3A_131 = arith.constant 10 : i32
      %eq3A_132 = arith.cmpi eq, %select_n3A_130, %eq3A_131 : i32
      %select_n3A_133 = arith.constant 0 : i32
      %select_n3A_134 = arith.select %eq3A_132, %select_n3A_133, %select_n3A_130 : i32
      %add3A_135 = arith.addi %select_n3A_134, %mul3A_12 : i32
      tpu.yield
    }) : () -> ()
    %barrier3A_13 = arith.constant 0 : index
    tpu.barrier barrier_id(%barrier3A_13)
    "tpu.region"() ({
      %run_scoped3A = tpu.sem_alloc : memref<!tpu.dma_semaphore, #tpu.memory_space<semaphore_mem>>
      %dma_start3A = arith.constant 0 : i32
      %dma_start3A_14 = tpu.memref_slice %arg4[%arg0, %mul3A_4, %dma_start3A] : memref<2x10000x16xf32, #tpu.memory_space<hbm>> -> memref<1x625x16xf32, #tpu.memory_space<hbm>>
      %dma_start3A_15 = tpu.memref_squeeze %dma_start3A_14 : memref<1x625x16xf32, #tpu.memory_space<hbm>> -> memref<625x16xf32, #tpu.memory_space<hbm>>
      %dma_start3A_16 = arith.constant 0 : i32
      %dma_start3A_17 = tpu.memref_slice %arg5[%mul3A_4, %dma_start3A_16] : memref<10000x16xf32, #tpu.memory_space<vmem_shared>> -> memref<625x16xf32, #tpu.memory_space<vmem_shared>>
      tpu.enqueue_dma source(%dma_start3A_17 : memref<625x16xf32, #tpu.memory_space<vmem_shared>>) target(%dma_start3A_15 : memref<625x16xf32, #tpu.memory_space<hbm>>) target_semaphore(%run_scoped3A : memref<!tpu.dma_semaphore, #tpu.memory_space<semaphore_mem>>)
      %dma_wait3A = arith.constant 0 : i32
      %dma_wait3A_18 = tpu.memref_slice %arg4[%arg0, %mul3A_4, %dma_wait3A] : memref<2x10000x16xf32, #tpu.memory_space<hbm>> -> memref<1x625x16xf32, #tpu.memory_space<hbm>>
      %dma_wait3A_19 = tpu.memref_squeeze %dma_wait3A_18 : memref<1x625x16xf32, #tpu.memory_space<hbm>> -> memref<625x16xf32, #tpu.memory_space<hbm>>
      %dma_wait3A_20 = arith.constant 0 : i32
      %dma_wait3A_21 = tpu.memref_slice %arg5[%mul3A_4, %dma_wait3A_20] : memref<10000x16xf32, #tpu.memory_space<vmem_shared>> -> memref<625x16xf32, #tpu.memory_space<vmem_shared>>
      tpu.wait_dma2 semaphore(%run_scoped3A : memref<!tpu.dma_semaphore, #tpu.memory_space<semaphore_mem>>) src(%dma_wait3A_21 : memref<625x16xf32, #tpu.memory_space<vmem_shared>>) dst(%dma_wait3A_19 : memref<625x16xf32, #tpu.memory_space<hbm>>)
      tpu.yield
    }) : () -> ()
    return
  }
}

module attributes {stable_mosaic.version = 14 : i64} {
  func.func @_edge_transform_body(%arg0: i32, %arg1: memref<1000x128xf32, #tpu.memory_space<vmem>>, %arg2: memref<1000x128xf32, #tpu.memory_space<vmem>>, %arg3: memref<128x2048xf32, #tpu.memory_space<vmem>>, %arg4: memref<128x2048xf32, #tpu.memory_space<vmem>>, %arg5: memref<2048x128xf32, #tpu.memory_space<vmem>>, %arg6: memref<1x2048xf32, #tpu.memory_space<vmem>>, %arg7: memref<1000x128xf32, #tpu.memory_space<vmem>>) attributes {dimension_semantics = [#tpu.dimension_semantics<arbitrary>], iteration_bounds = array<i64: 40>, scalar_prefetch = 0 : i64, scratch_operands = 0 : i64, tpu.core_type = #tpu.core_type<tc>, window_params = [{transform_indices = @transform_0, window_bounds = array<i64: 1000, 128>}, {transform_indices = @transform_1, window_bounds = array<i64: 1000, 128>}, {pipeline_mode = #tpu.pipeline_mode<synchronous>, transform_indices = @transform_2, window_bounds = array<i64: 128, 2048>}, {pipeline_mode = #tpu.pipeline_mode<synchronous>, transform_indices = @transform_3, window_bounds = array<i64: 128, 2048>}, {pipeline_mode = #tpu.pipeline_mode<synchronous>, transform_indices = @transform_4, window_bounds = array<i64: 2048, 128>}, {pipeline_mode = #tpu.pipeline_mode<synchronous>, transform_indices = @transform_5, window_bounds = array<i64: 1, 2048>}, {transform_indices = @transform_6, window_bounds = array<i64: 1000, 128>}]} {
    %get3A = arith.constant 0 : index
    %get3A_0 = arith.constant 0 : index
    %get3A_1 = vector.load %arg1[%get3A, %get3A_0] : memref<1000x128xf32, #tpu.memory_space<vmem>>, vector<1000x128xf32>
    %get3A_2 = arith.constant 0 : index
    %get3A_3 = arith.constant 0 : index
    %get3A_4 = vector.load %arg2[%get3A_2, %get3A_3] : memref<1000x128xf32, #tpu.memory_space<vmem>>, vector<1000x128xf32>
    %get3A_5 = arith.constant 0 : index
    %get3A_6 = arith.constant 0 : index
    %get3A_7 = vector.load %arg3[%get3A_5, %get3A_6] : memref<128x2048xf32, #tpu.memory_space<vmem>>, vector<128x2048xf32>
    %dot_general3A = arith.constant dense<0.000000e+00> : vector<1000x2048xf32>
    %dot_general3A_8 = tpu.matmul %get3A_1, %get3A_7, %dot_general3A {dimension_numbers = #tpu.dot_dimension_numbers<[1], [0], [0], [1], [0, 0, 1, 1], [], []>, transpose_lhs_hint = false} : vector<1000x128xf32>, vector<128x2048xf32>, vector<1000x2048xf32> -> vector<1000x2048xf32>
    %get3A_9 = arith.constant 0 : index
    %get3A_10 = arith.constant 0 : index
    %get3A_11 = vector.load %arg6[%get3A_9, %get3A_10] : memref<1x2048xf32, #tpu.memory_space<vmem>>, vector<1x2048xf32>
    %add3A = vector.broadcast %get3A_11 : vector<1x2048xf32> to vector<1000x2048xf32>
    %add3A_12 = arith.addf %dot_general3A_8, %add3A : vector<1000x2048xf32>
    %get3A_13 = arith.constant 0 : index
    %get3A_14 = arith.constant 0 : index
    %get3A_15 = vector.load %arg4[%get3A_13, %get3A_14] : memref<128x2048xf32, #tpu.memory_space<vmem>>, vector<128x2048xf32>
    %dot_general3A_16 = arith.constant dense<0.000000e+00> : vector<1000x2048xf32>
    %dot_general3A_17 = tpu.matmul %get3A_4, %get3A_15, %dot_general3A_16 {dimension_numbers = #tpu.dot_dimension_numbers<[1], [0], [0], [1], [0, 0, 1, 1], [], []>, transpose_lhs_hint = false} : vector<1000x128xf32>, vector<128x2048xf32>, vector<1000x2048xf32> -> vector<1000x2048xf32>
    %mul3A = arith.mulf %add3A_12, %dot_general3A_17 : vector<1000x2048xf32>
    %get3A_18 = arith.constant 0 : index
    %get3A_19 = arith.constant 0 : index
    %get3A_20 = vector.load %arg5[%get3A_18, %get3A_19] : memref<2048x128xf32, #tpu.memory_space<vmem>>, vector<2048x128xf32>
    %dot_general3A_21 = arith.constant dense<0.000000e+00> : vector<1000x128xf32>
    %dot_general3A_22 = tpu.matmul %mul3A, %get3A_20, %dot_general3A_21 {dimension_numbers = #tpu.dot_dimension_numbers<[1], [0], [0], [1], [0, 0, 1, 1], [], []>, transpose_lhs_hint = false} : vector<1000x2048xf32>, vector<2048x128xf32>, vector<1000x128xf32> -> vector<1000x128xf32>
    %swap3A = arith.constant 0 : index
    %swap3A_23 = arith.constant 0 : index
    %swap3A_24 = vector.load %arg7[%swap3A, %swap3A_23] : memref<1000x128xf32, #tpu.memory_space<vmem>>, vector<1000x128xf32>
    tpu.vector_store %arg7[%swap3A, %swap3A_23], %dot_general3A_22 {strides = array<i32>} : memref<1000x128xf32, #tpu.memory_space<vmem>>, vector<1000x128xf32>,
    return
  }
  func.func @transform_0(%arg0: i32) -> (i32, i32) {
    %c0_i32 = arith.constant 0 : i32
    %c0_i32_0 = arith.constant 0 : i32
    return %arg0, %c0_i32 : i32, i32
  }
  func.func @transform_1(%arg0: i32) -> (i32, i32) {
    %c0_i32 = arith.constant 0 : i32
    %c0_i32_0 = arith.constant 0 : i32
    return %arg0, %c0_i32 : i32, i32
  }
  func.func @transform_2(%arg0: i32) -> (i32, i32) {
    %c0_i32 = arith.constant 0 : i32
    %c0_i32_0 = arith.constant 0 : i32
    %c0_i32_1 = arith.constant 0 : i32
    return %c0_i32, %c0_i32_0 : i32, i32
  }
  func.func @transform_3(%arg0: i32) -> (i32, i32) {
    %c0_i32 = arith.constant 0 : i32
    %c0_i32_0 = arith.constant 0 : i32
    %c0_i32_1 = arith.constant 0 : i32
    return %c0_i32, %c0_i32_0 : i32, i32
  }
  func.func @transform_4(%arg0: i32) -> (i32, i32) {
    %c0_i32 = arith.constant 0 : i32
    %c0_i32_0 = arith.constant 0 : i32
    %c0_i32_1 = arith.constant 0 : i32
    return %c0_i32, %c0_i32_0 : i32, i32
  }
  func.func @transform_5(%arg0: i32) -> (i32, i32) {
    %c0_i32 = arith.constant 0 : i32
    %c0_i32_0 = arith.constant 0 : i32
    %c0_i32_1 = arith.constant 0 : i32
    return %c0_i32, %c0_i32_0 : i32, i32
  }
  func.func @transform_6(%arg0: i32) -> (i32, i32) {
    %c0_i32 = arith.constant 0 : i32
    %c0_i32_0 = arith.constant 0 : i32
    return %arg0, %c0_i32 : i32, i32
  }
}

module attributes {stable_mosaic.version = 14 : i64} {
  func.func @_sum_partials_body(%arg0: memref<2x10000x16xf32, #tpu.memory_space<vmem>>, %arg1: memref<10000x16xf32, #tpu.memory_space<vmem>>) attributes {dimension_semantics = [], scalar_prefetch = 0 : i64, scratch_operands = 0 : i64, tpu.core_type = #tpu.core_type<tc>} {
    %get3A = arith.constant 0 : index
    %get3A_0 = arith.constant 0 : index
    %get3A_1 = arith.constant 0 : index
    %get3A_2 = vector.load %arg0[%get3A, %get3A_0, %get3A_1] : memref<2x10000x16xf32, #tpu.memory_space<vmem>>, vector<1x10000x16xf32>
    %get3A_3 = vector.shape_cast %get3A_2 : vector<1x10000x16xf32> to vector<10000x16xf32>
    %get3A_4 = arith.constant 1 : index
    %get3A_5 = arith.constant 0 : index
    %get3A_6 = arith.constant 0 : index
    %get3A_7 = vector.load %arg0[%get3A_4, %get3A_5, %get3A_6] : memref<2x10000x16xf32, #tpu.memory_space<vmem>>, vector<1x10000x16xf32>
    %get3A_8 = vector.shape_cast %get3A_7 : vector<1x10000x16xf32> to vector<10000x16xf32>
    %add3A = arith.addf %get3A_3, %get3A_8 : vector<10000x16xf32>
    %swap3A = arith.constant 0 : index
    %swap3A_9 = arith.constant 0 : index
    %swap3A_10 = vector.load %arg1[%swap3A, %swap3A_9] : memref<10000x16xf32, #tpu.memory_space<vmem>>, vector<10000x16xf32>
    tpu.vector_store %arg1[%swap3A, %swap3A_9], %add3A {strides = array<i32>} : memref<10000x16xf32, #tpu.memory_space<vmem>>, vector<10000x16xf32>,
    return
  }
}

</mosaic_0001>

<sc_bundles>
// kernel: kernel.10.cloned.1.call-start
scs
__scs_entry_jumppad:
0x0: {  	(pc) =	sbr.rel $0x88, $3  }
0x1: {  	(tag) =	ssettag $0x0;
	lr =	simm.s32 $0x1  }
0x2: {  	[smem:$0x3F9C] =	sst lr;
	_ =	strace $0xD0000000  }
0x3: {  	_ = 	snop  }
0x4: {  	_ = 	snop  }
0x5: {  	_ = 	snop  }
0x6: {  	_ = 	snop  }
0x7: {  	_ = 	snop  }
__scs_overlays_trampoline_lowered:
0x8: {  	[smem:$0x3FAB] =	sst s0  }
0x9: {  	[smem:$0x3FAC] =	sst s1  }
0xa: {  	[smem:$0x3FAD] =	sst s2  }
0xb: {  	[smem:$0x3FAE] =	sst s3  }
0xc: {  	[smem:$0x3FAF] =	sst s4  }
0xd: {  	[smem:$0x3FB0] =	sst s5  }
0xe: {  	[smem:$0x3FB1] =	sst s6  }
0xf: {  	[smem:$0x3FB2] =	sst s7  }
0x10: {  	[smem:$0x3FB3] =	sst s8  }
0x11: {  	[smem:$0x3FB4] =	sst s9;
	s0 =	simm.s32 @!p0 $0x0  }
0x12: {  	s1 =	sld [smem:$0x3F9A];
	s0 =	simm.s32 @p0 $0x1  }
0x13: {  	[smem:$0x3FB5] =	sst s0;
	s0 =	simm.s32 @!p1 $0x0  }
0x14: {  	s2 =	sld [smem:$0x3F99];
	s0 =	simm.s32 @p1 $0x1  }
0x15: {  	[smem:$0x3FB6] =	sst s0;
	s0 =	simm.s32 @!p2 $0x0  }
0x16: {  	s3 =	sld [smem:$0x3FDB];
	s0 =	simm.s32 @p2 $0x1  }
0x17: {  	s4 =	simm.s32 $0x1BF5;
	[smem:$0x3FB8] =	sst s0  }
0x18: {  	s0 =	sld [smem:$0x3F9B];
	_ =	swait.ge [sflag:s4], $0x0  }
0x19: {  	s7 =	sld [smem:$0x3F9C]  }
0x1a: {  	s8 =	sadd.s32 $0xFFFFE003, lr  }
0x1b: {  	s9 =	sadd.s32 $0xFFFFFEF7, lr;
	s5 =	simm.s32 $0xFFFFFFFF;
	p2 =	slt.u32 s8, $0xFFFFF086  }
0x1c: {  	p1 =	slt.u32 s9, $0xF7A;
	s5 =	simm.s32 @!p2 $0x0  }
0x1d: {  	s5 =	simm.s32 @p1 $0x1;
	p0 =	seq.s32 s7, s2  }
0x1e: {  	s7 =	smul.u32 @!p0 $0xF7A, s2;
	p2 =	seq.s32 @!p0 s5, $0x0  }
0x1f: {  	s9 =	smul.u32 $0xF7A, s1;
	s8 =	simm.s32 @!p0 $0x1BF5;
	p2 =	por !p2, p0  }
0x20: {  	[sflag:s8] =	ssyncset.s32 @!p0 $0xFFFFF086;
	s6 =	sadd.s32 @!p0 s3, s7;
	s7 =	simm.s32 @!p0 $0x108  }
0x21: {  	s3 =	sadd.s32 s3, s9;
	s6 =	sadd.s32 @!p0 $0x88, s6;
	s7 =	simm.s32 @p2 $0x1082  }
0x22: {  	[simem:s7], [sflag:s8] =	dma.local @!p0 [hbm:s6], $0xF7A  }
0x23: {  	s9 =	sor.u32 $0xD0000000, s2;
	s6 =	simm.s32 $0x108;
	_ =	swait.ge @!p0 [sflag:s8], $0x0  }
0x24: {  	s3 =	sadd.s32 $0x88, s3;
	s6 =	simm.s32 @!p1 $0x1082;
	[sflag:s4] =	ssyncset.s32 $0xFFFFF086  }
0x25: {  	[simem:s6], [sflag:s4] =	dma.local [hbm:s3], $0xF7A  }
0x26: {  	[smem:$0x3F9C] =	sst s1;
	(tag) =	ssettag s2;
	_ =	strace s9  }
0x27: {  	s1 =	sld [smem:$0x3FAC]  }
0x28: {  	s2 =	sld [smem:$0x3FAD]  }
0x29: {  	s4 =	sld [smem:$0x3FAF]  }
0x2a: {  	p0 =	seq.s32 s5, $0x0;
	s5 =	sld [smem:$0x3FB0]  }
0x2b: {  	s6 =	sld [smem:$0x3FB1]  }
0x2c: {  	s7 =	sld [smem:$0x3FB2]  }
0x2d: {  	s3 =	simm.s32 $0x108;
	s8 =	sld [smem:$0x3FB3]  }
0x2e: {  	s3 =	simm.s32 @!p0 $0x1082;
	s9 =	sld [smem:$0x3FB4]  }
0x2f: {  	lr =	sadd.s32 s0, s3;
	s0 =	sld [smem:$0x3FAB]  }
0x30: {  	s3 =	sld [smem:$0x3FAE]  }
0x31: {  	[smem:$0x3FB7] =	sst s10  }
0x32: {  	s10 =	sld [smem:$0x3FB5];
	_ =	sdelay $0x3  }
0x33: {  	p0 =	seq.s32 s10, $0x1;
	s10 =	sld [smem:$0x3FB7];
	_ =	sdelay $0x3  }
0x34: {  	[smem:$0x3FB7] =	sst s10  }
0x35: {  	s10 =	sld [smem:$0x3FB6];
	_ =	sdelay $0x3  }
0x36: {  	p1 =	seq.s32 s10, $0x1;
	s10 =	sld [smem:$0x3FB7];
	_ =	sdelay $0x3  }
0x37: {  	[smem:$0x3FB7] =	sst s10  }
0x38: {  	s10 =	sld [smem:$0x3FB8]  }
0x39: {  	_ = 	snop;
	(pc) =	sbr.ind lr, $3  }
0x3a: {  	_ = 	snop  }
0x3b: {  	_ = 	snop  }
0x3c: {  	p2 =	seq.s32 s10, $0x1;
	s10 =	sld [smem:$0x3FB7]  }
0x3d: {  	_ =	shalt  }
0x3e: {  	_ =	shalt  }
0x3f: {  	_ =	shalt  }
0x40: {  	_ =	shalt  }
0x41: {  	_ =	shalt  }
0x42: {  	_ =	shalt  }
0x43: {  	_ =	shalt  }
0x44: {  	_ =	shalt  }
0x45: {  	_ =	shalt  }
0x46: {  	_ =	shalt  }
0x47: {  	_ =	shalt  }
0x48: {  	_ =	shalt  }
0x49: {  	_ =	shalt  }
0x4a: {  	_ =	shalt  }
0x4b: {  	_ =	shalt  }
0x4c: {  	_ =	shalt  }
0x4d: {  	_ =	shalt  }
0x4e: {  	_ =	shalt  }
0x4f: {  	_ =	shalt  }
0x50: {  	_ =	shalt  }
0x51: {  	_ =	shalt  }
0x52: {  	_ =	shalt  }
0x53: {  	_ =	shalt  }
0x54: {  	_ =	shalt  }
0x55: {  	_ =	shalt  }
0x56: {  	_ =	shalt  }
0x57: {  	_ =	shalt  }
0x58: {  	_ =	shalt  }
0x59: {  	_ =	shalt  }
0x5a: {  	_ =	shalt  }
0x5b: {  	_ =	shalt  }
0x5c: {  	_ =	shalt  }
0x5d: {  	_ =	shalt  }
0x5e: {  	_ =	shalt  }
0x5f: {  	_ =	shalt  }
0x60: {  	_ =	shalt  }
0x61: {  	_ =	shalt  }
0x62: {  	_ =	shalt  }
0x63: {  	_ =	shalt  }
0x64: {  	_ =	shalt  }
0x65: {  	_ =	shalt  }
0x66: {  	_ =	shalt  }
0x67: {  	_ =	shalt  }
0x68: {  	_ =	shalt  }
0x69: {  	_ =	shalt  }
0x6a: {  	_ =	shalt  }
0x6b: {  	_ =	shalt  }
0x6c: {  	_ =	shalt  }
0x6d: {  	_ =	shalt  }
0x6e: {  	_ =	shalt  }
0x6f: {  	_ =	shalt  }
0x70: {  	_ =	shalt  }
0x71: {  	_ =	shalt  }
0x72: {  	_ =	shalt  }
0x73: {  	_ =	shalt  }
0x74: {  	_ =	shalt  }
0x75: {  	_ =	shalt  }
0x76: {  	_ =	shalt  }
0x77: {  	_ =	shalt  }
0x78: {  	_ =	shalt  }
0x79: {  	_ =	shalt  }
0x7a: {  	_ =	shalt  }
0x7b: {  	_ =	shalt  }
0x7c: {  	_ =	shalt  }
0x7d: {  	_ =	shalt  }
0x7e: {  	_ =	shalt  }
0x7f: {  	_ =	shalt  }
0x80: {  	_ =	shalt  }
0x81: {  	_ =	shalt  }
0x82: {  	_ =	shalt  }
0x83: {  	_ =	shalt  }
0x84: {  	_ =	shalt  }
0x85: {  	_ =	shalt  }
0x86: {  	_ =	shalt  }
0x87: {  	_ =	shalt  }
.Lfunc_end0:
.L_simem_size_0:
called_computation.1_lowered:
.L_overlay_start_0:
0x88: {  	s2 =	sld [smem:$0x3FD9]  }
0x89: {  	s3 =	sld [smem:$0x3FFE];
	_ =	sdelay $0x1  }
0x8a: {  	s1 =	srdreg.scid  }
0x8b: {  	s0 =	sand.u32 $0x1, s1  }
0x8c: {  	s16 =	sshll.u32 s0, $0xA;
	s2 =	sadd.s32 s3, s2  }
0x8d: {  	s2 =	sadd.s32 s2, s16  }
0x8e: {  	[smem:$0x3FC3] =	sst s2  }
0x8f: {  	_ = 	snop  }
0x90: {  	(tm) =	ssettm $0x1  }
0x91: {  	s17 =	sld [smem:$0x3FFB];
	_ =	sdelay $0x3  }
0x92: {  	_ =	strace s17  }
0x93: {  	s2 =	sld [smem:$0x3FFC];
	_ =	sdelay $0x3  }
0x94: {  	_ =	strace s2  }
0x95: {  	s2 =	sld [smem:$0x3FFD];
	_ =	sdelay $0x3  }
0x96: {  	_ =	strace s2  }
0x97: {  	_ =	strace $0x8FFFFFFF  }
0x98: {  	s18 =	sld [smem:$0x3FDB];
	_ =	sdelay $0x1  }
0x99: {  	s19 =	simm.s32 $_scs_section_size  }
0x9a: {  	s4 =	simm.s32 $_size__tile_overlayer_lowered;
	s5 =	simm.s32 $_tile_overlayer_lowered  }
0x9b: {  	s22 =	simm.s32 $0x1BFF;
	s21 =	sshll.u32 s5, $0x1;
	s2 =	sadd.s32 s19, s18  }
0x9c: {  	s6 =	simm.s32 $0x0;
	s20 =	sshll.u32 s4, $0x1;
	s4 =	sadd.s32 s21, s2  }
0x9d: {  	[timem:s6], [sflag:s22] =	dma.local [hbm:s4], s20  }
0x9e: {  	_ =	swait.ge [sflag:s22], s20  }
0x9f: {  	s3 =	ssub.s32 $0x0, s20;
	[sflag:s22] =	ssyncset.done $0x0  }
0xa0: {  	[sflag:s22] =	ssyncadd.s32 s3;
	_ =	sdelay $0x1  }
0xa1: {  	s23 =	simm.s32 $0x1B8B  }
0xa2: {  	_ =	swait.ge [sflag:s23], $0x1  }
0xa3: {  	[sflag:s23] =	ssyncset.done $0x0  }
0xa4: {  	s25 =	simm.s32 $0x1B8E;
	s24 =	sld [smem:$0x3FFE];
	[sflag:s23] =	ssyncadd.s32 $0xFFFFFFFF  }
0xa5: {  	s26 =	simm.s32 $execute0_lowered;
	[smem:$0x3FD2] =	sst s25  }
0xa6: {  	s4 =	sshll.u32 s26, $0x1;
	_ =	strace $0x80000050;
	[dreg:$0x1] =	wrdreg $0xFFFFFFFF  }
0xa7: {  	s28 =	simm.s32 $_size_execute0_lowered;
	s2 =	sadd.s32 s2, s4;
	[dreg:$0x0] =	wrdreg $0x0  }
0xa8: {  	s4 =	sshll.u32 s28, $0x1;
	[dreg:$0x2] =	wrdreg s2  }
0xa9: {  	[dreg:$0x3] =	wrdreg s4  }
0xaa: {  	[dreg:$0x4] =	wrdreg $0xC0  }
0xab: {  	_ =	task [dreg:s6], $0x5FFFF  }
0xac: {  	[dreg:$0x1] =	wrdreg $0xFFFFFFFF  }
0xad: {  	[dreg:$0x0] =	wrdreg $0x60  }
0xae: {  	[dreg:$0x2] =	wrdreg s24  }
0xaf: {  	[dreg:$0x3] =	wrdreg $0x0  }
0xb0: {  	[dreg:$0x4] =	wrdreg $0x9  }
0xb1: {  	_ =	task.clear_ibuf [dreg:s6], $0x5FFFF;
	_ =	strace $0x90000050  }
0xb2: {  	s29 =	simm.s32 $0x9;
	_ =	strace $0x80000058  }
0xb3: {  	_ =	swait.ge [sflag:s29], $0x1  }
0xb4: {  	[sflag:s29] =	ssyncadd.s32 $0xFFFFFFFF  }
0xb5: {  	_ =	strace $0x90000058  }
0xb6: {  	_ =	sfence  }
0xb7: {  	s30 =	sld [smem:$0x0];
	_ =	sdelay $0x2  }
0xb8: {  	s31 =	sshll.u32 s1, $0xD;
	s1 =	sshrl.u32 s1, $0x2  }
0xb9: {  	s3 =	sand.u32 $0x4000, s31;
	s1 =	sadd.s32 s1, s30  }
0xba: {  	s0 =	sor.u32 s3, s0;
	s1 =	sshll.u32 s1, $0x11  }
0xbb: {  	s0 =	sor.u32 s1, s0  }
0xbc: {  	s0 =	sadd.s32 $0x8F2B, s0  }
0xbd: {  	[sflag:s0] =	ssyncadd.remote.s32 $0x1  }
0xbe: {  	_ =	sfence.sel $0xFFFF  }
0xbf: {  	[dreg:$0x0] =	wrdreg $0xFFFFFFFF;
	(pc) =	sbr.abs _section_cstart, $3  }
0xc0: {  	[dreg:$0x1] =	wrdreg $0xFFFFFFFF  }
0xc1: {  	_ =	task.clear_ibuf [dreg:s6], $0x2FFFF;
	_ =	strace $0x9FFFFFFF  }
0xc2: {  	(tm) =	ssettm $0x7FFFFFFF  }
0xc3: {  	_ =	shalt  }
tec
execute0_lowered:
.L_overlay_start_1:
0x0: {  	(tag) =	ssettag $0x1  }
0x1: {  	s6 =	rddreg [dreg:$0x0]  }
0x2: {  	s2 =	rddreg [dreg:$0x1]  }
0x3: {  	s4 =	srdreg.scid;
	s0 =	stileid.u32;
	s3 =	simm.s32 $0x0  }
0x4: {  	s15 =	simm.s32 $0x3E80;
	s16 =	simm.s32 $0x1;
	s7 =	sand.u32 $0x1, s4  }
0x5: {  	s8 =	smul.u32 $0x2710, s0;
	[smem:$0x7FF] =	sst s3;
	s4 =	sadd.s32 $0xB2000, s6  }
0x6: {  	s9 =	smul.u32 $0x27100, s7;
	s5 =	sshll.u32 s7, $0x4;
	_ =	strace $0x80000051  }
0x7: {  	s7 =	ssub.s32 $0x2, s7;
	[dreg:$0x4] =	wrdreg s15;
	s10 =	sor.u32 s0, s5  }
0x8: {  	s15 =	simm.s32 $0x7D;
	s5 =	sadd.s32 $0xA8000, s6;
	s11 =	smul.u32 $0xA, s10  }
0x9: {  	s30 =	sshrl.u32 s7, $0x1;
	s9 =	sadd.s32 s8, s9;
	s12 =	smul.u32 $0x4E20, s10  }
0xa: {  	s10 =	smul.u32 $0x500, s10;
	s13 =	ssub.s32 s7, s30;
	s9 =	sshrl.u32 s9, $0x3  }
0xb: {  	s9 =	sadd.s32 s9, s6;
	s6 =	sadd.s32 s8, s2;
	[dreg:$0x3] =	wrdreg s11  }
0xc: {  	s31 =	sadd.s32 s4, s12;
	s8 =	sadd.s32 s5, s10;
	s10 =	smax.u32 s13, $0x1  }
0xd: {  	v0 =	vimm.f32 $0.0e+00;
	s12 =	simm.s32 $0x2;
	[dreg:$0x5] =	wrdreg s31;
	s9 =	sadd.s32 $0x1C00, s9  }
.LBB2_1:
0xe: {  	s17 =	simm.s32 $0x40;
	s18 =	simm.s32 $0x0  }
.LBB2_2:
0xf: {  	p0 =	sne.s32 s17, $0x9C00;
	[tilespmem:s18+$0x2710] =	vst v0;
	s18 =	smov.u32 s17;
	s17 =	sadd.s32 $0x40, s17  }
.Ltmp0:
0x10: {  	(pc) =	sbr.rel @p0 .LBB2_2-.Ltmp0, $2  }
0x11: {  	_ =	sdelay $0x2  }
0x12: {  	s18 =	sshra.s32 s18, $0x2  }
0x13: {  	[tilespmem:s18+$0x2710] =	vst v0;
	s0 =	simm.s32 $0x2710  }
0x14: {  	[spmem:s6] =	stream.linear.scatter [tilespmem:s0], [sflag:$0x2], $0x2710, $0x38;
	[tilespmem:$0xD320] =	vst v63  }
0x15: {  	_ =	swait.ge [sflag:s12], $0x2710  }
0x16: {  	[sflag:s12] =	ssyncset.done $0x0  }
0x17: {  	[sflag:s12] =	ssyncadd.s32 $0xFFFFD8F0  }
0x18: {  	s19 =	simm.s32 $0x0;
	s1 =	simm.s32 $0x4E20;
	[bflag:$0x0] =	sbarrier.arrive $0xFFFF  }
0x19: {  	s18 =	simm.s32 $0x1;
	p0 =	por $0x0, $0x0;
	_ =	strace $0x80000052  }
0x1a: {  	s18 =	simm.s32 @p0 $0x0;
	p0 =	por $0x0, $0x0;
	s25 =	rddreg [dreg:$0x5]  }
0x1b: {  	[tilespmem:s1], [sflag:$0x2] =	stream.linear.gather [hbm4b:s25+s19], $0x3E80, $0x200038;
	[tilespmem:$0xD320] =	vst v63  }
0x1c: {  	s26 =	simm.s32 $0xCB20;
	p1 =	seq.s32 @!p0 s18, $0x0  }
0x1d: {  	[tilespmem:s26], [sflag:$0x4] =	stream.linear.gather [hbm4b:s8+s19], $0x400, $0x200038;
	[tilespmem:$0xD320] =	vst v63  }
0x1e: {  	s17 =	simm.s32 $0x1;
	p2 =	por p1, p0;
	_ =	strace $0x90000052  }
0x1f: {  	s21 =	sand.u32 @!p2 $0x1, s17;
	s20 =	rddreg [dreg:$0x3]  }
0x20: {  	s22 =	smul.u32 @!p2 $0xFA00, s21;
	s20 =	sadd.s32 @!p2 s20, s18  }
0x21: {  	s23 =	smul.u32 @!p2 $0x3E80, s20  }
0x22: {  	s24 =	sor.u32 @!p2 $0x2, s21;
	s22 =	sshrl.u32 @!p2 s22, $0x2;
	s25 =	simm.s32 @!p2 $0x0  }
0x23: {  	s22 =	sadd.s32 @!p2 $0x4E20, s22;
	s20 =	sshll.u32 @!p2 s20, $0x7;
	s23 =	sshrl.u32 @!p2 s23, $0x3  }
0x24: {  	_ =	strace @!p2 $0x80000053;
	s20 =	sand.u32 @!p2 $0x1FFFFF80, s20;
	s23 =	sadd.s32 @!p2 s4, s23  }
0x25: {  	[tilespmem:s22], [sflag:s24] =	stream.linear.gather @!p2 [hbm4b:s23+s25], $0x3E80, $0x200038;
	[tilespmem:$0xD320] =	vst v63  }
0x26: {  	s20 =	sadd.s32 @!p2 s5, s20;
	s22 =	sshll.u32 @!p2 s21, $0xA;
	_ =	strace @!p2 $0x90000053  }
0x27: {  	s21 =	sor.u32 @!p2 $0x4, s21;
	s22 =	sor.u32 @!p2 $0xCB20, s22;
	_ =	strace @!p2 $0x80000054  }
0x28: {  	[tilespmem:s22], [sflag:s21] =	stream.linear.gather @!p2 [hbm4b:s20+s25], $0x400, $0x200038;
	[tilespmem:$0xD320] =	vst v63  }
0x29: {  	s19 =	sand.u32 $0x1, s19;
	_ =	strace @!p2 $0x90000054  }
0x2a: {  	s29 =	sor.u32 $0x2, s19;
	_ =	strace $0x80000055  }
0x2b: {  	_ =	swait.ge [sflag:s29], $0x3E80  }
0x2c: {  	[sflag:s29] =	ssyncset.done $0x0  }
0x2d: {  	[sflag:s29] =	ssyncadd.s32 $0xFFFFC180  }
0x2e: {  	_ =	strace $0x90000055  }
0x2f: {  	s30 =	sor.u32 $0x4, s19;
	_ =	strace $0x80000056  }
0x30: {  	_ =	swait.ge [sflag:s30], $0x400  }
0x31: {  	[sflag:s30] =	ssyncset.done $0x0  }
0x32: {  	[sflag:s30] =	ssyncadd.s32 $0xFFFFFC00  }
0x33: {  	_ =	strace $0x90000056  }
0x34: {  	_ =	strace $0x80000057  }
0x35: {  	s31 =	simm.s32 $0x0;
	p3 =	seq.s32 s19, $0x1;
	s20 =	rddreg [dreg:$0x4]  }
0x36: {  	s0 =	sand.u32 $0x400, s31;
	s20 =	simm.s32 @!p3 $0x0  }
0x37: {  	s21 =	sor.u32 $0xCB20, s0;
	s1 =	sadd.s32 $0x4E20, s20  }
0x38: {  	[spmem:s2] =	stream.indirect.scatter.add.f32 [tilespmem:s1], [sflag:$0x1], $0x10, s21, s15, $0x2000b8;
	[tilespmem:$0xD320] =	vst v63  }
0x39: {  	s11 =	sor.u32 $0xCBA0, s0;
	s7 =	sadd.s32 $0x55F0, s20  }
0x3a: {  	[spmem:s2] =	stream.indirect.scatter.add.f32 [tilespmem:s7], [sflag:$0x1], $0x10, s11, s15, $0x2000b8;
	[tilespmem:$0xD320] =	vst v63  }
0x3b: {  	s14 =	sadd.s32 $0xCC20, s0;
	s13 =	sadd.s32 $0x5DC0, s20  }
0x3c: {  	[spmem:s2] =	stream.indirect.scatter.add.f32 [tilespmem:s13], [sflag:$0x1], $0x10, s14, s15, $0x2000b8;
	[tilespmem:$0xD320] =	vst v63  }
0x3d: {  	s23 =	sadd.s32 $0xCCA0, s0;
	s22 =	sadd.s32 $0x6590, s20  }
0x3e: {  	[spmem:s2] =	stream.indirect.scatter.add.f32 [tilespmem:s22], [sflag:$0x1], $0x10, s23, s15, $0x2000b8;
	[tilespmem:$0xD320] =	vst v63  }
0x3f: {  	s25 =	sadd.s32 $0xCD20, s0;
	s24 =	sadd.s32 $0x6D60, s20  }
0x40: {  	[spmem:s2] =	stream.indirect.scatter.add.f32 [tilespmem:s24], [sflag:$0x1], $0x10, s25, s15, $0x2000b8;
	[tilespmem:$0xD320] =	vst v63  }
0x41: {  	s29 =	sadd.s32 $0xCDA0, s0;
	s26 =	sadd.s32 $0x7530, s20  }
0x42: {  	[spmem:s2] =	stream.indirect.scatter.add.f32 [tilespmem:s26], [sflag:$0x1], $0x10, s29, s15, $0x2000b8;
	[tilespmem:$0xD320] =	vst v63  }
0x43: {  	s31 =	sadd.s32 $0xCE20, s0;
	s30 =	sadd.s32 $0x7D00, s20  }
0x44: {  	[spmem:s2] =	stream.indirect.scatter.add.f32 [tilespmem:s30], [sflag:$0x1], $0x10, s31, s15, $0x2000b8;
	[tilespmem:$0xD320] =	vst v63  }
0x45: {  	s19 =	sadd.s32 $0xCEA0, s0;
	s20 =	sadd.s32 $0x84D0, s20  }
0x46: {  	[spmem:s2] =	stream.indirect.scatter.add.f32 [tilespmem:s20], [sflag:$0x1], $0x10, s19, s15, $0x2000b8;
	[tilespmem:$0xD320] =	vst v63  }
0x47: {  	_ =	swait.ge [sflag:s16], $0x7D0  }
0x48: {  	[sflag:s16] =	ssyncset.done $0x0  }
0x49: {  	[sflag:s16] =	ssyncadd.s32 $0xFFFFF830  }
0x4a: {  	_ =	swait.ge [sflag:s16], $0x7D0  }
0x4b: {  	[sflag:s16] =	ssyncset.done $0x0  }
0x4c: {  	[sflag:s16] =	ssyncadd.s32 $0xFFFFF830  }
0x4d: {  	_ =	swait.ge [sflag:s16], $0x7D0  }
0x4e: {  	[sflag:s16] =	ssyncset.done $0x0  }
0x4f: {  	[sflag:s16] =	ssyncadd.s32 $0xFFFFF830  }
0x50: {  	_ =	swait.ge [sflag:s16], $0x7D0  }
0x51: {  	[sflag:s16] =	ssyncset.done $0x0  }
0x52: {  	[sflag:s16] =	ssyncadd.s32 $0xFFFFF830  }
0x53: {  	s28 =	simm.s32 $0x9;
	p6 =	sne.s32 s18, $0x0;
	_ =	swait.ge [sflag:s16], $0x7D0  }
0x54: {  	p4 =	por !p1, p0;
	p1 =	por p0, p6;
	[sflag:s16] =	ssyncset.done $0x0  }
0x55: {  	s21 =	simm.s32 $0x1;
	s23 =	sadd.s32 $0x1, s18;
	[sflag:s16] =	ssyncadd.s32 $0xFFFFF830  }
0x56: {  	s24 =	simm.s32 $0x8;
	s19 =	simm.s32 @!p2 $0x2;
	_ =	swait.ge [sflag:s16], $0x7D0  }
0x57: {  	s20 =	simm.s32 $0x0;
	s21 =	smov.u32 @p4 s19;
	[sflag:s16] =	ssyncset.done $0x0  }
0x58: {  	s21 =	smov.u32 @p0 s17;
	s17 =	simm.s32 $0x1;
	[sflag:s16] =	ssyncadd.s32 $0xFFFFF830  }
0x59: {  	s20 =	simm.s32 @p4 $0x1;
	s17 =	simm.s32 @!p1 $0x0;
	_ =	swait.ge [sflag:s16], $0x7D0  }
0x5a: {  	s20 =	simm.s32 @p0 $0x0;
	s25 =	sadd.s32 $0x0, s17;
	[sflag:s16] =	ssyncset.done $0x0  }
0x5b: {  	s22 =	sadd.s32 $0x1, s20;
	s19 =	sand.u32 $0x1, s25;
	[sflag:s16] =	ssyncadd.s32 $0xFFFFF830  }
0x5c: {  	s17 =	sshll.u32 s25, $0xA;
	s26 =	smov.u32 s25;
	_ =	swait.ge [sflag:s16], $0x7D0  }
0x5d: {  	s17 =	sand.u32 $0x400, s17;
	s20 =	smov.u32 s19;
	[sflag:s16] =	ssyncset.done $0x0  }
.LBB2_4:
0x5e: {  	p0 =	seq.s32 s23, $0xA  }
0x5f: {  	s23 =	simm.s32 @p0 $0x0;
	p0 =	seq.s32 s28, $0x1  }
0x60: {  	[sflag:s16] =	ssyncadd.s32 $0xFFFFF830;
	p1 =	seq.s32 @!p0 s18, s23  }
0x61: {  	_ =	strace $0x90000057;
	p2 =	por p1, p0  }
0x62: {  	s28 =	rddreg [dreg:$0x3];
	p4 =	sne.s32 s18, s23;
	s18 =	sand.u32 @!p2 $0x1, s21  }
0x63: {  	s28 =	sadd.s32 @!p2 s28, s23;
	s13 =	smul.u32 @!p2 $0xFA00, s18  }
0x64: {  	s11 =	sand.u32 @!p2 $0x1, s22;
	s14 =	smul.u32 @!p2 $0x3E80, s28  }
0x65: {  	s1 =	simm.s32 @!p2 $0x0;
	_ =	strace @!p2 $0x80000053;
	s18 =	sor.u32 @!p2 $0x2, s18  }
0x66: {  	s28 =	sshll.u32 @!p2 s28, $0x7;
	s13 =	sshrl.u32 @!p2 s13, $0x2;
	s14 =	sshrl.u32 @!p2 s14, $0x3  }
0x67: {  	s7 =	sshll.u32 @!p2 s11, $0xA;
	s13 =	sadd.s32 @!p2 $0x4E20, s13;
	s14 =	sadd.s32 @!p2 s4, s14  }
0x68: {  	[tilespmem:s13], [sflag:s18] =	stream.linear.gather @!p2 [hbm4b:s14+s1], $0x3E80, $0x200038;
	[tilespmem:$0xD320] =	vst v63  }
0x69: {  	s11 =	sor.u32 @!p2 $0x4, s11;
	s28 =	sand.u32 @!p2 $0x1FFFFF80, s28;
	_ =	strace @!p2 $0x90000053  }
0x6a: {  	s7 =	sor.u32 @!p2 $0xCB20, s7;
	s28 =	sadd.s32 @!p2 s5, s28;
	_ =	strace @!p2 $0x80000054  }
0x6b: {  	[tilespmem:s7], [sflag:s11] =	stream.linear.gather @!p2 [hbm4b:s28+s1], $0x400, $0x200038;
	[tilespmem:$0xD320] =	vst v63  }
0x6c: {  	_ =	strace @!p2 $0x90000054  }
0x6d: {  	s30 =	sor.u32 $0x2, s19;
	_ =	strace $0x80000055  }
0x6e: {  	_ =	swait.ge [sflag:s30], $0x3E80  }
0x6f: {  	[sflag:s30] =	ssyncset.done $0x0  }
0x70: {  	p3 =	por !p1, p0;
	s0 =	sadd.s32 @!p2 $0x1, s21;
	[sflag:s30] =	ssyncadd.s32 $0xFFFFC180  }
0x71: {  	s31 =	smov.u32 s21;
	s21 =	smov.u32 @p3 s0;
	_ =	strace $0x90000055  }
0x72: {  	s21 =	smov.u32 @p0 s31;
	s31 =	sor.u32 $0x4, s20;
	_ =	strace $0x80000056  }
0x73: {  	s29 =	smov.u32 s24;
	_ =	swait.ge [sflag:s31], $0x400  }
0x74: {  	p1 =	por p0, p4;
	s0 =	simm.s32 $0x1;
	[sflag:s31] =	ssyncset.done $0x0  }
0x75: {  	s0 =	simm.s32 @!p1 $0x0;
	p1 =	seq.s32 s19, $0x1;
	[sflag:s31] =	ssyncadd.s32 $0xFFFFFC00  }
0x76: {  	s25 =	sadd.s32 s0, s25;
	s13 =	simm.s32 $0x0;
	_ =	strace $0x90000056  }
0x77: {  	s26 =	sadd.s32 s0, s26;
	s13 =	simm.s32 @p3 $0x1;
	_ =	strace $0x80000057  }
0x78: {  	s14 =	sand.u32 $0x1, s26;
	s13 =	simm.s32 @p0 $0x0;
	s1 =	rddreg [dreg:$0x4]  }
0x79: {  	s22 =	sadd.s32 s22, s13;
	s13 =	sand.u32 $0x1, s25;
	s1 =	simm.s32 @!p1 $0x0  }
0x7a: {  	s11 =	sor.u32 $0xCB20, s17;
	s19 =	smov.u32 s13;
	s13 =	sadd.s32 $0x4E20, s1  }
0x7b: {  	[spmem:s2] =	stream.indirect.scatter.add.f32 [tilespmem:s13], [sflag:$0x1], $0x10, s11, s15, $0x2000b8;
	[tilespmem:$0xD320] =	vst v63  }
0x7c: {  	s20 =	smov.u32 s14;
	s31 =	sor.u32 $0xCBA0, s17;
	s14 =	sadd.s32 $0x55F0, s1  }
0x7d: {  	[spmem:s2] =	stream.indirect.scatter.add.f32 [tilespmem:s14], [sflag:$0x1], $0x10, s31, s15, $0x2000b8;
	[tilespmem:$0xD320] =	vst v63  }
0x7e: {  	s28 =	smov.u32 s29;
	s30 =	sadd.s32 $0xCC20, s17;
	s29 =	sadd.s32 $0x5DC0, s1  }
0x7f: {  	[spmem:s2] =	stream.indirect.scatter.add.f32 [tilespmem:s29], [sflag:$0x1], $0x10, s30, s15, $0x2000b8;
	[tilespmem:$0xD320] =	vst v63  }
0x80: {  	s14 =	sadd.s32 $0x6590, s1;
	s31 =	sadd.s32 $0xCCA0, s17  }
0x81: {  	[spmem:s2] =	stream.indirect.scatter.add.f32 [tilespmem:s14], [sflag:$0x1], $0x10, s31, s15, $0x2000b8;
	[tilespmem:$0xD320] =	vst v63  }
0x82: {  	s29 =	sadd.s32 $0x6D60, s1;
	s30 =	sadd.s32 $0xCD20, s17  }
0x83: {  	[spmem:s2] =	stream.indirect.scatter.add.f32 [tilespmem:s29], [sflag:$0x1], $0x10, s30, s15, $0x2000b8;
	[tilespmem:$0xD320] =	vst v63  }
0x84: {  	s14 =	sadd.s32 $0x7530, s1;
	s31 =	sadd.s32 $0xCDA0, s17  }
0x85: {  	[spmem:s2] =	stream.indirect.scatter.add.f32 [tilespmem:s14], [sflag:$0x1], $0x10, s31, s15, $0x2000b8;
	[tilespmem:$0xD320] =	vst v63  }
0x86: {  	s29 =	sadd.s32 $0x7D00, s1;
	s30 =	sadd.s32 $0xCE20, s17  }
0x87: {  	[spmem:s2] =	stream.indirect.scatter.add.f32 [tilespmem:s29], [sflag:$0x1], $0x10, s30, s15, $0x2000b8;
	[tilespmem:$0xD320] =	vst v63  }
0x88: {  	s1 =	sadd.s32 $0x84D0, s1;
	s31 =	sadd.s32 $0xCEA0, s17  }
0x89: {  	[spmem:s2] =	stream.indirect.scatter.add.f32 [tilespmem:s1], [sflag:$0x1], $0x10, s31, s15, $0x2000b8;
	[tilespmem:$0xD320] =	vst v63  }
0x8a: {  	_ =	swait.ge [sflag:s16], $0x7D0  }
0x8b: {  	[sflag:s16] =	ssyncset.done $0x0  }
0x8c: {  	[sflag:s16] =	ssyncadd.s32 $0xFFFFF830  }
0x8d: {  	_ =	swait.ge [sflag:s16], $0x7D0  }
0x8e: {  	[sflag:s16] =	ssyncset.done $0x0  }
0x8f: {  	[sflag:s16] =	ssyncadd.s32 $0xFFFFF830  }
0x90: {  	_ =	swait.ge [sflag:s16], $0x7D0  }
0x91: {  	[sflag:s16] =	ssyncset.done $0x0  }
0x92: {  	[sflag:s16] =	ssyncadd.s32 $0xFFFFF830  }
0x93: {  	_ =	swait.ge [sflag:s16], $0x7D0  }
0x94: {  	[sflag:s16] =	ssyncset.done $0x0  }
0x95: {  	[sflag:s16] =	ssyncadd.s32 $0xFFFFF830  }
0x96: {  	_ =	swait.ge [sflag:s16], $0x7D0  }
0x97: {  	[sflag:s16] =	ssyncset.done $0x0  }
0x98: {  	[sflag:s16] =	ssyncadd.s32 $0xFFFFF830  }
0x99: {  	_ =	swait.ge [sflag:s16], $0x7D0  }
0x9a: {  	s24 =	sadd.s32 $0xFFFFFFFF, s24;
	[sflag:s16] =	ssyncset.done $0x0  }
0x9b: {  	p0 =	sne.s32 s24, $0x0;
	[sflag:s16] =	ssyncadd.s32 $0xFFFFF830  }
.Ltmp1:
0x9c: {  	_ =	swait.ge [sflag:s16], $0x7D0;
	(pc) =	sbr.rel @p0 .LBB2_4-.Ltmp1, $4  }
0x9d: {  	[sflag:s16] =	ssyncset.done $0x0  }
0x9e: {  	s18 =	sshll.u32 s26, $0xA;
	[sflag:s16] =	ssyncadd.s32 $0xFFFFF830  }
0x9f: {  	s7 =	sand.u32 $0x400, s18;
	s18 =	smov.u32 s23;
	_ =	swait.ge [sflag:s16], $0x7D0  }
0xa0: {  	s23 =	sadd.s32 $0x1, s23;
	s17 =	smov.u32 s7;
	[sflag:s16] =	ssyncset.done $0x0  }
0xa1: {  	p0 =	seq.s32 s23, $0xA  }
0xa2: {  	s23 =	simm.s32 @p0 $0x0;
	p0 =	seq.s32 s28, $0x1  }
0xa3: {  	[sflag:s16] =	ssyncadd.s32 $0xFFFFF830;
	p1 =	seq.s32 @!p0 s18, s23  }
0xa4: {  	_ =	strace $0x90000057;
	p0 =	por p1, p0  }
0xa5: {  	s0 =	rddreg [dreg:$0x3];
	s1 =	sand.u32 @!p0 $0x1, s21  }
0xa6: {  	s0 =	sadd.s32 @!p0 s0, s23;
	s7 =	smul.u32 @!p0 $0xFA00, s1  }
0xa7: {  	s11 =	sand.u32 @!p0 $0x1, s22;
	s13 =	smul.u32 @!p0 $0x3E80, s0  }
0xa8: {  	s14 =	simm.s32 @!p0 $0x0;
	_ =	strace @!p0 $0x80000053;
	s1 =	sor.u32 @!p0 $0x2, s1  }
0xa9: {  	s0 =	sshll.u32 @!p0 s0, $0x7;
	s7 =	sshrl.u32 @!p0 s7, $0x2;
	s13 =	sshrl.u32 @!p0 s13, $0x3  }
0xaa: {  	s0 =	sand.u32 @!p0 $0x1FFFFF80, s0;
	s7 =	sadd.s32 @!p0 $0x4E20, s7;
	s13 =	sadd.s32 @!p0 s4, s13  }
0xab: {  	[tilespmem:s7], [sflag:s1] =	stream.linear.gather @!p0 [hbm4b:s13+s14], $0x3E80, $0x200038;
	[tilespmem:$0xD320] =	vst v63  }
0xac: {  	s0 =	sadd.s32 @!p0 s5, s0;
	s1 =	sshll.u32 @!p0 s11, $0xA;
	_ =	strace @!p0 $0x90000053  }
0xad: {  	s7 =	sor.u32 @!p0 $0x4, s11;
	s1 =	sor.u32 @!p0 $0xCB20, s1;
	_ =	strace @!p0 $0x80000054  }
0xae: {  	[tilespmem:s1], [sflag:s7] =	stream.linear.gather @!p0 [hbm4b:s0+s14], $0x400, $0x200038;
	[tilespmem:$0xD320] =	vst v63  }
0xaf: {  	_ =	strace @!p0 $0x90000054  }
0xb0: {  	s31 =	sor.u32 $0x2, s19;
	_ =	strace $0x80000055  }
0xb1: {  	_ =	swait.ge [sflag:s31], $0x3E80  }
0xb2: {  	[sflag:s31] =	ssyncset.done $0x0  }
0xb3: {  	[sflag:s31] =	ssyncadd.s32 $0xFFFFC180  }
0xb4: {  	_ =	strace $0x90000055  }
0xb5: {  	s1 =	sor.u32 $0x4, s20;
	_ =	strace $0x80000056  }
0xb6: {  	_ =	swait.ge [sflag:s1], $0x400  }
0xb7: {  	[sflag:s1] =	ssyncset.done $0x0  }
0xb8: {  	[sflag:s1] =	ssyncadd.s32 $0xFFFFFC00  }
0xb9: {  	_ =	strace $0x90000056  }
0xba: {  	_ =	strace $0x80000057  }
0xbb: {  	p0 =	seq.s32 s19, $0x1;
	s0 =	rddreg [dreg:$0x4]  }
0xbc: {  	s0 =	simm.s32 @!p0 $0x0  }
0xbd: {  	s7 =	sor.u32 $0xCB20, s17;
	s11 =	sadd.s32 $0x4E20, s0  }
0xbe: {  	[spmem:s2] =	stream.indirect.scatter.add.f32 [tilespmem:s11], [sflag:$0x1], $0x10, s7, s15, $0x2000b8;
	[tilespmem:$0xD320] =	vst v63  }
0xbf: {  	s14 =	sor.u32 $0xCBA0, s17;
	s13 =	sadd.s32 $0x55F0, s0  }
0xc0: {  	[spmem:s2] =	stream.indirect.scatter.add.f32 [tilespmem:s13], [sflag:$0x1], $0x10, s14, s15, $0x2000b8;
	[tilespmem:$0xD320] =	vst v63  }
0xc1: {  	s19 =	sadd.s32 $0xCC20, s17;
	s18 =	sadd.s32 $0x5DC0, s0  }
0xc2: {  	[spmem:s2] =	stream.indirect.scatter.add.f32 [tilespmem:s18], [sflag:$0x1], $0x10, s19, s15, $0x2000b8;
	[tilespmem:$0xD320] =	vst v63  }
0xc3: {  	s21 =	sadd.s32 $0xCCA0, s17;
	s20 =	sadd.s32 $0x6590, s0  }
0xc4: {  	[spmem:s2] =	stream.indirect.scatter.add.f32 [tilespmem:s20], [sflag:$0x1], $0x10, s21, s15, $0x2000b8;
	[tilespmem:$0xD320] =	vst v63  }
0xc5: {  	s23 =	sadd.s32 $0xCD20, s17;
	s22 =	sadd.s32 $0x6D60, s0  }
0xc6: {  	[spmem:s2] =	stream.indirect.scatter.add.f32 [tilespmem:s22], [sflag:$0x1], $0x10, s23, s15, $0x2000b8;
	[tilespmem:$0xD320] =	vst v63  }
0xc7: {  	s25 =	sadd.s32 $0xCDA0, s17;
	s24 =	sadd.s32 $0x7530, s0  }
0xc8: {  	[spmem:s2] =	stream.indirect.scatter.add.f32 [tilespmem:s24], [sflag:$0x1], $0x10, s25, s15, $0x2000b8;
	[tilespmem:$0xD320] =	vst v63  }
0xc9: {  	s28 =	sadd.s32 $0xCE20, s17;
	s26 =	sadd.s32 $0x7D00, s0  }
0xca: {  	[spmem:s2] =	stream.indirect.scatter.add.f32 [tilespmem:s26], [sflag:$0x1], $0x10, s28, s15, $0x2000b8;
	[tilespmem:$0xD320] =	vst v63  }
0xcb: {  	s29 =	sadd.s32 $0xCEA0, s17;
	s0 =	sadd.s32 $0x84D0, s0  }
0xcc: {  	[spmem:s2] =	stream.indirect.scatter.add.f32 [tilespmem:s0], [sflag:$0x1], $0x10, s29, s15, $0x2000b8;
	[tilespmem:$0xD320] =	vst v63  }
0xcd: {  	_ =	swait.ge [sflag:s16], $0x7D0  }
0xce: {  	[sflag:s16] =	ssyncset.done $0x0  }
0xcf: {  	[sflag:s16] =	ssyncadd.s32 $0xFFFFF830  }
0xd0: {  	_ =	swait.ge [sflag:s16], $0x7D0  }
0xd1: {  	[sflag:s16] =	ssyncset.done $0x0  }
0xd2: {  	[sflag:s16] =	ssyncadd.s32 $0xFFFFF830  }
0xd3: {  	_ =	swait.ge [sflag:s16], $0x7D0  }
0xd4: {  	[sflag:s16] =	ssyncset.done $0x0  }
0xd5: {  	[sflag:s16] =	ssyncadd.s32 $0xFFFFF830  }
0xd6: {  	_ =	swait.ge [sflag:s16], $0x7D0  }
0xd7: {  	[sflag:s16] =	ssyncset.done $0x0  }
0xd8: {  	[sflag:s16] =	ssyncadd.s32 $0xFFFFF830  }
0xd9: {  	_ =	swait.ge [sflag:s16], $0x7D0  }
0xda: {  	[sflag:s16] =	ssyncset.done $0x0  }
0xdb: {  	[sflag:s16] =	ssyncadd.s32 $0xFFFFF830  }
0xdc: {  	_ =	swait.ge [sflag:s16], $0x7D0  }
0xdd: {  	[sflag:s16] =	ssyncset.done $0x0  }
0xde: {  	[sflag:s16] =	ssyncadd.s32 $0xFFFFF830  }
0xdf: {  	_ =	swait.ge [sflag:s16], $0x7D0  }
0xe0: {  	[sflag:s16] =	ssyncset.done $0x0  }
0xe1: {  	[sflag:s16] =	ssyncadd.s32 $0xFFFFF830  }
0xe2: {  	_ =	swait.ge [sflag:s16], $0x7D0  }
0xe3: {  	s30 =	stileid.u32;
	[sflag:s16] =	ssyncset.done $0x0  }
0xe4: {  	s3 =	sadd.s32 $0x1, s3;
	s31 =	sshrl.u32 s6, $0x3;
	[sflag:s16] =	ssyncadd.s32 $0xFFFFF830  }
0xe5: {  	p0 =	sne.s32 s3, s10;
	s0 =	sshll.u32 s30, $0x6;
	_ =	strace $0x90000057  }
.Ltmp2:
0xe6: {  	s0 =	sor.u32 $0x1C02, s0;
	[bflag:$0x0] =	sbarrier.arrive $0xFFFF;
	(pc) =	sbr.rel @p0 .LBB2_1-.Ltmp2, $4  }
0xe7: {  	[hbm:s9], [sflag:s0] =	dma.local [spmem:s31], $0x4E2  }
0xe8: {  	_ =	swait.ge [sflag:s12], $0x4E2  }
0xe9: {  	[sflag:s12] =	ssyncset.done $0x0  }
0xea: {  	[sflag:s12] =	ssyncadd.s32 $0xFFFFFB1E  }
0xeb: {  	_ =	sfence.sel $0x180000  }
0xec: {  	[bflag:$0x0] =	sbarrier.arrive $0xFFFF  }
0xed: {  	_ =	strace $0x90000051  }
0xee: {  	s0 =	stileid.u32;
	[bflag:$0x2] =	sbarrier.arrive $0xFFFF  }
0xef: {  	p0 =	sne.s32 s0, $0x0;
	s0 =	rddreg [dreg:$0x2]  }
0xf0: {  	s0 =	sadd.s32 @!p0 $0x100000, s0  }
0xf1: {  	[sflag:s0] =	ssyncadd.tile.s32 @!p0 $0x1;
	_ =	shalt  }
.Lfunc_end2:
_tile_overlayer_lowered:
.L_overlay_start_2:
0xf2: {  	(tag) =	ssettag $0x2  }
0xf3: {  	s0 =	rddreg [dreg:$0x0];
	s2 =	stileid.u32  }
0xf4: {  	s1 =	rddreg [dreg:$0x1];
	p0 =	sne.s32 s2, $0x0  }
0xf5: {  	s3 =	rddreg [dreg:$0x2];
	[bflag:$0x3] =	sbarrier.arrive $0xFFFF;
	s2 =	simm.s32 @!p0 $0x1C02  }
0xf6: {  	[timem:s3], [sflag:s2] =	dma.local @!p0 [hbm:s0], s1  }
0xf7: {  	s0 =	simm.s32 @!p0 $0x2  }
0xf8: {  	_ =	swait.ge @!p0 [sflag:s0], s1  }
0xf9: {  	s1 =	ssub.s32 @!p0 $0x0, s1;
	[sflag:s0] =	ssyncset.done @!p0 $0x0  }
0xfa: {  	[sflag:s0] =	ssyncadd.s32 @!p0 s1  }
0xfb: {  	[bflag:$0x3] =	sbarrier.arrive $0xFFFF  }
0xfc: {  	_ =	shalt  }

// kernel: kernel.7.cloned.1.call-start
scs
__scs_entry_jumppad:
0x0: {  	(pc) =	sbr.rel $0x88, $3  }
0x1: {  	(tag) =	ssettag $0x0;
	lr =	simm.s32 $0x1  }
0x2: {  	[smem:$0x3F9C] =	sst lr;
	_ =	strace $0xD0000000  }
0x3: {  	_ = 	snop  }
0x4: {  	_ = 	snop  }
0x5: {  	_ = 	snop  }
0x6: {  	_ = 	snop  }
0x7: {  	_ = 	snop  }
__scs_overlays_trampoline_lowered:
0x8: {  	[smem:$0x3FAB] =	sst s0  }
0x9: {  	[smem:$0x3FAC] =	sst s1  }
0xa: {  	[smem:$0x3FAD] =	sst s2  }
0xb: {  	[smem:$0x3FAE] =	sst s3  }
0xc: {  	[smem:$0x3FAF] =	sst s4  }
0xd: {  	[smem:$0x3FB0] =	sst s5  }
0xe: {  	[smem:$0x3FB1] =	sst s6  }
0xf: {  	[smem:$0x3FB2] =	sst s7  }
0x10: {  	[smem:$0x3FB3] =	sst s8  }
0x11: {  	[smem:$0x3FB4] =	sst s9;
	s0 =	simm.s32 @!p0 $0x0  }
0x12: {  	s1 =	sld [smem:$0x3F9A];
	s0 =	simm.s32 @p0 $0x1  }
0x13: {  	[smem:$0x3FB5] =	sst s0;
	s0 =	simm.s32 @!p1 $0x0  }
0x14: {  	s2 =	sld [smem:$0x3F99];
	s0 =	simm.s32 @p1 $0x1  }
0x15: {  	[smem:$0x3FB6] =	sst s0;
	s0 =	simm.s32 @!p2 $0x0  }
0x16: {  	s3 =	sld [smem:$0x3FDB];
	s0 =	simm.s32 @p2 $0x1  }
0x17: {  	s4 =	simm.s32 $0x1BF5;
	[smem:$0x3FB8] =	sst s0  }
0x18: {  	s0 =	sld [smem:$0x3F9B];
	_ =	swait.ge [sflag:s4], $0x0  }
0x19: {  	s7 =	sld [smem:$0x3F9C]  }
0x1a: {  	s8 =	sadd.s32 $0xFFFFE003, lr  }
0x1b: {  	s9 =	sadd.s32 $0xFFFFFEF7, lr;
	s5 =	simm.s32 $0xFFFFFFFF;
	p2 =	slt.u32 s8, $0xFFFFF086  }
0x1c: {  	p1 =	slt.u32 s9, $0xF7A;
	s5 =	simm.s32 @!p2 $0x0  }
0x1d: {  	s5 =	simm.s32 @p1 $0x1;
	p0 =	seq.s32 s7, s2  }
0x1e: {  	s7 =	smul.u32 @!p0 $0xF7A, s2;
	p2 =	seq.s32 @!p0 s5, $0x0  }
0x1f: {  	s9 =	smul.u32 $0xF7A, s1;
	s8 =	simm.s32 @!p0 $0x1BF5;
	p2 =	por !p2, p0  }
0x20: {  	[sflag:s8] =	ssyncset.s32 @!p0 $0xFFFFF086;
	s6 =	sadd.s32 @!p0 s3, s7;
	s7 =	simm.s32 @!p0 $0x108  }
0x21: {  	s3 =	sadd.s32 s3, s9;
	s6 =	sadd.s32 @!p0 $0x88, s6;
	s7 =	simm.s32 @p2 $0x1082  }
0x22: {  	[simem:s7], [sflag:s8] =	dma.local @!p0 [hbm:s6], $0xF7A  }
0x23: {  	s9 =	sor.u32 $0xD0000000, s2;
	s6 =	simm.s32 $0x108;
	_ =	swait.ge @!p0 [sflag:s8], $0x0  }
0x24: {  	s3 =	sadd.s32 $0x88, s3;
	s6 =	simm.s32 @!p1 $0x1082;
	[sflag:s4] =	ssyncset.s32 $0xFFFFF086  }
0x25: {  	[simem:s6], [sflag:s4] =	dma.local [hbm:s3], $0xF7A  }
0x26: {  	[smem:$0x3F9C] =	sst s1;
	(tag) =	ssettag s2;
	_ =	strace s9  }
0x27: {  	s1 =	sld [smem:$0x3FAC]  }
0x28: {  	s2 =	sld [smem:$0x3FAD]  }
0x29: {  	s4 =	sld [smem:$0x3FAF]  }
0x2a: {  	p0 =	seq.s32 s5, $0x0;
	s5 =	sld [smem:$0x3FB0]  }
0x2b: {  	s6 =	sld [smem:$0x3FB1]  }
0x2c: {  	s7 =	sld [smem:$0x3FB2]  }
0x2d: {  	s3 =	simm.s32 $0x108;
	s8 =	sld [smem:$0x3FB3]  }
0x2e: {  	s3 =	simm.s32 @!p0 $0x1082;
	s9 =	sld [smem:$0x3FB4]  }
0x2f: {  	lr =	sadd.s32 s0, s3;
	s0 =	sld [smem:$0x3FAB]  }
0x30: {  	s3 =	sld [smem:$0x3FAE]  }
0x31: {  	[smem:$0x3FB7] =	sst s10  }
0x32: {  	s10 =	sld [smem:$0x3FB5];
	_ =	sdelay $0x3  }
0x33: {  	p0 =	seq.s32 s10, $0x1;
	s10 =	sld [smem:$0x3FB7];
	_ =	sdelay $0x3  }
0x34: {  	[smem:$0x3FB7] =	sst s10  }
0x35: {  	s10 =	sld [smem:$0x3FB6];
	_ =	sdelay $0x3  }
0x36: {  	p1 =	seq.s32 s10, $0x1;
	s10 =	sld [smem:$0x3FB7];
	_ =	sdelay $0x3  }
0x37: {  	[smem:$0x3FB7] =	sst s10  }
0x38: {  	s10 =	sld [smem:$0x3FB8]  }
0x39: {  	_ = 	snop;
	(pc) =	sbr.ind lr, $3  }
0x3a: {  	_ = 	snop  }
0x3b: {  	_ = 	snop  }
0x3c: {  	p2 =	seq.s32 s10, $0x1;
	s10 =	sld [smem:$0x3FB7]  }
0x3d: {  	_ =	shalt  }
0x3e: {  	_ =	shalt  }
0x3f: {  	_ =	shalt  }
0x40: {  	_ =	shalt  }
0x41: {  	_ =	shalt  }
0x42: {  	_ =	shalt  }
0x43: {  	_ =	shalt  }
0x44: {  	_ =	shalt  }
0x45: {  	_ =	shalt  }
0x46: {  	_ =	shalt  }
0x47: {  	_ =	shalt  }
0x48: {  	_ =	shalt  }
0x49: {  	_ =	shalt  }
0x4a: {  	_ =	shalt  }
0x4b: {  	_ =	shalt  }
0x4c: {  	_ =	shalt  }
0x4d: {  	_ =	shalt  }
0x4e: {  	_ =	shalt  }
0x4f: {  	_ =	shalt  }
0x50: {  	_ =	shalt  }
0x51: {  	_ =	shalt  }
0x52: {  	_ =	shalt  }
0x53: {  	_ =	shalt  }
0x54: {  	_ =	shalt  }
0x55: {  	_ =	shalt  }
0x56: {  	_ =	shalt  }
0x57: {  	_ =	shalt  }
0x58: {  	_ =	shalt  }
0x59: {  	_ =	shalt  }
0x5a: {  	_ =	shalt  }
0x5b: {  	_ =	shalt  }
0x5c: {  	_ =	shalt  }
0x5d: {  	_ =	shalt  }
0x5e: {  	_ =	shalt  }
0x5f: {  	_ =	shalt  }
0x60: {  	_ =	shalt  }
0x61: {  	_ =	shalt  }
0x62: {  	_ =	shalt  }
0x63: {  	_ =	shalt  }
0x64: {  	_ =	shalt  }
0x65: {  	_ =	shalt  }
0x66: {  	_ =	shalt  }
0x67: {  	_ =	shalt  }
0x68: {  	_ =	shalt  }
0x69: {  	_ =	shalt  }
0x6a: {  	_ =	shalt  }
0x6b: {  	_ =	shalt  }
0x6c: {  	_ =	shalt  }
0x6d: {  	_ =	shalt  }
0x6e: {  	_ =	shalt  }
0x6f: {  	_ =	shalt  }
0x70: {  	_ =	shalt  }
0x71: {  	_ =	shalt  }
0x72: {  	_ =	shalt  }
0x73: {  	_ =	shalt  }
0x74: {  	_ =	shalt  }
0x75: {  	_ =	shalt  }
0x76: {  	_ =	shalt  }
0x77: {  	_ =	shalt  }
0x78: {  	_ =	shalt  }
0x79: {  	_ =	shalt  }
0x7a: {  	_ =	shalt  }
0x7b: {  	_ =	shalt  }
0x7c: {  	_ =	shalt  }
0x7d: {  	_ =	shalt  }
0x7e: {  	_ =	shalt  }
0x7f: {  	_ =	shalt  }
0x80: {  	_ =	shalt  }
0x81: {  	_ =	shalt  }
0x82: {  	_ =	shalt  }
0x83: {  	_ =	shalt  }
0x84: {  	_ =	shalt  }
0x85: {  	_ =	shalt  }
0x86: {  	_ =	shalt  }
0x87: {  	_ =	shalt  }
.Lfunc_end0:
.L_simem_size_0:
called_computation_lowered:
.L_overlay_start_0:
0x88: {  	s2 =	sld [smem:$0x3FD9]  }
0x89: {  	s3 =	sld [smem:$0x3FFE];
	_ =	sdelay $0x1  }
0x8a: {  	s1 =	srdreg.scid  }
0x8b: {  	s0 =	sand.u32 $0x1, s1  }
0x8c: {  	s17 =	sshll.u32 s0, $0xA;
	s2 =	sadd.s32 s3, s2  }
0x8d: {  	s2 =	sadd.s32 s2, s17  }
0x8e: {  	[smem:$0x3FC3] =	sst s2  }
0x8f: {  	_ = 	snop  }
0x90: {  	s2 =	sld [smem:$0x3FD0];
	(tm) =	ssettm $0x1  }
0x91: {  	s18 =	sld [smem:$0x3FFB];
	_ =	sdelay $0x3  }
0x92: {  	_ =	strace s18  }
0x93: {  	s3 =	sld [smem:$0x3FFC];
	_ =	sdelay $0x3  }
0x94: {  	_ =	strace s3  }
0x95: {  	s3 =	sld [smem:$0x3FFD];
	_ =	sdelay $0x3  }
0x96: {  	_ =	strace s3  }
0x97: {  	_ =	strace $0x8FFFFFFF  }
0x98: {  	s19 =	sld [smem:$0x3FDB];
	_ =	sdelay $0x1  }
0x99: {  	s4 =	simm.s32 $_scs_section_size  }
0x9a: {  	s5 =	simm.s32 $_size__tile_overlayer_lowered;
	s6 =	simm.s32 $_tile_overlayer_lowered  }
0x9b: {  	s22 =	simm.s32 $0x1BFF;
	s21 =	sshll.u32 s6, $0x1;
	s3 =	sadd.s32 s4, s19  }
0x9c: {  	s7 =	simm.s32 $0x0;
	s20 =	sshll.u32 s5, $0x1;
	s5 =	sadd.s32 s21, s3  }
0x9d: {  	[timem:s7], [sflag:s22] =	dma.local [hbm:s5], s20  }
0x9e: {  	_ =	swait.ge [sflag:s22], s20  }
0x9f: {  	s4 =	ssub.s32 $0x0, s20;
	[sflag:s22] =	ssyncset.done $0x0  }
0xa0: {  	[sflag:s22] =	ssyncadd.s32 s4;
	_ =	sdelay $0x1  }
0xa1: {  	s23 =	simm.s32 $0x1B8B  }
0xa2: {  	_ =	swait.ge [sflag:s23], $0x1  }
0xa3: {  	[sflag:s23] =	ssyncset.done $0x0  }
0xa4: {  	s25 =	simm.s32 $0x1B8E;
	s24 =	sld [smem:$0x3FFE];
	[sflag:s23] =	ssyncadd.s32 $0xFFFFFFFF  }
0xa5: {  	s26 =	simm.s32 $execute0_lowered;
	[smem:$0x3FD2] =	sst s25  }
0xa6: {  	s5 =	sshll.u32 s26, $0x1;
	_ =	strace $0x80000046;
	[dreg:$0x1] =	wrdreg $0xFFFFFFFF  }
0xa7: {  	s28 =	simm.s32 $_size_execute0_lowered;
	s3 =	sadd.s32 s3, s5;
	[dreg:$0x0] =	wrdreg $0x0  }
0xa8: {  	s5 =	sshll.u32 s28, $0x1;
	[dreg:$0x2] =	wrdreg s3  }
0xa9: {  	[dreg:$0x3] =	wrdreg s5  }
0xaa: {  	[dreg:$0x4] =	wrdreg $0xC0  }
0xab: {  	_ =	task [dreg:s7], $0x5FFFF  }
0xac: {  	[dreg:$0x1] =	wrdreg $0xFFFFFFFF  }
0xad: {  	[dreg:$0x0] =	wrdreg $0x60  }
0xae: {  	[dreg:$0x2] =	wrdreg s2  }
0xaf: {  	[dreg:$0x3] =	wrdreg s24  }
0xb0: {  	[dreg:$0x4] =	wrdreg $0x9  }
0xb1: {  	_ =	task.clear_ibuf [dreg:s7], $0x5FFFF;
	_ =	strace $0x90000046  }
0xb2: {  	s29 =	simm.s32 $0x9;
	_ =	strace $0x8000004F  }
0xb3: {  	_ =	swait.ge [sflag:s29], $0x1  }
0xb4: {  	[sflag:s29] =	ssyncadd.s32 $0xFFFFFFFF  }
0xb5: {  	_ =	strace $0x9000004F  }
0xb6: {  	_ =	sfence  }
0xb7: {  	s30 =	sld [smem:$0x0];
	_ =	sdelay $0x2  }
0xb8: {  	s31 =	sshll.u32 s1, $0xD;
	s1 =	sshrl.u32 s1, $0x2  }
0xb9: {  	s3 =	sand.u32 $0x4000, s31;
	s1 =	sadd.s32 s1, s30  }
0xba: {  	s0 =	sor.u32 s3, s0;
	s1 =	sshll.u32 s1, $0x11  }
0xbb: {  	s0 =	sor.u32 s1, s0  }
0xbc: {  	s0 =	sadd.s32 $0x8F2B, s0  }
0xbd: {  	[sflag:s0] =	ssyncadd.remote.s32 $0x1  }
0xbe: {  	_ =	sfence.sel $0xFFFF  }
0xbf: {  	[dreg:$0x0] =	wrdreg $0xFFFFFFFF;
	(pc) =	sbr.abs _section_cstart, $3  }
0xc0: {  	[dreg:$0x1] =	wrdreg $0xFFFFFFFF  }
0xc1: {  	_ =	task.clear_ibuf [dreg:s7], $0x2FFFF;
	_ =	strace $0x9FFFFFFF  }
0xc2: {  	(tm) =	ssettm $0x7FFFFFFF  }
0xc3: {  	_ =	shalt  }
tec
execute0_lowered:
.L_overlay_start_1:
0x0: {  	(tag) =	ssettag $0x1  }
0x1: {  	s1 =	rddreg [dreg:$0x0]  }
0x2: {  	s5 =	rddreg [dreg:$0x1]  }
0x3: {  	s0 =	rddreg [dreg:$0x2];
	s2 =	simm.s32 $0x0  }
0x4: {  	s3 =	srdreg.scid;
	s10 =	simm.s32 $0x5;
	s11 =	simm.s32 $0x0  }
0x5: {  	[smem:$0x7FF] =	sst s2;
	s6 =	sand.u32 $0x1, s3;
	s3 =	stileid.u32  }
0x6: {  	s4 =	sadd.s32 $0x1C00, s5;
	s7 =	sshll.u32 s6, $0x4;
	s6 =	ssub.s32 $0x2, s6  }
0x7: {  	s5 =	sadd.s32 $0xBC00, s5;
	s7 =	sor.u32 s3, s7;
	s8 =	sshrl.u32 s6, $0x1  }
0x8: {  	_ =	strace $0x80000047;
	s9 =	smul.u32 $0x500, s7;
	s8 =	ssub.s32 s6, s8  }
0x9: {  	[dreg:$0x3] =	wrdreg s5;
	s5 =	smul.u32 $0xA, s7;
	s7 =	smax.u32 s8, $0x1  }
0xa: {  	s8 =	simm.s32 $0x1;
	s6 =	sadd.s32 s4, s9;
	s9 =	simm.s32 $0x7D  }
.LBB2_1:
0xb: {  	_ =	strace $0x80000048;
	s12 =	simm.s32 $0x1;
	p0 =	por $0x0, $0x0  }
0xc: {  	[tilespmem:s2], [sflag:$0x2] =	stream.linear.gather [hbm4b:s6+s2], $0x400, $0x200038;
	[tilespmem:$0x8500] =	vst v63  }
0xd: {  	s12 =	simm.s32 @p0 $0x0  }
0xe: {  	p1 =	por $0x1, $0x1;
	p0 =	sne.s32 s12, $0x0  }
0xf: {  	p1 =	por !p1, !p0  }
0x10: {  	p1 =	por !p1, !p1  }
0x11: {  	s13 =	sadd.s32 @p1 s5, s12  }
0x12: {  	_ =	strace $0x90000048;
	s14 =	sand.u32 @p1 $0x1, s8;
	s13 =	sshll.u32 @p1 s13, $0x7  }
0x13: {  	s15 =	simm.s32 @p1 $0x0;
	_ =	strace @p1 $0x80000049;
	s13 =	sand.u32 @p1 $0x1FFFFF80, s13  }
0x14: {  	s16 =	sshll.u32 @p1 s14, $0xA;
	s14 =	sor.u32 @p1 $0x2, s14;
	s13 =	sadd.s32 @p1 s4, s13  }
0x15: {  	[tilespmem:s16], [sflag:s14] =	stream.linear.gather @p1 [hbm4b:s13+s15], $0x400, $0x200038;
	[tilespmem:$0x8500] =	vst v63  }
0x16: {  	s15 =	sand.u32 $0x1, s2;
	_ =	strace @p1 $0x90000049  }
0x17: {  	s16 =	sor.u32 $0x2, s15;
	_ =	strace $0x8000004A  }
0x18: {  	_ =	swait.ge [sflag:s16], $0x400  }
0x19: {  	s17 =	smul.u32 $0xFA00, s15;
	[sflag:s16] =	ssyncset.done $0x0  }
0x1a: {  	[sflag:s16] =	ssyncadd.s32 $0xFFFFFC00  }
0x1b: {  	s18 =	simm.s32 $0x0;
	s14 =	sshrl.u32 s17, $0x2;
	_ =	strace $0x9000004A  }
0x1c: {  	s13 =	sand.u32 $0x400, s18;
	s16 =	sadd.s32 $0x800, s14;
	_ =	strace $0x8000004B  }
0x1d: {  	[tilespmem:s16], [sflag:$0x1] =	stream.indirect.gather [hbm4b:s1+s9], $0x10, s13, s9, $0x2000b8;
	[tilespmem:$0x8500] =	vst v63  }
0x1e: {  	s18 =	sor.u32 $0x80, s13;
	s17 =	sadd.s32 $0xFD0, s14  }
0x1f: {  	[tilespmem:s17], [sflag:$0x1] =	stream.indirect.gather [hbm4b:s1+s9], $0x10, s18, s9, $0x2000b8;
	[tilespmem:$0x8500] =	vst v63  }
0x20: {  	s20 =	sor.u32 $0x100, s13;
	s19 =	sadd.s32 $0x17A0, s14  }
0x21: {  	[tilespmem:s19], [sflag:$0x1] =	stream.indirect.gather [hbm4b:s1+s9], $0x10, s20, s9, $0x2000b8;
	[tilespmem:$0x8500] =	vst v63  }
0x22: {  	s22 =	sor.u32 $0x180, s13;
	s21 =	sadd.s32 $0x1F70, s14  }
0x23: {  	[tilespmem:s21], [sflag:$0x1] =	stream.indirect.gather [hbm4b:s1+s9], $0x10, s22, s9, $0x2000b8;
	[tilespmem:$0x8500] =	vst v63  }
0x24: {  	s24 =	sor.u32 $0x200, s13;
	s23 =	sadd.s32 $0x2740, s14  }
0x25: {  	[tilespmem:s23], [sflag:$0x1] =	stream.indirect.gather [hbm4b:s1+s9], $0x10, s24, s9, $0x2000b8;
	[tilespmem:$0x8500] =	vst v63  }
0x26: {  	s26 =	sor.u32 $0x280, s13;
	s25 =	sadd.s32 $0x2F10, s14  }
0x27: {  	[tilespmem:s25], [sflag:$0x1] =	stream.indirect.gather [hbm4b:s1+s9], $0x10, s26, s9, $0x2000b8;
	[tilespmem:$0x8500] =	vst v63  }
0x28: {  	s31 =	sor.u32 $0x300, s13;
	s30 =	sadd.s32 $0x36E0, s14  }
0x29: {  	[tilespmem:s30], [sflag:$0x1] =	stream.indirect.gather [hbm4b:s1+s9], $0x10, s31, s9, $0x2000b8;
	[tilespmem:$0x8500] =	vst v63  }
0x2a: {  	s14 =	sadd.s32 $0x3EB0, s14;
	s13 =	sor.u32 $0x380, s13  }
0x2b: {  	[tilespmem:s14], [sflag:$0x1] =	stream.indirect.gather [hbm4b:s1+s9], $0x10, s13, s9, $0x2000b8;
	[tilespmem:$0x8500] =	vst v63  }
0x2c: {  	_ =	swait.ge [sflag:s8], $0x7D0  }
0x2d: {  	[sflag:s8] =	ssyncset.done $0x0  }
0x2e: {  	[sflag:s8] =	ssyncadd.s32 $0xFFFFF830  }
0x2f: {  	_ =	swait.ge [sflag:s8], $0x7D0  }
0x30: {  	[sflag:s8] =	ssyncset.done $0x0  }
0x31: {  	[sflag:s8] =	ssyncadd.s32 $0xFFFFF830  }
0x32: {  	_ =	swait.ge [sflag:s8], $0x7D0  }
0x33: {  	[sflag:s8] =	ssyncset.done $0x0  }
0x34: {  	[sflag:s8] =	ssyncadd.s32 $0xFFFFF830  }
0x35: {  	_ =	swait.ge [sflag:s8], $0x7D0  }
0x36: {  	[sflag:s8] =	ssyncset.done $0x0  }
0x37: {  	p2 =	por $0x1, $0x1;
	p3 =	por $0x0, $0x0;
	[sflag:s8] =	ssyncadd.s32 $0xFFFFF830  }
0x38: {  	p4 =	por $0x0, $0x0;
	p6 =	por $0x1, $0x1;
	_ =	swait.ge [sflag:s8], $0x7D0  }
0x39: {  	p5 =	por p3, p0;
	s17 =	simm.s32 $0x8;
	[sflag:s8] =	ssyncset.done $0x0  }
0x3a: {  	s19 =	sadd.s32 $0x0, s5;
	s20 =	sadd.s32 $0x1, s12;
	[sflag:s8] =	ssyncadd.s32 $0xFFFFF830  }
0x3b: {  	s22 =	smul.u32 @p5 $0x3E80, s19;
	s19 =	simm.s32 $0x0;
	_ =	swait.ge [sflag:s8], $0x7D0  }
0x3c: {  	s21 =	simm.s32 $0x0;
	s23 =	simm.s32 @p5 $0x0;
	[sflag:s8] =	ssyncset.done $0x0  }
0x3d: {  	s26 =	simm.s32 $0x1;
	s14 =	simm.s32 $0x1;
	[sflag:s8] =	ssyncadd.s32 $0xFFFFF830  }
0x3e: {  	s14 =	simm.s32 @!p1 $0x0;
	p1 =	por p2, p2;
	_ =	swait.ge [sflag:s8], $0x7D0  }
0x3f: {  	s18 =	sadd.s32 $0x1, s14;
	s14 =	sand.u32 @!p2 $0x1, s2;
	[sflag:s8] =	ssyncset.done $0x0  }
0x40: {  	s24 =	sor.u32 @!p1 $0x4, s14;
	s14 =	simm.s32 $0x1;
	[sflag:s8] =	ssyncadd.s32 $0xFFFFF830  }
0x41: {  	s14 =	simm.s32 @!p4 $0x0;
	p4 =	seq.s32 s20, $0xA;
	_ =	swait.ge [sflag:s8], $0x7D0  }
0x42: {  	s26 =	simm.s32 @!p5 $0x0;
	s20 =	simm.s32 @p4 $0x0;
	[sflag:s8] =	ssyncset.done $0x0  }
0x43: {  	s13 =	simm.s32 $0x9;
	p0 =	sne.s32 s12, s20;
	[sflag:s8] =	ssyncadd.s32 $0xFFFFF830  }
0x44: {  	p2 =	por $0x0, $0x0;
	p3 =	por !p6, !p0;
	_ =	strace $0x9000004B  }
0x45: {  	s14 =	sadd.s32 $0x0, s14;
	p4 =	por !p3, !p3;
	_ =	strace @p5 $0x8000004C  }
0x46: {  	s25 =	sand.u32 @p4 $0x1, s18;
	s29 =	sadd.s32 @p4 s5, s20;
	s28 =	rddreg [dreg:$0x3]  }
.LBB2_2:
0x47: {  	s30 =	sshrl.u32 @p5 s22, $0x3  }
0x48: {  	s15 =	sor.u32 @p5 $0x4, s15;
	s28 =	sadd.s32 @p5 s28, s30  }
0x49: {  	[hbm4b:s28+s23] =	stream.linear.scatter @p5 [tilespmem:s16], [sflag:s15], $0x3E80, $0x200038;
	[tilespmem:$0x8500] =	vst v63  }
0x4a: {  	_ =	strace @p5 $0x9000004C  }
0x4b: {  	s29 =	sshll.u32 @p4 s29, $0x7;
	_ =	strace @!p1 $0x8000004D  }
0x4c: {  	s19 =	sadd.s32 s26, s19;
	s21 =	sadd.s32 s26, s21;
	_ =	swait.ge @!p1 [sflag:s24], $0x3E80  }
0x4d: {  	s29 =	sand.u32 @p4 $0x1FFFFF80, s29;
	s15 =	simm.s32 $0x1;
	[sflag:s24] =	ssyncset.done @!p1 $0x0  }
0x4e: {  	s26 =	sadd.s32 @p4 s4, s29;
	s15 =	simm.s32 @!p4 $0x0;
	[sflag:s24] =	ssyncadd.s32 @!p1 $0xFFFFC180  }
0x4f: {  	s16 =	sshll.u32 @p4 s25, $0xA;
	s18 =	sadd.s32 s15, s18;
	_ =	strace @!p1 $0x9000004D  }
0x50: {  	s15 =	simm.s32 @p4 $0x0;
	s24 =	sor.u32 @p4 $0x2, s25;
	_ =	strace @p4 $0x80000049  }
0x51: {  	[tilespmem:s16], [sflag:s24] =	stream.linear.gather @p4 [hbm4b:s26+s15], $0x400, $0x200038;
	[tilespmem:$0x8500] =	vst v63  }
0x52: {  	s29 =	sand.u32 $0x1, s21;
	_ =	strace @p4 $0x90000049  }
0x53: {  	s25 =	sor.u32 $0x2, s29;
	_ =	strace $0x8000004A  }
0x54: {  	s15 =	sand.u32 $0x1, s19;
	_ =	swait.ge [sflag:s25], $0x400  }
0x55: {  	s26 =	smul.u32 $0xFA00, s15;
	[sflag:s25] =	ssyncset.done $0x0  }
0x56: {  	[sflag:s25] =	ssyncadd.s32 $0xFFFFFC00  }
0x57: {  	s28 =	sshll.u32 s21, $0xA;
	s24 =	sshrl.u32 s26, $0x2;
	_ =	strace $0x9000004A  }
0x58: {  	s16 =	sadd.s32 $0x800, s24;
	s25 =	sand.u32 $0x400, s28;
	_ =	strace $0x8000004B  }
0x59: {  	[tilespmem:s16], [sflag:$0x1] =	stream.indirect.gather [hbm4b:s1+s9], $0x10, s25, s9, $0x2000b8;
	[tilespmem:$0x8500] =	vst v63  }
0x5a: {  	s30 =	sadd.s32 $0xFD0, s24;
	s28 =	sor.u32 $0x80, s25  }
0x5b: {  	[tilespmem:s30], [sflag:$0x1] =	stream.indirect.gather [hbm4b:s1+s9], $0x10, s28, s9, $0x2000b8;
	[tilespmem:$0x8500] =	vst v63  }
0x5c: {  	s31 =	sadd.s32 $0x17A0, s24;
	s28 =	sor.u32 $0x100, s25  }
0x5d: {  	[tilespmem:s31], [sflag:$0x1] =	stream.indirect.gather [hbm4b:s1+s9], $0x10, s28, s9, $0x2000b8;
	[tilespmem:$0x8500] =	vst v63  }
0x5e: {  	s30 =	sadd.s32 $0x1F70, s24;
	s28 =	sor.u32 $0x180, s25  }
0x5f: {  	[tilespmem:s30], [sflag:$0x1] =	stream.indirect.gather [hbm4b:s1+s9], $0x10, s28, s9, $0x2000b8;
	[tilespmem:$0x8500] =	vst v63  }
0x60: {  	s31 =	sadd.s32 $0x2740, s24;
	s28 =	sor.u32 $0x200, s25  }
0x61: {  	[tilespmem:s31], [sflag:$0x1] =	stream.indirect.gather [hbm4b:s1+s9], $0x10, s28, s9, $0x2000b8;
	[tilespmem:$0x8500] =	vst v63  }
0x62: {  	s30 =	sadd.s32 $0x2F10, s24;
	s28 =	sor.u32 $0x280, s25  }
0x63: {  	[tilespmem:s30], [sflag:$0x1] =	stream.indirect.gather [hbm4b:s1+s9], $0x10, s28, s9, $0x2000b8;
	[tilespmem:$0x8500] =	vst v63  }
0x64: {  	s31 =	sadd.s32 $0x36E0, s24;
	s28 =	sor.u32 $0x300, s25  }
0x65: {  	[tilespmem:s31], [sflag:$0x1] =	stream.indirect.gather [hbm4b:s1+s9], $0x10, s28, s9, $0x2000b8;
	[tilespmem:$0x8500] =	vst v63  }
0x66: {  	s24 =	sadd.s32 $0x3EB0, s24;
	s25 =	sor.u32 $0x380, s25  }
0x67: {  	[tilespmem:s24], [sflag:$0x1] =	stream.indirect.gather [hbm4b:s1+s9], $0x10, s25, s9, $0x2000b8;
	[tilespmem:$0x8500] =	vst v63  }
0x68: {  	_ =	swait.ge [sflag:s8], $0x7D0  }
0x69: {  	[sflag:s8] =	ssyncset.done $0x0  }
0x6a: {  	[sflag:s8] =	ssyncadd.s32 $0xFFFFF830  }
0x6b: {  	_ =	swait.ge [sflag:s8], $0x7D0  }
0x6c: {  	[sflag:s8] =	ssyncset.done $0x0  }
0x6d: {  	[sflag:s8] =	ssyncadd.s32 $0xFFFFF830  }
0x6e: {  	_ =	swait.ge [sflag:s8], $0x7D0  }
0x6f: {  	[sflag:s8] =	ssyncset.done $0x0  }
0x70: {  	[sflag:s8] =	ssyncadd.s32 $0xFFFFF830  }
0x71: {  	_ =	swait.ge [sflag:s8], $0x7D0  }
0x72: {  	[sflag:s8] =	ssyncset.done $0x0  }
0x73: {  	[sflag:s8] =	ssyncadd.s32 $0xFFFFF830  }
0x74: {  	s22 =	smov.u32 s13;
	s13 =	smov.u32 s17;
	_ =	swait.ge [sflag:s8], $0x7D0  }
0x75: {  	s17 =	sadd.s32 $0xFFFFFFFF, s17;
	p6 =	seq.s32 s22, $0x1;
	[sflag:s8] =	ssyncset.done $0x0  }
0x76: {  	p5 =	sne.s32 s22, $0xA;
	s22 =	simm.s32 $0x1;
	[sflag:s8] =	ssyncadd.s32 $0xFFFFF830  }
0x77: {  	p3 =	sne.s32 s17, $0x0;
	s22 =	simm.s32 @!p5 $0x0;
	_ =	swait.ge [sflag:s8], $0x7D0  }
0x78: {  	s23 =	sand.u32 @!p2 $0x1, s14;
	s14 =	sadd.s32 s22, s14;
	[sflag:s8] =	ssyncset.done $0x0  }
0x79: {  	p1 =	por p2, p2;
	p2 =	seq.s32 s13, $0xA;
	[sflag:s8] =	ssyncadd.s32 $0xFFFFF830  }
0x7a: {  	s26 =	simm.s32 $0x1;
	s25 =	sadd.s32 s5, s12;
	_ =	swait.ge [sflag:s8], $0x7D0  }
0x7b: {  	s12 =	smov.u32 s20;
	s20 =	sadd.s32 $0x1, s20;
	[sflag:s8] =	ssyncset.done $0x0  }
0x7c: {  	s24 =	sor.u32 @!p1 $0x4, s23;
	p5 =	seq.s32 s20, $0xA;
	[sflag:s8] =	ssyncadd.s32 $0xFFFFF830  }
0x7d: {  	s20 =	simm.s32 @p5 $0x0;
	p5 =	por p6, p0;
	_ =	swait.ge [sflag:s8], $0x7D0  }
.Ltmp0:
0x7e: {  	p6 =	sne.s32 s13, $0x1;
	[sflag:s8] =	ssyncset.done $0x0;
	(pc) =	sbr.rel @p3 .LBB2_2-.Ltmp0, $4  }
0x7f: {  	p0 =	sne.s32 s12, s20;
	s23 =	simm.s32 @p5 $0x0;
	[sflag:s8] =	ssyncadd.s32 $0xFFFFF830  }
0x80: {  	s22 =	smul.u32 @p5 $0x3E80, s25;
	p4 =	por !p6, !p0;
	_ =	strace $0x9000004B  }
0x81: {  	s26 =	simm.s32 @!p5 $0x0;
	p4 =	por !p4, !p4;
	_ =	strace @p5 $0x8000004C  }
0x82: {  	s25 =	sand.u32 @p4 $0x1, s18;
	s29 =	sadd.s32 @p4 s5, s20;
	s28 =	rddreg [dreg:$0x3]  }
0x83: {  	s17 =	sshrl.u32 @p5 s22, $0x3  }
0x84: {  	s15 =	sor.u32 @p5 $0x4, s15;
	s17 =	sadd.s32 @p5 s28, s17  }
0x85: {  	[hbm4b:s17+s23] =	stream.linear.scatter @p5 [tilespmem:s16], [sflag:s15], $0x3E80, $0x200038;
	[tilespmem:$0x8500] =	vst v63  }
0x86: {  	_ =	strace @p5 $0x9000004C  }
0x87: {  	_ =	strace @!p1 $0x8000004D  }
0x88: {  	_ =	swait.ge @!p1 [sflag:s24], $0x3E80  }
0x89: {  	s18 =	sshll.u32 @p4 s25, $0xA;
	[sflag:s24] =	ssyncset.done @!p1 $0x0  }
0x8a: {  	s20 =	sor.u32 @p4 $0x2, s25;
	s15 =	sshll.u32 @p4 s29, $0x7;
	[sflag:s24] =	ssyncadd.s32 @!p1 $0xFFFFC180  }
0x8b: {  	s23 =	sadd.s32 s26, s21;
	s15 =	sand.u32 @p4 $0x1FFFFF80, s15;
	_ =	strace @!p1 $0x9000004D  }
0x8c: {  	s17 =	simm.s32 @p4 $0x0;
	s15 =	sadd.s32 @p4 s4, s15;
	_ =	strace @p4 $0x80000049  }
0x8d: {  	[tilespmem:s18], [sflag:s20] =	stream.linear.gather @p4 [hbm4b:s15+s17], $0x400, $0x200038;
	[tilespmem:$0x8500] =	vst v63  }
0x8e: {  	s25 =	sand.u32 $0x1, s23;
	_ =	strace @p4 $0x90000049  }
0x8f: {  	s28 =	sadd.s32 s26, s19;
	s29 =	sor.u32 $0x2, s25;
	_ =	strace $0x8000004A  }
0x90: {  	s15 =	sand.u32 $0x1, s28;
	_ =	swait.ge [sflag:s29], $0x400  }
0x91: {  	s17 =	smul.u32 $0xFA00, s15;
	[sflag:s29] =	ssyncset.done $0x0  }
0x92: {  	[sflag:s29] =	ssyncadd.s32 $0xFFFFFC00  }
0x93: {  	s16 =	sshll.u32 s23, $0xA;
	s17 =	sshrl.u32 s17, $0x2;
	_ =	strace $0x9000004A  }
0x94: {  	s16 =	sand.u32 $0x400, s16;
	s18 =	sadd.s32 $0x800, s17;
	_ =	strace $0x8000004B  }
0x95: {  	[tilespmem:s18], [sflag:$0x1] =	stream.indirect.gather [hbm4b:s1+s9], $0x10, s16, s9, $0x2000b8;
	[tilespmem:$0x8500] =	vst v63  }
0x96: {  	s31 =	sor.u32 $0x80, s16;
	s30 =	sadd.s32 $0xFD0, s17  }
0x97: {  	[tilespmem:s30], [sflag:$0x1] =	stream.indirect.gather [hbm4b:s1+s9], $0x10, s31, s9, $0x2000b8;
	[tilespmem:$0x8500] =	vst v63  }
0x98: {  	s22 =	sor.u32 $0x100, s16;
	s21 =	sadd.s32 $0x17A0, s17  }
0x99: {  	[tilespmem:s21], [sflag:$0x1] =	stream.indirect.gather [hbm4b:s1+s9], $0x10, s22, s9, $0x2000b8;
	[tilespmem:$0x8500] =	vst v63  }
0x9a: {  	s24 =	sor.u32 $0x180, s16;
	s23 =	sadd.s32 $0x1F70, s17  }
0x9b: {  	[tilespmem:s23], [sflag:$0x1] =	stream.indirect.gather [hbm4b:s1+s9], $0x10, s24, s9, $0x2000b8;
	[tilespmem:$0x8500] =	vst v63  }
0x9c: {  	s26 =	sor.u32 $0x200, s16;
	s25 =	sadd.s32 $0x2740, s17  }
0x9d: {  	[tilespmem:s25], [sflag:$0x1] =	stream.indirect.gather [hbm4b:s1+s9], $0x10, s26, s9, $0x2000b8;
	[tilespmem:$0x8500] =	vst v63  }
0x9e: {  	s28 =	sadd.s32 $0x2F10, s17;
	s29 =	sor.u32 $0x280, s16  }
0x9f: {  	[tilespmem:s28], [sflag:$0x1] =	stream.indirect.gather [hbm4b:s1+s9], $0x10, s29, s9, $0x2000b8;
	[tilespmem:$0x8500] =	vst v63  }
0xa0: {  	s30 =	sadd.s32 $0x36E0, s17;
	s31 =	sor.u32 $0x300, s16  }
0xa1: {  	[tilespmem:s30], [sflag:$0x1] =	stream.indirect.gather [hbm4b:s1+s9], $0x10, s31, s9, $0x2000b8;
	[tilespmem:$0x8500] =	vst v63  }
0xa2: {  	s17 =	sadd.s32 $0x3EB0, s17;
	s16 =	sor.u32 $0x380, s16  }
0xa3: {  	[tilespmem:s17], [sflag:$0x1] =	stream.indirect.gather [hbm4b:s1+s9], $0x10, s16, s9, $0x2000b8;
	[tilespmem:$0x8500] =	vst v63  }
0xa4: {  	_ =	swait.ge [sflag:s8], $0x7D0  }
0xa5: {  	[sflag:s8] =	ssyncset.done $0x0  }
0xa6: {  	[sflag:s8] =	ssyncadd.s32 $0xFFFFF830  }
0xa7: {  	_ =	swait.ge [sflag:s8], $0x7D0  }
0xa8: {  	[sflag:s8] =	ssyncset.done $0x0  }
0xa9: {  	[sflag:s8] =	ssyncadd.s32 $0xFFFFF830  }
0xaa: {  	_ =	swait.ge [sflag:s8], $0x7D0  }
0xab: {  	[sflag:s8] =	ssyncset.done $0x0  }
0xac: {  	[sflag:s8] =	ssyncadd.s32 $0xFFFFF830  }
0xad: {  	_ =	swait.ge [sflag:s8], $0x7D0  }
0xae: {  	[sflag:s8] =	ssyncset.done $0x0  }
0xaf: {  	[sflag:s8] =	ssyncadd.s32 $0xFFFFF830  }
0xb0: {  	_ =	swait.ge [sflag:s8], $0x7D0  }
0xb1: {  	[sflag:s8] =	ssyncset.done $0x0  }
0xb2: {  	[sflag:s8] =	ssyncadd.s32 $0xFFFFF830  }
0xb3: {  	_ =	swait.ge [sflag:s8], $0x7D0  }
0xb4: {  	[sflag:s8] =	ssyncset.done $0x0  }
0xb5: {  	[sflag:s8] =	ssyncadd.s32 $0xFFFFF830  }
0xb6: {  	_ =	swait.ge [sflag:s8], $0x7D0  }
0xb7: {  	[sflag:s8] =	ssyncset.done $0x0  }
0xb8: {  	[sflag:s8] =	ssyncadd.s32 $0xFFFFF830  }
0xb9: {  	_ =	swait.ge [sflag:s8], $0x7D0  }
0xba: {  	p6 =	seq.s32 s13, $0x1;
	[sflag:s8] =	ssyncset.done $0x0  }
0xbb: {  	s12 =	sadd.s32 s5, s12;
	p0 =	por p6, p0;
	[sflag:s8] =	ssyncadd.s32 $0xFFFFF830  }
0xbc: {  	s12 =	smul.u32 @p0 $0x3E80, s12;
	_ =	strace $0x9000004B  }
0xbd: {  	_ =	strace @p0 $0x8000004C  }
0xbe: {  	s12 =	sshrl.u32 @p0 s12, $0x3;
	s13 =	rddreg [dreg:$0x3]  }
0xbf: {  	s15 =	sor.u32 @p0 $0x4, s15;
	s16 =	simm.s32 @p0 $0x0;
	s12 =	sadd.s32 @p0 s13, s12  }
0xc0: {  	[hbm4b:s12+s16] =	stream.linear.scatter @p0 [tilespmem:s18], [sflag:s15], $0x3E80, $0x200038;
	[tilespmem:$0x8500] =	vst v63  }
0xc1: {  	p1 =	por p2, p2;
	s12 =	sand.u32 @!p2 $0x1, s14;
	_ =	strace @p0 $0x9000004C  }
0xc2: {  	s12 =	sor.u32 @!p1 $0x4, s12;
	_ =	strace @!p1 $0x8000004D  }
0xc3: {  	_ =	swait.ge @!p1 [sflag:s12], $0x3E80  }
0xc4: {  	[sflag:s12] =	ssyncset.done @!p1 $0x0  }
0xc5: {  	s11 =	sadd.s32 $0x1, s11;
	[sflag:s12] =	ssyncadd.s32 @!p1 $0xFFFFC180  }
0xc6: {  	p0 =	sne.s32 s11, s7;
	_ =	strace @!p1 $0x9000004D  }
.Ltmp1:
0xc7: {  	_ =	strace $0x8000004E;
	(pc) =	sbr.rel @p0 .LBB2_1-.Ltmp1, $4  }
0xc8: {  	_ =	swait.ge [sflag:s10], $0x3E80  }
0xc9: {  	[sflag:s10] =	ssyncset.done $0x0  }
0xca: {  	[sflag:s10] =	ssyncadd.s32 $0xFFFFC180  }
0xcb: {  	_ =	strace $0x9000004E  }
0xcc: {  	_ =	sfence.sel $0x180000  }
0xcd: {  	[bflag:$0x0] =	sbarrier.arrive $0xFFFF  }
0xce: {  	p0 =	sne.s32 s3, $0x0;
	_ =	strace $0x90000047  }
0xcf: {  	s0 =	sadd.s32 @!p0 $0x100000, s0;
	[bflag:$0x2] =	sbarrier.arrive $0xFFFF  }
0xd0: {  	[sflag:s0] =	ssyncadd.tile.s32 @!p0 $0x1;
	_ =	shalt  }
.Lfunc_end2:
_tile_overlayer_lowered:
.L_overlay_start_2:
0xd1: {  	(tag) =	ssettag $0x2  }
0xd2: {  	s0 =	rddreg [dreg:$0x0];
	s2 =	stileid.u32  }
0xd3: {  	s1 =	rddreg [dreg:$0x1];
	p0 =	sne.s32 s2, $0x0  }
0xd4: {  	s3 =	rddreg [dreg:$0x2];
	[bflag:$0x3] =	sbarrier.arrive $0xFFFF;
	s2 =	simm.s32 @!p0 $0x1C02  }
0xd5: {  	[timem:s3], [sflag:s2] =	dma.local @!p0 [hbm:s0], s1  }
0xd6: {  	s0 =	simm.s32 @!p0 $0x2  }
0xd7: {  	_ =	swait.ge @!p0 [sflag:s0], s1  }
0xd8: {  	s1 =	ssub.s32 @!p0 $0x0, s1;
	[sflag:s0] =	ssyncset.done @!p0 $0x0  }
0xd9: {  	[sflag:s0] =	ssyncadd.s32 @!p0 s1  }
0xda: {  	[bflag:$0x3] =	sbarrier.arrive $0xFFFF  }
0xdb: {  	_ =	shalt  }

</sc_bundles>
